<compile_context>
chip_gen: v7x
topology: tpu7x:2x2x1
jax: 0.10.2.dev20260603
libtpu: 0.0.44.dev20260713+nightly
codegen_flags: <defaults>
</compile_context>

<pallas_src>
import functools

import jax
import jax.numpy as jnp
from jax import lax
from jax.experimental import pallas as pl
from jax.experimental.pallas import tpu as pltpu
from jax.experimental.pallas import tpu_sc as plsc

_N0, _N1, _N2 = 50000, 10000, 1000
_E0, _E1 = 160000, 16000
_D_IN, _D_HID, _D_OUT = 256, 128, 64

_NC, _NS = 2, 16
_BATCH = 128
_CW = 16
_R = 4


def _make_seg_sum(e_pad, dh, s_pad):
    nb = e_pad // (_NS * _BATCH)
    zr = s_pad // _NS
    zc = min(_BATCH, zr)
    mesh = plsc.VectorSubcoreMesh(core_axis_name="c", subcore_axis_name="s")

    @functools.partial(
        pl.kernel,
        mesh=mesh,
        compiler_params=pltpu.CompilerParams(use_tc_tiling_on_sc=False),
        out_type=[
            jax.ShapeDtypeStruct((_NC, s_pad, dh), jnp.float32),
            jax.ShapeDtypeStruct((_NC, s_pad, _CW), jnp.float32),
        ],
        scratch_types=[
            pltpu.VMEM((nb, _BATCH), jnp.int32),
            pltpu.VMEM((nb, _BATCH), jnp.int32),
            pltpu.VMEM((_R, _BATCH, dh), jnp.float32),
            pltpu.VMEM((_BATCH, _CW), jnp.float32),
            pltpu.VMEM((_BATCH, _CW), jnp.float32),
            [pltpu.SemaphoreType.DMA] * _R,
            [pltpu.SemaphoreType.DMA] * _R,
            pltpu.SemaphoreType.DMA,
            pltpu.VMEM_SHARED((s_pad, dh), jnp.float32),
            pltpu.VMEM_SHARED((s_pad, _CW), jnp.float32),
        ],
    )
    def seg_kernel(table, src, dst, zeros_d, zeros_c, ones_c, acc_out, cnt_out,
                   src_v, dst_v, rows_v, ones_v, zc_v, gsems, ssems, csem,
                   acc_sh, cnt_sh):
        c = lax.axis_index("c")
        s = lax.axis_index("s")
        pltpu.sync_copy(zeros_d, rows_v.at[0])
        pltpu.sync_copy(zeros_c, zc_v)
        pltpu.sync_copy(ones_c, ones_v)
        for t in range(zr // zc):
            r0 = s * zr + t * zc
            pltpu.sync_copy(rows_v.at[0, pl.ds(0, zc)], acc_sh.at[pl.ds(r0, zc)])
            pltpu.sync_copy(zc_v.at[pl.ds(0, zc)], cnt_sh.at[pl.ds(r0, zc)])
        plsc.subcore_barrier()
        base = s * nb
        pltpu.sync_copy(src.at[c, pl.ds(base, nb)], src_v)
        pltpu.sync_copy(dst.at[c, pl.ds(base, nb)], dst_v)
        tbl = table
        pltpu.async_copy(tbl.at[src_v.at[0]], rows_v.at[0], gsems[0])
        pltpu.async_copy(tbl.at[src_v.at[1]], rows_v.at[1], gsems[1])
        pltpu.async_copy(tbl.at[src_v.at[2]], rows_v.at[2], gsems[2])

        def body(g, carry):
            for r in range(_R):
                j = _R * g + r
                jj = j + 3
                rr = (r + 3) % _R

                @pl.when(jj < nb)
                def _():
                    @pl.when(jj >= _R)
                    def _():
                        pltpu.make_async_copy(
                            rows_v.at[rr], acc_sh.at[dst_v.at[jj - _R]],
                            ssems[rr]).wait()
                    pltpu.async_copy(
                        tbl.at[src_v.at[jj]], rows_v.at[rr], gsems[rr])

                pltpu.make_async_copy(
                    tbl.at[src_v.at[j]], rows_v.at[r], gsems[r]).wait()
                pltpu.async_copy(rows_v.at[r], acc_sh.at[dst_v.at[j]],
                                 ssems[r], add=True)

                @pl.when(j < nb // 2)
                def _():
                    pltpu.async_copy(ones_v, cnt_sh.at[dst_v.at[j]], csem,
                                     add=True)
            return carry

        lax.fori_loop(0, nb // _R, body, 0)
        for r in range(_R):
            pltpu.make_async_copy(
                rows_v.at[r], acc_sh.at[dst_v.at[nb - _R + r]],
                ssems[r]).wait()
        for _ in range(nb // 2):
            pltpu.make_async_copy(ones_v, cnt_sh.at[dst_v.at[0]], csem).wait()
        plsc.subcore_barrier()
        r0 = s * zr
        pltpu.sync_copy(acc_sh.at[pl.ds(r0, zr)], acc_out.at[c, pl.ds(r0, zr)])
        pltpu.sync_copy(cnt_sh.at[pl.ds(r0, zr)], cnt_out.at[c, pl.ds(r0, zr)])

    return seg_kernel


def _matmul(x, w):
    n, k = x.shape
    bm = 2000

    def mk(x_ref, w_ref, o_ref):
        o_ref[...] = jnp.dot(x_ref[...], w_ref[...],
                             preferred_element_type=jnp.float32)

    return pl.pallas_call(
        mk,
        grid=(n // bm,),
        in_specs=[pl.BlockSpec((bm, k), lambda i: (i, 0)),
                  pl.BlockSpec((k, _D_HID), lambda i: (0, 0))],
        out_specs=pl.BlockSpec((bm, _D_HID), lambda i: (i, 0)),
        out_shape=jax.ShapeDtypeStruct((n, _D_HID), jnp.float32),
    )(x, w)


def _mid(acc, cnt, b0, w1a, w1b):
    s_pad = acc.shape[1]
    bm = 1024
    h = _D_OUT // 2

    def mk(a_ref, c_ref, b0r, wa, wb, o):
        inv = 1.0 / jnp.maximum(c_ref[0, :, 0:1] + c_ref[1, :, 0:1], 1.0)
        a = (jnp.concatenate([a_ref[0], a_ref[1]], axis=1) * inv + b0r[...])
        res = (jnp.dot(a, wa[...], preferred_element_type=jnp.float32)
               + jnp.dot(jnp.maximum(a, 0.0), wb[...],
                         preferred_element_type=jnp.float32))
        o[...] = jnp.concatenate(
            [res, jnp.zeros((bm, _D_HID - _D_OUT), jnp.float32)], axis=1)

    return pl.pallas_call(
        mk,
        grid=(s_pad // bm,),
        in_specs=[pl.BlockSpec((2, bm, _D_HID // 2), lambda i: (0, i, 0)),
                  pl.BlockSpec((2, bm, _CW), lambda i: (0, i, 0)),
                  pl.BlockSpec((1, _D_HID), lambda i: (0, 0)),
                  pl.BlockSpec((_D_HID, _D_OUT), lambda i: (0, 0)),
                  pl.BlockSpec((_D_HID, _D_OUT), lambda i: (0, 0))],
        out_specs=pl.BlockSpec((bm, _D_HID), lambda i: (i, 0)),
        out_shape=jax.ShapeDtypeStruct((s_pad, _D_HID), jnp.float32),
    )(acc, cnt, b0, w1a, w1b)


def _fin(acc, cnt, b1):
    s_pad = acc.shape[1]

    def mk(a_ref, c_ref, b1r, o):
        inv = 1.0 / jnp.maximum(c_ref[0, :, 0:1] + c_ref[1, :, 0:1], 1.0)
        res = (jnp.concatenate([a_ref[0], a_ref[1]], axis=1) * inv + b1r[...])
        o[...] = res[:_N2]

    return pl.pallas_call(
        mk,
        grid=(1,),
        in_specs=[pl.BlockSpec((2, s_pad, _D_OUT // 2), lambda i: (0, 0, 0)),
                  pl.BlockSpec((2, s_pad, _CW), lambda i: (0, 0, 0)),
                  pl.BlockSpec((1, _D_OUT), lambda i: (0, 0))],
        out_specs=pl.BlockSpec((_N2, _D_OUT), lambda i: (0, 0)),
        out_shape=jax.ShapeDtypeStruct((_N2, _D_OUT), jnp.float32),
    )(acc, cnt, b1)


_E0_PAD = 163840
_E1_PAD = 16384
_S0_PAD = 10240
_S1_PAD = 1024


@functools.lru_cache(maxsize=None)
def _seg_sum(e_pad, dh, s_pad):
    return _make_seg_sum(e_pad, dh, s_pad)


def _pad_edges(src, dst, e, e_pad, dummy_dst, stride):
    nbt = e_pad // _BATCH
    roll = e_pad // (2 * _NS)
    srcp = jnp.concatenate([src, jnp.zeros((e_pad - e,), jnp.int32)])
    dstp = jnp.concatenate([dst, jnp.full((e_pad - e,), dummy_dst, jnp.int32)])
    srcq = jnp.stack([stride * srcp,
                      jnp.roll(stride * srcp + 1, roll)]).reshape(
        2, nbt, _BATCH)
    dstq = jnp.stack([dstp, jnp.roll(dstp, roll)]).reshape(2, nbt, _BATCH)
    return srcq, dstq


def kernel(features, src0, dst0, src1, dst1, W0, b0, W1, b1):
    src0q, dst0p = _pad_edges(src0, dst0, _E0, _E0_PAD, _N1, 2)
    src1q, dst1p = _pad_edges(src1, dst1, _E1, _E1_PAD, _N2, 4)
    zeros_h = jnp.zeros((_BATCH, _D_HID // 2), jnp.float32)
    zeros_o = jnp.zeros((_BATCH, _D_OUT // 2), jnp.float32)
    zeros_c = jnp.zeros((_BATCH, _CW), jnp.float32)
    ones_c = jnp.ones((_BATCH, _CW), jnp.float32)

    f = _matmul(features, W0)
    tbl0 = f.reshape(2 * _N0, _D_HID // 2)
    acc0, cnt0 = _seg_sum(_E0_PAD, _D_HID // 2, _S0_PAD)(
        tbl0, src0q, dst0p, zeros_h, zeros_c, ones_c)
    g = _mid(acc0, cnt0, b0.reshape(1, _D_HID),
             W1[:_D_HID], W1[_D_HID:])
    tbl1 = g.reshape(4 * _S0_PAD, _D_OUT // 2)
    acc1, cnt1 = _seg_sum(_E1_PAD, _D_OUT // 2, _S1_PAD)(
        tbl1, src1q, dst1p, zeros_o, zeros_c, ones_c)
    return _fin(acc1, cnt1, b1.reshape(1, _D_OUT))

# --- scband reference (transcript-rebuilt; emitter-appended) ---
"""Pipeline reference for scband-gcnsampling-317827580054 (READ-ONLY COPY).

The authoritative reference and input builder live on the scoring server;
editing this copy changes nothing except your own understanding.
"""

import jax, jax.numpy as jnp
import numpy as np

N0, N1, N2 = 50000, 10000, 1000
E0, E1 = 160000, 16000
D_IN, D_HID, D_OUT = 256, 128, 64


def setup_inputs(seed: int = 0) -> dict:
    key = jax.random.key(seed)
    ks = jax.random.split(key, 9)
    features = jax.random.normal(ks[0], (N0, D_IN), dtype=jnp.float32)
    src0 = jax.random.randint(ks[1], (E0,), 0, N0, dtype=jnp.int32)
    dst0 = jnp.sort(jax.random.randint(ks[2], (E0,), 0, N1, dtype=jnp.int32))
    src1 = jax.random.randint(ks[3], (E1,), 0, N1, dtype=jnp.int32)
    dst1 = jnp.sort(jax.random.randint(ks[4], (E1,), 0, N2, dtype=jnp.int32))
    W0 = jax.random.normal(ks[5], (D_IN, D_HID), dtype=jnp.float32) * 0.05
    b0 = jnp.zeros((D_HID,), dtype=jnp.float32)
    W1 = jax.random.normal(ks[6], (2 * D_HID, D_OUT), dtype=jnp.float32) * 0.05
    b1 = jnp.zeros((D_OUT,), dtype=jnp.float32)
    return {"features": features, "src0": src0, "dst0": dst0, "src1": src1, "dst1": dst1,
            "W0": W0, "b0": b0, "W1": W1, "b1": b1}


def _mean_aggregate(h, src, dst, num_dst):
    # DGL block_compute with copy_src + mailbox mean == segment-mean of gathered src features over dst
    msg = jnp.take(h, src, axis=0)
    agg = jax.ops.segment_sum(msg, dst, num_segments=num_dst)
    cnt = jax.ops.segment_sum(jnp.ones((src.shape[0], 1), h.dtype), dst, num_segments=num_dst)
    return agg / jnp.maximum(cnt, 1.0)


def reference(features, src0, dst0, src1, dst1, W0, b0, W1, b1):
    # GCNSampling with n_layers=1, dropout=0.0 (identity), activation=relu
    # layer 0: NodeUpdate(in_feats, n_hidden, relu, concat=True)
    h = features
    h1 = _mean_aggregate(h, src0, dst0, N1)
    h1 = h1 @ W0 + b0
    h1 = jnp.concatenate([h1, jax.nn.relu(h1)], axis=1)
    # layer 1: NodeUpdate(2*n_hidden, n_classes, activation=None)
    h2 = _mean_aggregate(h1, src1, dst1, N2)
    out = h2 @ W1 + b1
    return out

if __name__ == "__main__":
    import jax
    _d = setup_inputs()
    print(jax.jit(kernel)(*tuple(_d.values())))

</pallas_src>

<mosaic_0001>
#map = affine_map<(d0, d1) -> (0, 0)>
#map1 = affine_map<(d0, d1) -> (0, 0, 0)>
module attributes {stable_mosaic.version = 14 : i64} {
  func.func @seg_kernel(%arg0: i32, %arg1: i32, %arg2: memref<40960x32xf32, #tpu.memory_space<hbm>>, %arg3: memref<2x128x128xi32, #tpu.memory_space<hbm>>, %arg4: memref<2x128x128xi32, #tpu.memory_space<hbm>>, %arg5: memref<128x32xf32, #tpu.memory_space<hbm>>, %arg6: memref<128x16xf32, #tpu.memory_space<hbm>>, %arg7: memref<128x16xf32, #tpu.memory_space<hbm>>, %arg8: memref<2x1024x32xf32, #tpu.memory_space<hbm>>, %arg9: memref<2x1024x16xf32, #tpu.memory_space<hbm>>, %arg10: memref<8x128xi32, #tpu.memory_space<vmem>>, %arg11: memref<8x128xi32, #tpu.memory_space<vmem>>, %arg12: memref<4x128x32xf32, #tpu.memory_space<vmem>>, %arg13: memref<128x16xf32, #tpu.memory_space<vmem>>, %arg14: memref<128x16xf32, #tpu.memory_space<vmem>>, %arg15: memref<!tpu.dma_semaphore, #tpu.memory_space<semaphore_mem>>, %arg16: memref<!tpu.dma_semaphore, #tpu.memory_space<semaphore_mem>>, %arg17: memref<!tpu.dma_semaphore, #tpu.memory_space<semaphore_mem>>, %arg18: memref<!tpu.dma_semaphore, #tpu.memory_space<semaphore_mem>>, %arg19: memref<!tpu.dma_semaphore, #tpu.memory_space<semaphore_mem>>, %arg20: memref<!tpu.dma_semaphore, #tpu.memory_space<semaphore_mem>>, %arg21: memref<!tpu.dma_semaphore, #tpu.memory_space<semaphore_mem>>, %arg22: memref<!tpu.dma_semaphore, #tpu.memory_space<semaphore_mem>>, %arg23: memref<!tpu.dma_semaphore, #tpu.memory_space<semaphore_mem>>, %arg24: memref<1024x32xf32, #tpu.memory_space<vmem_shared>>, %arg25: memref<1024x16xf32, #tpu.memory_space<vmem_shared>>) attributes {dimension_semantics = [#tpu.dimension_semantics<core_parallel>, #tpu.dimension_semantics<subcore_parallel>], iteration_bounds = array<i64: 2, 16>, scalar_prefetch = 0 : i64, scratch_operands = 16 : i64, tpu.core_type = #tpu.core_type<sc_vector_subcore>, window_params = [{transform_indices = #map}, {transform_indices = #map1}, {transform_indices = #map1}, {transform_indices = #map}, {transform_indices = #map}, {transform_indices = #map}, {transform_indices = #map1}, {transform_indices = #map1}]} {
    %run_scoped3A = arith.constant 0 : i32
    "tpu.region"() ({
      %run_scoped3A_123 = tpu.sem_alloc : memref<!tpu.dma_semaphore, #tpu.memory_space<semaphore_mem>>
      %dma_start3A_124 = arith.constant 0 : i32
      %dma_start3A_125 = arith.constant 0 : i32
      %dma_start3A_126 = tpu.memref_slice %arg12[%run_scoped3A, %dma_start3A_124, %dma_start3A_125] : memref<4x128x32xf32, #tpu.memory_space<vmem>> -> memref<1x128x32xf32, #tpu.memory_space<vmem>>
      %dma_start3A_127 = tpu.memref_squeeze %dma_start3A_126 : memref<1x128x32xf32, #tpu.memory_space<vmem>> -> memref<128x32xf32, #tpu.memory_space<vmem>>
      %dma_start3A_128 = arith.constant 0 : i32
      %dma_start3A_129 = arith.constant 0 : i32
      %dma_start3A_130 = tpu.memref_slice %arg12[%run_scoped3A, %dma_start3A_128, %dma_start3A_129] : memref<4x128x32xf32, #tpu.memory_space<vmem>> -> memref<1x128x32xf32, #tpu.memory_space<vmem>>
      %dma_start3A_131 = tpu.memref_squeeze %dma_start3A_130 : memref<1x128x32xf32, #tpu.memory_space<vmem>> -> memref<128x32xf32, #tpu.memory_space<vmem>>
      tpu.enqueue_dma source(%arg5 : memref<128x32xf32, #tpu.memory_space<hbm>>) target(%dma_start3A_131 : memref<128x32xf32, #tpu.memory_space<vmem>>) target_semaphore(%run_scoped3A_123 : memref<!tpu.dma_semaphore, #tpu.memory_space<semaphore_mem>>)
      %dma_wait3A_132 = arith.constant 0 : i32
      %dma_wait3A_133 = arith.constant 0 : i32
      %dma_wait3A_134 = tpu.memref_slice %arg12[%run_scoped3A, %dma_wait3A_132, %dma_wait3A_133] : memref<4x128x32xf32, #tpu.memory_space<vmem>> -> memref<1x128x32xf32, #tpu.memory_space<vmem>>
      %dma_wait3A_135 = tpu.memref_squeeze %dma_wait3A_134 : memref<1x128x32xf32, #tpu.memory_space<vmem>> -> memref<128x32xf32, #tpu.memory_space<vmem>>
      %dma_wait3A_136 = arith.constant 0 : i32
      %dma_wait3A_137 = arith.constant 0 : i32
      %dma_wait3A_138 = tpu.memref_slice %arg12[%run_scoped3A, %dma_wait3A_136, %dma_wait3A_137] : memref<4x128x32xf32, #tpu.memory_space<vmem>> -> memref<1x128x32xf32, #tpu.memory_space<vmem>>
      %dma_wait3A_139 = tpu.memref_squeeze %dma_wait3A_138 : memref<1x128x32xf32, #tpu.memory_space<vmem>> -> memref<128x32xf32, #tpu.memory_space<vmem>>
      tpu.wait_dma2 semaphore(%run_scoped3A_123 : memref<!tpu.dma_semaphore, #tpu.memory_space<semaphore_mem>>) src(%arg5 : memref<128x32xf32, #tpu.memory_space<hbm>>) dst(%dma_wait3A_139 : memref<128x32xf32, #tpu.memory_space<vmem>>)
      tpu.yield
    }) : () -> ()
    "tpu.region"() ({
      %run_scoped3A_123 = tpu.sem_alloc : memref<!tpu.dma_semaphore, #tpu.memory_space<semaphore_mem>>
      tpu.enqueue_dma source(%arg6 : memref<128x16xf32, #tpu.memory_space<hbm>>) target(%arg14 : memref<128x16xf32, #tpu.memory_space<vmem>>) target_semaphore(%run_scoped3A_123 : memref<!tpu.dma_semaphore, #tpu.memory_space<semaphore_mem>>)
      tpu.wait_dma2 semaphore(%run_scoped3A_123 : memref<!tpu.dma_semaphore, #tpu.memory_space<semaphore_mem>>) src(%arg6 : memref<128x16xf32, #tpu.memory_space<hbm>>) dst(%arg14 : memref<128x16xf32, #tpu.memory_space<vmem>>)
      tpu.yield
    }) : () -> ()
    "tpu.region"() ({
      %run_scoped3A_123 = tpu.sem_alloc : memref<!tpu.dma_semaphore, #tpu.memory_space<semaphore_mem>>
      tpu.enqueue_dma source(%arg7 : memref<128x16xf32, #tpu.memory_space<hbm>>) target(%arg13 : memref<128x16xf32, #tpu.memory_space<vmem>>) target_semaphore(%run_scoped3A_123 : memref<!tpu.dma_semaphore, #tpu.memory_space<semaphore_mem>>)
      tpu.wait_dma2 semaphore(%run_scoped3A_123 : memref<!tpu.dma_semaphore, #tpu.memory_space<semaphore_mem>>) src(%arg7 : memref<128x16xf32, #tpu.memory_space<hbm>>) dst(%arg13 : memref<128x16xf32, #tpu.memory_space<vmem>>)
      tpu.yield
    }) : () -> ()
    %mul3A = arith.constant 64 : i32
    %mul3A_0 = arith.muli %arg1, %mul3A : i32
    %add3A = arith.constant 0 : i32
    %add3A_1 = arith.addi %mul3A_0, %add3A : i32
    %run_scoped3A_2 = arith.constant 0 : i32
    "tpu.region"() ({
      %run_scoped3A_123 = tpu.sem_alloc : memref<!tpu.dma_semaphore, #tpu.memory_space<semaphore_mem>>
      %dma_start3A_124 = arith.constant 0 : i32
      %dma_start3A_125 = arith.constant 0 : i32
      %dma_start3A_126 = tpu.memref_slice %arg12[%run_scoped3A_2, %dma_start3A_124, %dma_start3A_125] : memref<4x128x32xf32, #tpu.memory_space<vmem>> -> memref<1x64x32xf32, #tpu.memory_space<vmem>>
      %dma_start3A_127 = tpu.memref_squeeze %dma_start3A_126 : memref<1x64x32xf32, #tpu.memory_space<vmem>> -> memref<64x32xf32, #tpu.memory_space<vmem>>
      %dma_start3A_128 = arith.constant 0 : i32
      %dma_start3A_129 = tpu.memref_slice %arg24[%add3A_1, %dma_start3A_128] : memref<1024x32xf32, #tpu.memory_space<vmem_shared>> -> memref<64x32xf32, #tpu.memory_space<vmem_shared>>
      %dma_start3A_130 = arith.constant 0 : i32
      %dma_start3A_131 = tpu.memref_slice %arg24[%add3A_1, %dma_start3A_130] : memref<1024x32xf32, #tpu.memory_space<vmem_shared>> -> memref<64x32xf32, #tpu.memory_space<vmem_shared>>
      %dma_start3A_132 = arith.constant 0 : i32
      %dma_start3A_133 = arith.constant 0 : i32
      %dma_start3A_134 = tpu.memref_slice %arg12[%run_scoped3A_2, %dma_start3A_132, %dma_start3A_133] : memref<4x128x32xf32, #tpu.memory_space<vmem>> -> memref<1x64x32xf32, #tpu.memory_space<vmem>>
      %dma_start3A_135 = tpu.memref_squeeze %dma_start3A_134 : memref<1x64x32xf32, #tpu.memory_space<vmem>> -> memref<64x32xf32, #tpu.memory_space<vmem>>
      tpu.enqueue_dma source(%dma_start3A_135 : memref<64x32xf32, #tpu.memory_space<vmem>>) target(%dma_start3A_131 : memref<64x32xf32, #tpu.memory_space<vmem_shared>>) target_semaphore(%run_scoped3A_123 : memref<!tpu.dma_semaphore, #tpu.memory_space<semaphore_mem>>)
      %dma_wait3A_136 = arith.constant 0 : i32
      %dma_wait3A_137 = arith.constant 0 : i32
      %dma_wait3A_138 = tpu.memref_slice %arg12[%run_scoped3A_2, %dma_wait3A_136, %dma_wait3A_137] : memref<4x128x32xf32, #tpu.memory_space<vmem>> -> memref<1x64x32xf32, #tpu.memory_space<vmem>>
      %dma_wait3A_139 = tpu.memref_squeeze %dma_wait3A_138 : memref<1x64x32xf32, #tpu.memory_space<vmem>> -> memref<64x32xf32, #tpu.memory_space<vmem>>
      %dma_wait3A_140 = arith.constant 0 : i32
      %dma_wait3A_141 = tpu.memref_slice %arg24[%add3A_1, %dma_wait3A_140] : memref<1024x32xf32, #tpu.memory_space<vmem_shared>> -> memref<64x32xf32, #tpu.memory_space<vmem_shared>>
      %dma_wait3A_142 = arith.constant 0 : i32
      %dma_wait3A_143 = tpu.memref_slice %arg24[%add3A_1, %dma_wait3A_142] : memref<1024x32xf32, #tpu.memory_space<vmem_shared>> -> memref<64x32xf32, #tpu.memory_space<vmem_shared>>
      %dma_wait3A_144 = arith.constant 0 : i32
      %dma_wait3A_145 = arith.constant 0 : i32
      %dma_wait3A_146 = tpu.memref_slice %arg12[%run_scoped3A_2, %dma_wait3A_144, %dma_wait3A_145] : memref<4x128x32xf32, #tpu.memory_space<vmem>> -> memref<1x64x32xf32, #tpu.memory_space<vmem>>
      %dma_wait3A_147 = tpu.memref_squeeze %dma_wait3A_146 : memref<1x64x32xf32, #tpu.memory_space<vmem>> -> memref<64x32xf32, #tpu.memory_space<vmem>>
      tpu.wait_dma2 semaphore(%run_scoped3A_123 : memref<!tpu.dma_semaphore, #tpu.memory_space<semaphore_mem>>) src(%dma_wait3A_147 : memref<64x32xf32, #tpu.memory_space<vmem>>) dst(%dma_wait3A_143 : memref<64x32xf32, #tpu.memory_space<vmem_shared>>)
      tpu.yield
    }) : () -> ()
    "tpu.region"() ({
      %run_scoped3A_123 = tpu.sem_alloc : memref<!tpu.dma_semaphore, #tpu.memory_space<semaphore_mem>>
      %dma_start3A_124 = arith.constant 0 : i32
      %dma_start3A_125 = arith.constant 0 : i32
      %dma_start3A_126 = tpu.memref_slice %arg14[%dma_start3A_124, %dma_start3A_125] : memref<128x16xf32, #tpu.memory_space<vmem>> -> memref<64x16xf32, #tpu.memory_space<vmem>>
      %dma_start3A_127 = arith.constant 0 : i32
      %dma_start3A_128 = tpu.memref_slice %arg25[%add3A_1, %dma_start3A_127] : memref<1024x16xf32, #tpu.memory_space<vmem_shared>> -> memref<64x16xf32, #tpu.memory_space<vmem_shared>>
      %dma_start3A_129 = arith.constant 0 : i32
      %dma_start3A_130 = tpu.memref_slice %arg25[%add3A_1, %dma_start3A_129] : memref<1024x16xf32, #tpu.memory_space<vmem_shared>> -> memref<64x16xf32, #tpu.memory_space<vmem_shared>>
      %dma_start3A_131 = arith.constant 0 : i32
      %dma_start3A_132 = arith.constant 0 : i32
      %dma_start3A_133 = tpu.memref_slice %arg14[%dma_start3A_131, %dma_start3A_132] : memref<128x16xf32, #tpu.memory_space<vmem>> -> memref<64x16xf32, #tpu.memory_space<vmem>>
      tpu.enqueue_dma source(%dma_start3A_133 : memref<64x16xf32, #tpu.memory_space<vmem>>) target(%dma_start3A_130 : memref<64x16xf32, #tpu.memory_space<vmem_shared>>) target_semaphore(%run_scoped3A_123 : memref<!tpu.dma_semaphore, #tpu.memory_space<semaphore_mem>>)
      %dma_wait3A_134 = arith.constant 0 : i32
      %dma_wait3A_135 = arith.constant 0 : i32
      %dma_wait3A_136 = tpu.memref_slice %arg14[%dma_wait3A_134, %dma_wait3A_135] : memref<128x16xf32, #tpu.memory_space<vmem>> -> memref<64x16xf32, #tpu.memory_space<vmem>>
      %dma_wait3A_137 = arith.constant 0 : i32
      %dma_wait3A_138 = tpu.memref_slice %arg25[%add3A_1, %dma_wait3A_137] : memref<1024x16xf32, #tpu.memory_space<vmem_shared>> -> memref<64x16xf32, #tpu.memory_space<vmem_shared>>
      %dma_wait3A_139 = arith.constant 0 : i32
      %dma_wait3A_140 = tpu.memref_slice %arg25[%add3A_1, %dma_wait3A_139] : memref<1024x16xf32, #tpu.memory_space<vmem_shared>> -> memref<64x16xf32, #tpu.memory_space<vmem_shared>>
      %dma_wait3A_141 = arith.constant 0 : i32
      %dma_wait3A_142 = arith.constant 0 : i32
      %dma_wait3A_143 = tpu.memref_slice %arg14[%dma_wait3A_141, %dma_wait3A_142] : memref<128x16xf32, #tpu.memory_space<vmem>> -> memref<64x16xf32, #tpu.memory_space<vmem>>
      tpu.wait_dma2 semaphore(%run_scoped3A_123 : memref<!tpu.dma_semaphore, #tpu.memory_space<semaphore_mem>>) src(%dma_wait3A_143 : memref<64x16xf32, #tpu.memory_space<vmem>>) dst(%dma_wait3A_140 : memref<64x16xf32, #tpu.memory_space<vmem_shared>>)
      tpu.yield
    }) : () -> ()
    %barrier3A = arith.constant 0 : index
    tpu.barrier barrier_id(%barrier3A)
    %mul3A_3 = arith.constant 8 : i32
    %mul3A_4 = arith.muli %arg1, %mul3A_3 : i32
    "tpu.region"() ({
      %run_scoped3A_123 = tpu.sem_alloc : memref<!tpu.dma_semaphore, #tpu.memory_space<semaphore_mem>>
      %dma_start3A_124 = arith.constant 0 : i32
      %dma_start3A_125 = tpu.memref_slice %arg3[%arg0, %mul3A_4, %dma_start3A_124] : memref<2x128x128xi32, #tpu.memory_space<hbm>> -> memref<1x8x128xi32, #tpu.memory_space<hbm>>
      %dma_start3A_126 = tpu.memref_squeeze %dma_start3A_125 : memref<1x8x128xi32, #tpu.memory_space<hbm>> -> memref<8x128xi32, #tpu.memory_space<hbm>>
      %dma_start3A_127 = arith.constant 0 : i32
      %dma_start3A_128 = tpu.memref_slice %arg3[%arg0, %mul3A_4, %dma_start3A_127] : memref<2x128x128xi32, #tpu.memory_space<hbm>> -> memref<1x8x128xi32, #tpu.memory_space<hbm>>
      %dma_start3A_129 = tpu.memref_squeeze %dma_start3A_128 : memref<1x8x128xi32, #tpu.memory_space<hbm>> -> memref<8x128xi32, #tpu.memory_space<hbm>>
      tpu.enqueue_dma source(%dma_start3A_129 : memref<8x128xi32, #tpu.memory_space<hbm>>) target(%arg10 : memref<8x128xi32, #tpu.memory_space<vmem>>) target_semaphore(%run_scoped3A_123 : memref<!tpu.dma_semaphore, #tpu.memory_space<semaphore_mem>>)
      %dma_wait3A_130 = arith.constant 0 : i32
      %dma_wait3A_131 = tpu.memref_slice %arg3[%arg0, %mul3A_4, %dma_wait3A_130] : memref<2x128x128xi32, #tpu.memory_space<hbm>> -> memref<1x8x128xi32, #tpu.memory_space<hbm>>
      %dma_wait3A_132 = tpu.memref_squeeze %dma_wait3A_131 : memref<1x8x128xi32, #tpu.memory_space<hbm>> -> memref<8x128xi32, #tpu.memory_space<hbm>>
      %dma_wait3A_133 = arith.constant 0 : i32
      %dma_wait3A_134 = tpu.memref_slice %arg3[%arg0, %mul3A_4, %dma_wait3A_133] : memref<2x128x128xi32, #tpu.memory_space<hbm>> -> memref<1x8x128xi32, #tpu.memory_space<hbm>>
      %dma_wait3A_135 = tpu.memref_squeeze %dma_wait3A_134 : memref<1x8x128xi32, #tpu.memory_space<hbm>> -> memref<8x128xi32, #tpu.memory_space<hbm>>
      tpu.wait_dma2 semaphore(%run_scoped3A_123 : memref<!tpu.dma_semaphore, #tpu.memory_space<semaphore_mem>>) src(%dma_wait3A_135 : memref<8x128xi32, #tpu.memory_space<hbm>>) dst(%arg10 : memref<8x128xi32, #tpu.memory_space<vmem>>)
      tpu.yield
    }) : () -> ()
    "tpu.region"() ({
      %run_scoped3A_123 = tpu.sem_alloc : memref<!tpu.dma_semaphore, #tpu.memory_space<semaphore_mem>>
      %dma_start3A_124 = arith.constant 0 : i32
      %dma_start3A_125 = tpu.memref_slice %arg4[%arg0, %mul3A_4, %dma_start3A_124] : memref<2x128x128xi32, #tpu.memory_space<hbm>> -> memref<1x8x128xi32, #tpu.memory_space<hbm>>
      %dma_start3A_126 = tpu.memref_squeeze %dma_start3A_125 : memref<1x8x128xi32, #tpu.memory_space<hbm>> -> memref<8x128xi32, #tpu.memory_space<hbm>>
      %dma_start3A_127 = arith.constant 0 : i32
      %dma_start3A_128 = tpu.memref_slice %arg4[%arg0, %mul3A_4, %dma_start3A_127] : memref<2x128x128xi32, #tpu.memory_space<hbm>> -> memref<1x8x128xi32, #tpu.memory_space<hbm>>
      %dma_start3A_129 = tpu.memref_squeeze %dma_start3A_128 : memref<1x8x128xi32, #tpu.memory_space<hbm>> -> memref<8x128xi32, #tpu.memory_space<hbm>>
      tpu.enqueue_dma source(%dma_start3A_129 : memref<8x128xi32, #tpu.memory_space<hbm>>) target(%arg11 : memref<8x128xi32, #tpu.memory_space<vmem>>) target_semaphore(%run_scoped3A_123 : memref<!tpu.dma_semaphore, #tpu.memory_space<semaphore_mem>>)
      %dma_wait3A_130 = arith.constant 0 : i32
      %dma_wait3A_131 = tpu.memref_slice %arg4[%arg0, %mul3A_4, %dma_wait3A_130] : memref<2x128x128xi32, #tpu.memory_space<hbm>> -> memref<1x8x128xi32, #tpu.memory_space<hbm>>
      %dma_wait3A_132 = tpu.memref_squeeze %dma_wait3A_131 : memref<1x8x128xi32, #tpu.memory_space<hbm>> -> memref<8x128xi32, #tpu.memory_space<hbm>>
      %dma_wait3A_133 = arith.constant 0 : i32
      %dma_wait3A_134 = tpu.memref_slice %arg4[%arg0, %mul3A_4, %dma_wait3A_133] : memref<2x128x128xi32, #tpu.memory_space<hbm>> -> memref<1x8x128xi32, #tpu.memory_space<hbm>>
      %dma_wait3A_135 = tpu.memref_squeeze %dma_wait3A_134 : memref<1x8x128xi32, #tpu.memory_space<hbm>> -> memref<8x128xi32, #tpu.memory_space<hbm>>
      tpu.wait_dma2 semaphore(%run_scoped3A_123 : memref<!tpu.dma_semaphore, #tpu.memory_space<semaphore_mem>>) src(%dma_wait3A_135 : memref<8x128xi32, #tpu.memory_space<hbm>>) dst(%arg11 : memref<8x128xi32, #tpu.memory_space<vmem>>)
      tpu.yield
    }) : () -> ()
    %dma_start3A = arith.constant 0 : i32
    %dma_start3A_5 = arith.constant 0 : i32
    %dma_start3A_6 = arith.constant 0 : i32
    %dma_start3A_7 = arith.constant 0 : i32
    %dma_start3A_8 = tpu.memref_slice %arg12[%dma_start3A_5, %dma_start3A_6, %dma_start3A_7] : memref<4x128x32xf32, #tpu.memory_space<vmem>> -> memref<1x128x32xf32, #tpu.memory_space<vmem>>
    %dma_start3A_9 = tpu.memref_squeeze %dma_start3A_8 : memref<1x128x32xf32, #tpu.memory_space<vmem>> -> memref<128x32xf32, #tpu.memory_space<vmem>>
    %dma_start3A_10 = arith.constant 0 : i32
    %dma_start3A_11 = tpu.memref_slice %arg10[%dma_start3A, %dma_start3A_10] : memref<8x128xi32, #tpu.memory_space<vmem>> -> memref<1x128xi32, #tpu.memory_space<vmem>>
    %dma_start3A_12 = tpu.memref_squeeze %dma_start3A_11 : memref<1x128xi32, #tpu.memory_space<vmem>> -> memref<128xi32, #tpu.memory_space<vmem>>
    %dma_start3A_13 = arith.constant 0 : i32
    %dma_start3A_14 = arith.constant 0 : i32
    %dma_start3A_15 = tpu.memref_slice %arg2[%dma_start3A_13, %dma_start3A_14] : memref<40960x32xf32, #tpu.memory_space<hbm>> -> memref<40960x32xf32, #tpu.memory_space<hbm>>
    tpu.enqueue_indirect_dma source(%dma_start3A_15 : memref<40960x32xf32, #tpu.memory_space<hbm>>) target(%dma_start3A_9 : memref<128x32xf32, #tpu.memory_space<vmem>>) offsets(%dma_start3A_12 : memref<128xi32, #tpu.memory_space<vmem>>) semaphore(%arg15 : memref<!tpu.dma_semaphore, #tpu.memory_space<semaphore_mem>>)
    %dma_start3A_16 = arith.constant 1 : i32
    %dma_start3A_17 = arith.constant 1 : i32
    %dma_start3A_18 = arith.constant 0 : i32
    %dma_start3A_19 = arith.constant 0 : i32
    %dma_start3A_20 = tpu.memref_slice %arg12[%dma_start3A_17, %dma_start3A_18, %dma_start3A_19] : memref<4x128x32xf32, #tpu.memory_space<vmem>> -> memref<1x128x32xf32, #tpu.memory_space<vmem>>
    %dma_start3A_21 = tpu.memref_squeeze %dma_start3A_20 : memref<1x128x32xf32, #tpu.memory_space<vmem>> -> memref<128x32xf32, #tpu.memory_space<vmem>>
    %dma_start3A_22 = arith.constant 0 : i32
    %dma_start3A_23 = tpu.memref_slice %arg10[%dma_start3A_16, %dma_start3A_22] : memref<8x128xi32, #tpu.memory_space<vmem>> -> memref<1x128xi32, #tpu.memory_space<vmem>>
    %dma_start3A_24 = tpu.memref_squeeze %dma_start3A_23 : memref<1x128xi32, #tpu.memory_space<vmem>> -> memref<128xi32, #tpu.memory_space<vmem>>
    %dma_start3A_25 = arith.constant 0 : i32
    %dma_start3A_26 = arith.constant 0 : i32
    %dma_start3A_27 = tpu.memref_slice %arg2[%dma_start3A_25, %dma_start3A_26] : memref<40960x32xf32, #tpu.memory_space<hbm>> -> memref<40960x32xf32, #tpu.memory_space<hbm>>
    tpu.enqueue_indirect_dma source(%dma_start3A_27 : memref<40960x32xf32, #tpu.memory_space<hbm>>) target(%dma_start3A_21 : memref<128x32xf32, #tpu.memory_space<vmem>>) offsets(%dma_start3A_24 : memref<128xi32, #tpu.memory_space<vmem>>) semaphore(%arg16 : memref<!tpu.dma_semaphore, #tpu.memory_space<semaphore_mem>>)
    %dma_start3A_28 = arith.constant 2 : i32
    %dma_start3A_29 = arith.constant 2 : i32
    %dma_start3A_30 = arith.constant 0 : i32
    %dma_start3A_31 = arith.constant 0 : i32
    %dma_start3A_32 = tpu.memref_slice %arg12[%dma_start3A_29, %dma_start3A_30, %dma_start3A_31] : memref<4x128x32xf32, #tpu.memory_space<vmem>> -> memref<1x128x32xf32, #tpu.memory_space<vmem>>
    %dma_start3A_33 = tpu.memref_squeeze %dma_start3A_32 : memref<1x128x32xf32, #tpu.memory_space<vmem>> -> memref<128x32xf32, #tpu.memory_space<vmem>>
    %dma_start3A_34 = arith.constant 0 : i32
    %dma_start3A_35 = tpu.memref_slice %arg10[%dma_start3A_28, %dma_start3A_34] : memref<8x128xi32, #tpu.memory_space<vmem>> -> memref<1x128xi32, #tpu.memory_space<vmem>>
    %dma_start3A_36 = tpu.memref_squeeze %dma_start3A_35 : memref<1x128xi32, #tpu.memory_space<vmem>> -> memref<128xi32, #tpu.memory_space<vmem>>
    %dma_start3A_37 = arith.constant 0 : i32
    %dma_start3A_38 = arith.constant 0 : i32
    %dma_start3A_39 = tpu.memref_slice %arg2[%dma_start3A_37, %dma_start3A_38] : memref<40960x32xf32, #tpu.memory_space<hbm>> -> memref<40960x32xf32, #tpu.memory_space<hbm>>
    tpu.enqueue_indirect_dma source(%dma_start3A_39 : memref<40960x32xf32, #tpu.memory_space<hbm>>) target(%dma_start3A_33 : memref<128x32xf32, #tpu.memory_space<vmem>>) offsets(%dma_start3A_36 : memref<128xi32, #tpu.memory_space<vmem>>) semaphore(%arg17 : memref<!tpu.dma_semaphore, #tpu.memory_space<semaphore_mem>>)
    %scan3A = arith.constant 0 : i32
    %scan3A_40 = arith.constant 0 : i32
    %scan3A_41 = arith.constant 2 : i32
    %scan3A_42 = arith.addi %scan3A_40, %scan3A_41 : i32
    %scan3A_43 = arith.constant 1 : i32
    scf.for %scan3A_123 = %scan3A_40 to %scan3A_42 step %scan3A_43  : i32 {
      %mul3A_124 = arith.constant 4 : i32
      %mul3A_125 = arith.muli %mul3A_124, %scan3A_123 : i32
      %add3A_126 = arith.constant 0 : i32
      %add3A_127 = arith.addi %mul3A_125, %add3A_126 : i32
      %add3A_128 = arith.constant 3 : i32
      %add3A_129 = arith.addi %add3A_127, %add3A_128 : i32
      %lt3A = arith.constant 8 : i32
      %lt3A_130 = arith.cmpi slt, %add3A_129, %lt3A : i32
      %convert_element_type3A = arith.extui %lt3A_130 : i1 to i32
      %cond3A = arith.constant 0 : i32
      %cond3A_131 = arith.cmpi ne, %convert_element_type3A, %cond3A : i32
      scf.if %cond3A_131 {
        %ge3A = arith.constant 4 : i32
        %ge3A_273 = arith.cmpi sge, %add3A_129, %ge3A : i32
        %convert_element_type3A_274 = arith.extui %ge3A_273 : i1 to i32
        %cond3A_275 = arith.constant 0 : i32
        %cond3A_276 = arith.cmpi ne, %convert_element_type3A_274, %cond3A_275 : i32
        scf.if %cond3A_276 {
          %sub3A = arith.constant 4 : i32
          %sub3A_288 = arith.subi %add3A_129, %sub3A : i32
          %dma_wait3A_289 = arith.constant 3 : i32
          %dma_wait3A_290 = arith.constant 0 : i32
          %dma_wait3A_291 = arith.constant 0 : i32
          %dma_wait3A_292 = tpu.memref_slice %arg12[%dma_wait3A_289, %dma_wait3A_290, %dma_wait3A_291] : memref<4x128x32xf32, #tpu.memory_space<vmem>> -> memref<1x128x32xf32, #tpu.memory_space<vmem>>
          %dma_wait3A_293 = tpu.memref_squeeze %dma_wait3A_292 : memref<1x128x32xf32, #tpu.memory_space<vmem>> -> memref<128x32xf32, #tpu.memory_space<vmem>>
          %dma_wait3A_294 = arith.constant 0 : i32
          %dma_wait3A_295 = tpu.memref_slice %arg11[%sub3A_288, %dma_wait3A_294] : memref<8x128xi32, #tpu.memory_space<vmem>> -> memref<1x128xi32, #tpu.memory_space<vmem>>
          %dma_wait3A_296 = tpu.memref_squeeze %dma_wait3A_295 : memref<1x128xi32, #tpu.memory_space<vmem>> -> memref<128xi32, #tpu.memory_space<vmem>>
          %dma_wait3A_297 = arith.constant 0 : i32
          %dma_wait3A_298 = arith.constant 0 : i32
          %dma_wait3A_299 = tpu.memref_slice %arg24[%dma_wait3A_297, %dma_wait3A_298] : memref<1024x32xf32, #tpu.memory_space<vmem_shared>> -> memref<1024x32xf32, #tpu.memory_space<vmem_shared>>
          tpu.wait_indirect_dma semaphore(%arg22 : memref<!tpu.dma_semaphore, #tpu.memory_space<semaphore_mem>>) src(%dma_wait3A_293 : memref<128x32xf32, #tpu.memory_space<vmem>>) dst(%dma_wait3A_299 : memref<1024x32xf32, #tpu.memory_space<vmem_shared>>)
        } else {
        }
        %dma_start3A_277 = arith.constant 3 : i32
        %dma_start3A_278 = arith.constant 0 : i32
        %dma_start3A_279 = arith.constant 0 : i32
        %dma_start3A_280 = tpu.memref_slice %arg12[%dma_start3A_277, %dma_start3A_278, %dma_start3A_279] : memref<4x128x32xf32, #tpu.memory_space<vmem>> -> memref<1x128x32xf32, #tpu.memory_space<vmem>>
        %dma_start3A_281 = tpu.memref_squeeze %dma_start3A_280 : memref<1x128x32xf32, #tpu.memory_space<vmem>> -> memref<128x32xf32, #tpu.memory_space<vmem>>
        %dma_start3A_282 = arith.constant 0 : i32
        %dma_start3A_283 = tpu.memref_slice %arg10[%add3A_129, %dma_start3A_282] : memref<8x128xi32, #tpu.memory_space<vmem>> -> memref<1x128xi32, #tpu.memory_space<vmem>>
        %dma_start3A_284 = tpu.memref_squeeze %dma_start3A_283 : memref<1x128xi32, #tpu.memory_space<vmem>> -> memref<128xi32, #tpu.memory_space<vmem>>
        %dma_start3A_285 = arith.constant 0 : i32
        %dma_start3A_286 = arith.constant 0 : i32
        %dma_start3A_287 = tpu.memref_slice %arg2[%dma_start3A_285, %dma_start3A_286] : memref<40960x32xf32, #tpu.memory_space<hbm>> -> memref<40960x32xf32, #tpu.memory_space<hbm>>
        tpu.enqueue_indirect_dma source(%dma_start3A_287 : memref<40960x32xf32, #tpu.memory_space<hbm>>) target(%dma_start3A_281 : memref<128x32xf32, #tpu.memory_space<vmem>>) offsets(%dma_start3A_284 : memref<128xi32, #tpu.memory_space<vmem>>) semaphore(%arg18 : memref<!tpu.dma_semaphore, #tpu.memory_space<semaphore_mem>>)
      } else {
      }
      %dma_wait3A_132 = arith.constant 0 : i32
      %dma_wait3A_133 = arith.constant 0 : i32
      %dma_wait3A_134 = arith.constant 0 : i32
      %dma_wait3A_135 = tpu.memref_slice %arg12[%dma_wait3A_132, %dma_wait3A_133, %dma_wait3A_134] : memref<4x128x32xf32, #tpu.memory_space<vmem>> -> memref<1x128x32xf32, #tpu.memory_space<vmem>>
      %dma_wait3A_136 = tpu.memref_squeeze %dma_wait3A_135 : memref<1x128x32xf32, #tpu.memory_space<vmem>> -> memref<128x32xf32, #tpu.memory_space<vmem>>
      %dma_wait3A_137 = arith.constant 0 : i32
      %dma_wait3A_138 = tpu.memref_slice %arg10[%add3A_127, %dma_wait3A_137] : memref<8x128xi32, #tpu.memory_space<vmem>> -> memref<1x128xi32, #tpu.memory_space<vmem>>
      %dma_wait3A_139 = tpu.memref_squeeze %dma_wait3A_138 : memref<1x128xi32, #tpu.memory_space<vmem>> -> memref<128xi32, #tpu.memory_space<vmem>>
      %dma_wait3A_140 = arith.constant 0 : i32
      %dma_wait3A_141 = arith.constant 0 : i32
      %dma_wait3A_142 = tpu.memref_slice %arg2[%dma_wait3A_140, %dma_wait3A_141] : memref<40960x32xf32, #tpu.memory_space<hbm>> -> memref<40960x32xf32, #tpu.memory_space<hbm>>
      tpu.wait_indirect_dma semaphore(%arg15 : memref<!tpu.dma_semaphore, #tpu.memory_space<semaphore_mem>>) src(%dma_wait3A_142 : memref<40960x32xf32, #tpu.memory_space<hbm>>) dst(%dma_wait3A_136 : memref<128x32xf32, #tpu.memory_space<vmem>>)
      %dma_start3A_143 = arith.constant 0 : i32
      %dma_start3A_144 = arith.constant 0 : i32
      %dma_start3A_145 = arith.constant 0 : i32
      %dma_start3A_146 = tpu.memref_slice %arg12[%dma_start3A_143, %dma_start3A_144, %dma_start3A_145] : memref<4x128x32xf32, #tpu.memory_space<vmem>> -> memref<1x128x32xf32, #tpu.memory_space<vmem>>
      %dma_start3A_147 = tpu.memref_squeeze %dma_start3A_146 : memref<1x128x32xf32, #tpu.memory_space<vmem>> -> memref<128x32xf32, #tpu.memory_space<vmem>>
      %dma_start3A_148 = arith.constant 0 : i32
      %dma_start3A_149 = tpu.memref_slice %arg11[%add3A_127, %dma_start3A_148] : memref<8x128xi32, #tpu.memory_space<vmem>> -> memref<1x128xi32, #tpu.memory_space<vmem>>
      %dma_start3A_150 = tpu.memref_squeeze %dma_start3A_149 : memref<1x128xi32, #tpu.memory_space<vmem>> -> memref<128xi32, #tpu.memory_space<vmem>>
      %dma_start3A_151 = arith.constant 0 : i32
      %dma_start3A_152 = arith.constant 0 : i32
      %dma_start3A_153 = tpu.memref_slice %arg24[%dma_start3A_151, %dma_start3A_152] : memref<1024x32xf32, #tpu.memory_space<vmem_shared>> -> memref<1024x32xf32, #tpu.memory_space<vmem_shared>>
      tpu.enqueue_indirect_dma source(%dma_start3A_147 : memref<128x32xf32, #tpu.memory_space<vmem>>) target(%dma_start3A_153 : memref<1024x32xf32, #tpu.memory_space<vmem_shared>>) offsets(%dma_start3A_150 : memref<128xi32, #tpu.memory_space<vmem>>) semaphore(%arg19 : memref<!tpu.dma_semaphore, #tpu.memory_space<semaphore_mem>>) {add = true}
      %lt3A_154 = arith.constant 4 : i32
      %lt3A_155 = arith.cmpi slt, %add3A_127, %lt3A_154 : i32
      %convert_element_type3A_156 = arith.extui %lt3A_155 : i1 to i32
      %cond3A_157 = arith.constant 0 : i32
      %cond3A_158 = arith.cmpi ne, %convert_element_type3A_156, %cond3A_157 : i32
      scf.if %cond3A_158 {
        %dma_start3A_273 = arith.constant 0 : i32
        %dma_start3A_274 = tpu.memref_slice %arg11[%add3A_127, %dma_start3A_273] : memref<8x128xi32, #tpu.memory_space<vmem>> -> memref<1x128xi32, #tpu.memory_space<vmem>>
        %dma_start3A_275 = tpu.memref_squeeze %dma_start3A_274 : memref<1x128xi32, #tpu.memory_space<vmem>> -> memref<128xi32, #tpu.memory_space<vmem>>
        %dma_start3A_276 = arith.constant 0 : i32
        %dma_start3A_277 = arith.constant 0 : i32
        %dma_start3A_278 = tpu.memref_slice %arg25[%dma_start3A_276, %dma_start3A_277] : memref<1024x16xf32, #tpu.memory_space<vmem_shared>> -> memref<1024x16xf32, #tpu.memory_space<vmem_shared>>
        tpu.enqueue_indirect_dma source(%arg13 : memref<128x16xf32, #tpu.memory_space<vmem>>) target(%dma_start3A_278 : memref<1024x16xf32, #tpu.memory_space<vmem_shared>>) offsets(%dma_start3A_275 : memref<128xi32, #tpu.memory_space<vmem>>) semaphore(%arg23 : memref<!tpu.dma_semaphore, #tpu.memory_space<semaphore_mem>>) {add = true}
      } else {
      }
      %mul3A_159 = arith.constant 4 : i32
      %mul3A_160 = arith.muli %mul3A_159, %scan3A_123 : i32
      %add3A_161 = arith.constant 1 : i32
      %add3A_162 = arith.addi %mul3A_160, %add3A_161 : i32
      %add3A_163 = arith.constant 3 : i32
      %add3A_164 = arith.addi %add3A_162, %add3A_163 : i32
      %lt3A_165 = arith.constant 8 : i32
      %lt3A_166 = arith.cmpi slt, %add3A_164, %lt3A_165 : i32
      %convert_element_type3A_167 = arith.extui %lt3A_166 : i1 to i32
      %cond3A_168 = arith.constant 0 : i32
      %cond3A_169 = arith.cmpi ne, %convert_element_type3A_167, %cond3A_168 : i32
      scf.if %cond3A_169 {
        %ge3A = arith.constant 4 : i32
        %ge3A_273 = arith.cmpi sge, %add3A_164, %ge3A : i32
        %convert_element_type3A_274 = arith.extui %ge3A_273 : i1 to i32
        %cond3A_275 = arith.constant 0 : i32
        %cond3A_276 = arith.cmpi ne, %convert_element_type3A_274, %cond3A_275 : i32
        scf.if %cond3A_276 {
          %sub3A = arith.constant 4 : i32
          %sub3A_288 = arith.subi %add3A_164, %sub3A : i32
          %dma_wait3A_289 = arith.constant 0 : i32
          %dma_wait3A_290 = arith.constant 0 : i32
          %dma_wait3A_291 = arith.constant 0 : i32
          %dma_wait3A_292 = tpu.memref_slice %arg12[%dma_wait3A_289, %dma_wait3A_290, %dma_wait3A_291] : memref<4x128x32xf32, #tpu.memory_space<vmem>> -> memref<1x128x32xf32, #tpu.memory_space<vmem>>
          %dma_wait3A_293 = tpu.memref_squeeze %dma_wait3A_292 : memref<1x128x32xf32, #tpu.memory_space<vmem>> -> memref<128x32xf32, #tpu.memory_space<vmem>>
          %dma_wait3A_294 = arith.constant 0 : i32
          %dma_wait3A_295 = tpu.memref_slice %arg11[%sub3A_288, %dma_wait3A_294] : memref<8x128xi32, #tpu.memory_space<vmem>> -> memref<1x128xi32, #tpu.memory_space<vmem>>
          %dma_wait3A_296 = tpu.memref_squeeze %dma_wait3A_295 : memref<1x128xi32, #tpu.memory_space<vmem>> -> memref<128xi32, #tpu.memory_space<vmem>>
          %dma_wait3A_297 = arith.constant 0 : i32
          %dma_wait3A_298 = arith.constant 0 : i32
          %dma_wait3A_299 = tpu.memref_slice %arg24[%dma_wait3A_297, %dma_wait3A_298] : memref<1024x32xf32, #tpu.memory_space<vmem_shared>> -> memref<1024x32xf32, #tpu.memory_space<vmem_shared>>
          tpu.wait_indirect_dma semaphore(%arg19 : memref<!tpu.dma_semaphore, #tpu.memory_space<semaphore_mem>>) src(%dma_wait3A_293 : memref<128x32xf32, #tpu.memory_space<vmem>>) dst(%dma_wait3A_299 : memref<1024x32xf32, #tpu.memory_space<vmem_shared>>)
        } else {
        }
        %dma_start3A_277 = arith.constant 0 : i32
        %dma_start3A_278 = arith.constant 0 : i32
        %dma_start3A_279 = arith.constant 0 : i32
        %dma_start3A_280 = tpu.memref_slice %arg12[%dma_start3A_277, %dma_start3A_278, %dma_start3A_279] : memref<4x128x32xf32, #tpu.memory_space<vmem>> -> memref<1x128x32xf32, #tpu.memory_space<vmem>>
        %dma_start3A_281 = tpu.memref_squeeze %dma_start3A_280 : memref<1x128x32xf32, #tpu.memory_space<vmem>> -> memref<128x32xf32, #tpu.memory_space<vmem>>
        %dma_start3A_282 = arith.constant 0 : i32
        %dma_start3A_283 = tpu.memref_slice %arg10[%add3A_164, %dma_start3A_282] : memref<8x128xi32, #tpu.memory_space<vmem>> -> memref<1x128xi32, #tpu.memory_space<vmem>>
        %dma_start3A_284 = tpu.memref_squeeze %dma_start3A_283 : memref<1x128xi32, #tpu.memory_space<vmem>> -> memref<128xi32, #tpu.memory_space<vmem>>
        %dma_start3A_285 = arith.constant 0 : i32
        %dma_start3A_286 = arith.constant 0 : i32
        %dma_start3A_287 = tpu.memref_slice %arg2[%dma_start3A_285, %dma_start3A_286] : memref<40960x32xf32, #tpu.memory_space<hbm>> -> memref<40960x32xf32, #tpu.memory_space<hbm>>
        tpu.enqueue_indirect_dma source(%dma_start3A_287 : memref<40960x32xf32, #tpu.memory_space<hbm>>) target(%dma_start3A_281 : memref<128x32xf32, #tpu.memory_space<vmem>>) offsets(%dma_start3A_284 : memref<128xi32, #tpu.memory_space<vmem>>) semaphore(%arg15 : memref<!tpu.dma_semaphore, #tpu.memory_space<semaphore_mem>>)
      } else {
      }
      %dma_wait3A_170 = arith.constant 1 : i32
      %dma_wait3A_171 = arith.constant 0 : i32
      %dma_wait3A_172 = arith.constant 0 : i32
      %dma_wait3A_173 = tpu.memref_slice %arg12[%dma_wait3A_170, %dma_wait3A_171, %dma_wait3A_172] : memref<4x128x32xf32, #tpu.memory_space<vmem>> -> memref<1x128x32xf32, #tpu.memory_space<vmem>>
      %dma_wait3A_174 = tpu.memref_squeeze %dma_wait3A_173 : memref<1x128x32xf32, #tpu.memory_space<vmem>> -> memref<128x32xf32, #tpu.memory_space<vmem>>
      %dma_wait3A_175 = arith.constant 0 : i32
      %dma_wait3A_176 = tpu.memref_slice %arg10[%add3A_162, %dma_wait3A_175] : memref<8x128xi32, #tpu.memory_space<vmem>> -> memref<1x128xi32, #tpu.memory_space<vmem>>
      %dma_wait3A_177 = tpu.memref_squeeze %dma_wait3A_176 : memref<1x128xi32, #tpu.memory_space<vmem>> -> memref<128xi32, #tpu.memory_space<vmem>>
      %dma_wait3A_178 = arith.constant 0 : i32
      %dma_wait3A_179 = arith.constant 0 : i32
      %dma_wait3A_180 = tpu.memref_slice %arg2[%dma_wait3A_178, %dma_wait3A_179] : memref<40960x32xf32, #tpu.memory_space<hbm>> -> memref<40960x32xf32, #tpu.memory_space<hbm>>
      tpu.wait_indirect_dma semaphore(%arg16 : memref<!tpu.dma_semaphore, #tpu.memory_space<semaphore_mem>>) src(%dma_wait3A_180 : memref<40960x32xf32, #tpu.memory_space<hbm>>) dst(%dma_wait3A_174 : memref<128x32xf32, #tpu.memory_space<vmem>>)
      %dma_start3A_181 = arith.constant 1 : i32
      %dma_start3A_182 = arith.constant 0 : i32
      %dma_start3A_183 = arith.constant 0 : i32
      %dma_start3A_184 = tpu.memref_slice %arg12[%dma_start3A_181, %dma_start3A_182, %dma_start3A_183] : memref<4x128x32xf32, #tpu.memory_space<vmem>> -> memref<1x128x32xf32, #tpu.memory_space<vmem>>
      %dma_start3A_185 = tpu.memref_squeeze %dma_start3A_184 : memref<1x128x32xf32, #tpu.memory_space<vmem>> -> memref<128x32xf32, #tpu.memory_space<vmem>>
      %dma_start3A_186 = arith.constant 0 : i32
      %dma_start3A_187 = tpu.memref_slice %arg11[%add3A_162, %dma_start3A_186] : memref<8x128xi32, #tpu.memory_space<vmem>> -> memref<1x128xi32, #tpu.memory_space<vmem>>
      %dma_start3A_188 = tpu.memref_squeeze %dma_start3A_187 : memref<1x128xi32, #tpu.memory_space<vmem>> -> memref<128xi32, #tpu.memory_space<vmem>>
      %dma_start3A_189 = arith.constant 0 : i32
      %dma_start3A_190 = arith.constant 0 : i32
      %dma_start3A_191 = tpu.memref_slice %arg24[%dma_start3A_189, %dma_start3A_190] : memref<1024x32xf32, #tpu.memory_space<vmem_shared>> -> memref<1024x32xf32, #tpu.memory_space<vmem_shared>>
      tpu.enqueue_indirect_dma source(%dma_start3A_185 : memref<128x32xf32, #tpu.memory_space<vmem>>) target(%dma_start3A_191 : memref<1024x32xf32, #tpu.memory_space<vmem_shared>>) offsets(%dma_start3A_188 : memref<128xi32, #tpu.memory_space<vmem>>) semaphore(%arg20 : memref<!tpu.dma_semaphore, #tpu.memory_space<semaphore_mem>>) {add = true}
      %lt3A_192 = arith.constant 4 : i32
      %lt3A_193 = arith.cmpi slt, %add3A_162, %lt3A_192 : i32
      %convert_element_type3A_194 = arith.extui %lt3A_193 : i1 to i32
      %cond3A_195 = arith.constant 0 : i32
      %cond3A_196 = arith.cmpi ne, %convert_element_type3A_194, %cond3A_195 : i32
      scf.if %cond3A_196 {
        %dma_start3A_273 = arith.constant 0 : i32
        %dma_start3A_274 = tpu.memref_slice %arg11[%add3A_162, %dma_start3A_273] : memref<8x128xi32, #tpu.memory_space<vmem>> -> memref<1x128xi32, #tpu.memory_space<vmem>>
        %dma_start3A_275 = tpu.memref_squeeze %dma_start3A_274 : memref<1x128xi32, #tpu.memory_space<vmem>> -> memref<128xi32, #tpu.memory_space<vmem>>
        %dma_start3A_276 = arith.constant 0 : i32
        %dma_start3A_277 = arith.constant 0 : i32
        %dma_start3A_278 = tpu.memref_slice %arg25[%dma_start3A_276, %dma_start3A_277] : memref<1024x16xf32, #tpu.memory_space<vmem_shared>> -> memref<1024x16xf32, #tpu.memory_space<vmem_shared>>
        tpu.enqueue_indirect_dma source(%arg13 : memref<128x16xf32, #tpu.memory_space<vmem>>) target(%dma_start3A_278 : memref<1024x16xf32, #tpu.memory_space<vmem_shared>>) offsets(%dma_start3A_275 : memref<128xi32, #tpu.memory_space<vmem>>) semaphore(%arg23 : memref<!tpu.dma_semaphore, #tpu.memory_space<semaphore_mem>>) {add = true}
      } else {
      }
      %mul3A_197 = arith.constant 4 : i32
      %mul3A_198 = arith.muli %mul3A_197, %scan3A_123 : i32
      %add3A_199 = arith.constant 2 : i32
      %add3A_200 = arith.addi %mul3A_198, %add3A_199 : i32
      %add3A_201 = arith.constant 3 : i32
      %add3A_202 = arith.addi %add3A_200, %add3A_201 : i32
      %lt3A_203 = arith.constant 8 : i32
      %lt3A_204 = arith.cmpi slt, %add3A_202, %lt3A_203 : i32
      %convert_element_type3A_205 = arith.extui %lt3A_204 : i1 to i32
      %cond3A_206 = arith.constant 0 : i32
      %cond3A_207 = arith.cmpi ne, %convert_element_type3A_205, %cond3A_206 : i32
      scf.if %cond3A_207 {
        %ge3A = arith.constant 4 : i32
        %ge3A_273 = arith.cmpi sge, %add3A_202, %ge3A : i32
        %convert_element_type3A_274 = arith.extui %ge3A_273 : i1 to i32
        %cond3A_275 = arith.constant 0 : i32
        %cond3A_276 = arith.cmpi ne, %convert_element_type3A_274, %cond3A_275 : i32
        scf.if %cond3A_276 {
          %sub3A = arith.constant 4 : i32
          %sub3A_288 = arith.subi %add3A_202, %sub3A : i32
          %dma_wait3A_289 = arith.constant 1 : i32
          %dma_wait3A_290 = arith.constant 0 : i32
          %dma_wait3A_291 = arith.constant 0 : i32
          %dma_wait3A_292 = tpu.memref_slice %arg12[%dma_wait3A_289, %dma_wait3A_290, %dma_wait3A_291] : memref<4x128x32xf32, #tpu.memory_space<vmem>> -> memref<1x128x32xf32, #tpu.memory_space<vmem>>
          %dma_wait3A_293 = tpu.memref_squeeze %dma_wait3A_292 : memref<1x128x32xf32, #tpu.memory_space<vmem>> -> memref<128x32xf32, #tpu.memory_space<vmem>>
          %dma_wait3A_294 = arith.constant 0 : i32
          %dma_wait3A_295 = tpu.memref_slice %arg11[%sub3A_288, %dma_wait3A_294] : memref<8x128xi32, #tpu.memory_space<vmem>> -> memref<1x128xi32, #tpu.memory_space<vmem>>
          %dma_wait3A_296 = tpu.memref_squeeze %dma_wait3A_295 : memref<1x128xi32, #tpu.memory_space<vmem>> -> memref<128xi32, #tpu.memory_space<vmem>>
          %dma_wait3A_297 = arith.constant 0 : i32
          %dma_wait3A_298 = arith.constant 0 : i32
          %dma_wait3A_299 = tpu.memref_slice %arg24[%dma_wait3A_297, %dma_wait3A_298] : memref<1024x32xf32, #tpu.memory_space<vmem_shared>> -> memref<1024x32xf32, #tpu.memory_space<vmem_shared>>
          tpu.wait_indirect_dma semaphore(%arg20 : memref<!tpu.dma_semaphore, #tpu.memory_space<semaphore_mem>>) src(%dma_wait3A_293 : memref<128x32xf32, #tpu.memory_space<vmem>>) dst(%dma_wait3A_299 : memref<1024x32xf32, #tpu.memory_space<vmem_shared>>)
        } else {
        }
        %dma_start3A_277 = arith.constant 1 : i32
        %dma_start3A_278 = arith.constant 0 : i32
        %dma_start3A_279 = arith.constant 0 : i32
        %dma_start3A_280 = tpu.memref_slice %arg12[%dma_start3A_277, %dma_start3A_278, %dma_start3A_279] : memref<4x128x32xf32, #tpu.memory_space<vmem>> -> memref<1x128x32xf32, #tpu.memory_space<vmem>>
        %dma_start3A_281 = tpu.memref_squeeze %dma_start3A_280 : memref<1x128x32xf32, #tpu.memory_space<vmem>> -> memref<128x32xf32, #tpu.memory_space<vmem>>
        %dma_start3A_282 = arith.constant 0 : i32
        %dma_start3A_283 = tpu.memref_slice %arg10[%add3A_202, %dma_start3A_282] : memref<8x128xi32, #tpu.memory_space<vmem>> -> memref<1x128xi32, #tpu.memory_space<vmem>>
        %dma_start3A_284 = tpu.memref_squeeze %dma_start3A_283 : memref<1x128xi32, #tpu.memory_space<vmem>> -> memref<128xi32, #tpu.memory_space<vmem>>
        %dma_start3A_285 = arith.constant 0 : i32
        %dma_start3A_286 = arith.constant 0 : i32
        %dma_start3A_287 = tpu.memref_slice %arg2[%dma_start3A_285, %dma_start3A_286] : memref<40960x32xf32, #tpu.memory_space<hbm>> -> memref<40960x32xf32, #tpu.memory_space<hbm>>
        tpu.enqueue_indirect_dma source(%dma_start3A_287 : memref<40960x32xf32, #tpu.memory_space<hbm>>) target(%dma_start3A_281 : memref<128x32xf32, #tpu.memory_space<vmem>>) offsets(%dma_start3A_284 : memref<128xi32, #tpu.memory_space<vmem>>) semaphore(%arg16 : memref<!tpu.dma_semaphore, #tpu.memory_space<semaphore_mem>>)
      } else {
      }
      %dma_wait3A_208 = arith.constant 2 : i32
      %dma_wait3A_209 = arith.constant 0 : i32
      %dma_wait3A_210 = arith.constant 0 : i32
      %dma_wait3A_211 = tpu.memref_slice %arg12[%dma_wait3A_208, %dma_wait3A_209, %dma_wait3A_210] : memref<4x128x32xf32, #tpu.memory_space<vmem>> -> memref<1x128x32xf32, #tpu.memory_space<vmem>>
      %dma_wait3A_212 = tpu.memref_squeeze %dma_wait3A_211 : memref<1x128x32xf32, #tpu.memory_space<vmem>> -> memref<128x32xf32, #tpu.memory_space<vmem>>
      %dma_wait3A_213 = arith.constant 0 : i32
      %dma_wait3A_214 = tpu.memref_slice %arg10[%add3A_200, %dma_wait3A_213] : memref<8x128xi32, #tpu.memory_space<vmem>> -> memref<1x128xi32, #tpu.memory_space<vmem>>
      %dma_wait3A_215 = tpu.memref_squeeze %dma_wait3A_214 : memref<1x128xi32, #tpu.memory_space<vmem>> -> memref<128xi32, #tpu.memory_space<vmem>>
      %dma_wait3A_216 = arith.constant 0 : i32
      %dma_wait3A_217 = arith.constant 0 : i32
      %dma_wait3A_218 = tpu.memref_slice %arg2[%dma_wait3A_216, %dma_wait3A_217] : memref<40960x32xf32, #tpu.memory_space<hbm>> -> memref<40960x32xf32, #tpu.memory_space<hbm>>
      tpu.wait_indirect_dma semaphore(%arg17 : memref<!tpu.dma_semaphore, #tpu.memory_space<semaphore_mem>>) src(%dma_wait3A_218 : memref<40960x32xf32, #tpu.memory_space<hbm>>) dst(%dma_wait3A_212 : memref<128x32xf32, #tpu.memory_space<vmem>>)
      %dma_start3A_219 = arith.constant 2 : i32
      %dma_start3A_220 = arith.constant 0 : i32
      %dma_start3A_221 = arith.constant 0 : i32
      %dma_start3A_222 = tpu.memref_slice %arg12[%dma_start3A_219, %dma_start3A_220, %dma_start3A_221] : memref<4x128x32xf32, #tpu.memory_space<vmem>> -> memref<1x128x32xf32, #tpu.memory_space<vmem>>
      %dma_start3A_223 = tpu.memref_squeeze %dma_start3A_222 : memref<1x128x32xf32, #tpu.memory_space<vmem>> -> memref<128x32xf32, #tpu.memory_space<vmem>>
      %dma_start3A_224 = arith.constant 0 : i32
      %dma_start3A_225 = tpu.memref_slice %arg11[%add3A_200, %dma_start3A_224] : memref<8x128xi32, #tpu.memory_space<vmem>> -> memref<1x128xi32, #tpu.memory_space<vmem>>
      %dma_start3A_226 = tpu.memref_squeeze %dma_start3A_225 : memref<1x128xi32, #tpu.memory_space<vmem>> -> memref<128xi32, #tpu.memory_space<vmem>>
      %dma_start3A_227 = arith.constant 0 : i32
      %dma_start3A_228 = arith.constant 0 : i32
      %dma_start3A_229 = tpu.memref_slice %arg24[%dma_start3A_227, %dma_start3A_228] : memref<1024x32xf32, #tpu.memory_space<vmem_shared>> -> memref<1024x32xf32, #tpu.memory_space<vmem_shared>>
      tpu.enqueue_indirect_dma source(%dma_start3A_223 : memref<128x32xf32, #tpu.memory_space<vmem>>) target(%dma_start3A_229 : memref<1024x32xf32, #tpu.memory_space<vmem_shared>>) offsets(%dma_start3A_226 : memref<128xi32, #tpu.memory_space<vmem>>) semaphore(%arg21 : memref<!tpu.dma_semaphore, #tpu.memory_space<semaphore_mem>>) {add = true}
      %lt3A_230 = arith.constant 4 : i32
      %lt3A_231 = arith.cmpi slt, %add3A_200, %lt3A_230 : i32
      %convert_element_type3A_232 = arith.extui %lt3A_231 : i1 to i32
      %cond3A_233 = arith.constant 0 : i32
      %cond3A_234 = arith.cmpi ne, %convert_element_type3A_232, %cond3A_233 : i32
      scf.if %cond3A_234 {
        %dma_start3A_273 = arith.constant 0 : i32
        %dma_start3A_274 = tpu.memref_slice %arg11[%add3A_200, %dma_start3A_273] : memref<8x128xi32, #tpu.memory_space<vmem>> -> memref<1x128xi32, #tpu.memory_space<vmem>>
        %dma_start3A_275 = tpu.memref_squeeze %dma_start3A_274 : memref<1x128xi32, #tpu.memory_space<vmem>> -> memref<128xi32, #tpu.memory_space<vmem>>
        %dma_start3A_276 = arith.constant 0 : i32
        %dma_start3A_277 = arith.constant 0 : i32
        %dma_start3A_278 = tpu.memref_slice %arg25[%dma_start3A_276, %dma_start3A_277] : memref<1024x16xf32, #tpu.memory_space<vmem_shared>> -> memref<1024x16xf32, #tpu.memory_space<vmem_shared>>
        tpu.enqueue_indirect_dma source(%arg13 : memref<128x16xf32, #tpu.memory_space<vmem>>) target(%dma_start3A_278 : memref<1024x16xf32, #tpu.memory_space<vmem_shared>>) offsets(%dma_start3A_275 : memref<128xi32, #tpu.memory_space<vmem>>) semaphore(%arg23 : memref<!tpu.dma_semaphore, #tpu.memory_space<semaphore_mem>>) {add = true}
      } else {
      }
      %mul3A_235 = arith.constant 4 : i32
      %mul3A_236 = arith.muli %mul3A_235, %scan3A_123 : i32
      %add3A_237 = arith.constant 3 : i32
      %add3A_238 = arith.addi %mul3A_236, %add3A_237 : i32
      %add3A_239 = arith.constant 3 : i32
      %add3A_240 = arith.addi %add3A_238, %add3A_239 : i32
      %lt3A_241 = arith.constant 8 : i32
      %lt3A_242 = arith.cmpi slt, %add3A_240, %lt3A_241 : i32
      %convert_element_type3A_243 = arith.extui %lt3A_242 : i1 to i32
      %cond3A_244 = arith.constant 0 : i32
      %cond3A_245 = arith.cmpi ne, %convert_element_type3A_243, %cond3A_244 : i32
      scf.if %cond3A_245 {
        %ge3A = arith.constant 4 : i32
        %ge3A_273 = arith.cmpi sge, %add3A_240, %ge3A : i32
        %convert_element_type3A_274 = arith.extui %ge3A_273 : i1 to i32
        %cond3A_275 = arith.constant 0 : i32
        %cond3A_276 = arith.cmpi ne, %convert_element_type3A_274, %cond3A_275 : i32
        scf.if %cond3A_276 {
          %sub3A = arith.constant 4 : i32
          %sub3A_288 = arith.subi %add3A_240, %sub3A : i32
          %dma_wait3A_289 = arith.constant 2 : i32
          %dma_wait3A_290 = arith.constant 0 : i32
          %dma_wait3A_291 = arith.constant 0 : i32
          %dma_wait3A_292 = tpu.memref_slice %arg12[%dma_wait3A_289, %dma_wait3A_290, %dma_wait3A_291] : memref<4x128x32xf32, #tpu.memory_space<vmem>> -> memref<1x128x32xf32, #tpu.memory_space<vmem>>
          %dma_wait3A_293 = tpu.memref_squeeze %dma_wait3A_292 : memref<1x128x32xf32, #tpu.memory_space<vmem>> -> memref<128x32xf32, #tpu.memory_space<vmem>>
          %dma_wait3A_294 = arith.constant 0 : i32
          %dma_wait3A_295 = tpu.memref_slice %arg11[%sub3A_288, %dma_wait3A_294] : memref<8x128xi32, #tpu.memory_space<vmem>> -> memref<1x128xi32, #tpu.memory_space<vmem>>
          %dma_wait3A_296 = tpu.memref_squeeze %dma_wait3A_295 : memref<1x128xi32, #tpu.memory_space<vmem>> -> memref<128xi32, #tpu.memory_space<vmem>>
          %dma_wait3A_297 = arith.constant 0 : i32
          %dma_wait3A_298 = arith.constant 0 : i32
          %dma_wait3A_299 = tpu.memref_slice %arg24[%dma_wait3A_297, %dma_wait3A_298] : memref<1024x32xf32, #tpu.memory_space<vmem_shared>> -> memref<1024x32xf32, #tpu.memory_space<vmem_shared>>
          tpu.wait_indirect_dma semaphore(%arg21 : memref<!tpu.dma_semaphore, #tpu.memory_space<semaphore_mem>>) src(%dma_wait3A_293 : memref<128x32xf32, #tpu.memory_space<vmem>>) dst(%dma_wait3A_299 : memref<1024x32xf32, #tpu.memory_space<vmem_shared>>)
        } else {
        }
        %dma_start3A_277 = arith.constant 2 : i32
        %dma_start3A_278 = arith.constant 0 : i32
        %dma_start3A_279 = arith.constant 0 : i32
        %dma_start3A_280 = tpu.memref_slice %arg12[%dma_start3A_277, %dma_start3A_278, %dma_start3A_279] : memref<4x128x32xf32, #tpu.memory_space<vmem>> -> memref<1x128x32xf32, #tpu.memory_space<vmem>>
        %dma_start3A_281 = tpu.memref_squeeze %dma_start3A_280 : memref<1x128x32xf32, #tpu.memory_space<vmem>> -> memref<128x32xf32, #tpu.memory_space<vmem>>
        %dma_start3A_282 = arith.constant 0 : i32
        %dma_start3A_283 = tpu.memref_slice %arg10[%add3A_240, %dma_start3A_282] : memref<8x128xi32, #tpu.memory_space<vmem>> -> memref<1x128xi32, #tpu.memory_space<vmem>>
        %dma_start3A_284 = tpu.memref_squeeze %dma_start3A_283 : memref<1x128xi32, #tpu.memory_space<vmem>> -> memref<128xi32, #tpu.memory_space<vmem>>
        %dma_start3A_285 = arith.constant 0 : i32
        %dma_start3A_286 = arith.constant 0 : i32
        %dma_start3A_287 = tpu.memref_slice %arg2[%dma_start3A_285, %dma_start3A_286] : memref<40960x32xf32, #tpu.memory_space<hbm>> -> memref<40960x32xf32, #tpu.memory_space<hbm>>
        tpu.enqueue_indirect_dma source(%dma_start3A_287 : memref<40960x32xf32, #tpu.memory_space<hbm>>) target(%dma_start3A_281 : memref<128x32xf32, #tpu.memory_space<vmem>>) offsets(%dma_start3A_284 : memref<128xi32, #tpu.memory_space<vmem>>) semaphore(%arg17 : memref<!tpu.dma_semaphore, #tpu.memory_space<semaphore_mem>>)
      } else {
      }
      %dma_wait3A_246 = arith.constant 3 : i32
      %dma_wait3A_247 = arith.constant 0 : i32
      %dma_wait3A_248 = arith.constant 0 : i32
      %dma_wait3A_249 = tpu.memref_slice %arg12[%dma_wait3A_246, %dma_wait3A_247, %dma_wait3A_248] : memref<4x128x32xf32, #tpu.memory_space<vmem>> -> memref<1x128x32xf32, #tpu.memory_space<vmem>>
      %dma_wait3A_250 = tpu.memref_squeeze %dma_wait3A_249 : memref<1x128x32xf32, #tpu.memory_space<vmem>> -> memref<128x32xf32, #tpu.memory_space<vmem>>
      %dma_wait3A_251 = arith.constant 0 : i32
      %dma_wait3A_252 = tpu.memref_slice %arg10[%add3A_238, %dma_wait3A_251] : memref<8x128xi32, #tpu.memory_space<vmem>> -> memref<1x128xi32, #tpu.memory_space<vmem>>
      %dma_wait3A_253 = tpu.memref_squeeze %dma_wait3A_252 : memref<1x128xi32, #tpu.memory_space<vmem>> -> memref<128xi32, #tpu.memory_space<vmem>>
      %dma_wait3A_254 = arith.constant 0 : i32
      %dma_wait3A_255 = arith.constant 0 : i32
      %dma_wait3A_256 = tpu.memref_slice %arg2[%dma_wait3A_254, %dma_wait3A_255] : memref<40960x32xf32, #tpu.memory_space<hbm>> -> memref<40960x32xf32, #tpu.memory_space<hbm>>
      tpu.wait_indirect_dma semaphore(%arg18 : memref<!tpu.dma_semaphore, #tpu.memory_space<semaphore_mem>>) src(%dma_wait3A_256 : memref<40960x32xf32, #tpu.memory_space<hbm>>) dst(%dma_wait3A_250 : memref<128x32xf32, #tpu.memory_space<vmem>>)
      %dma_start3A_257 = arith.constant 3 : i32
      %dma_start3A_258 = arith.constant 0 : i32
      %dma_start3A_259 = arith.constant 0 : i32
      %dma_start3A_260 = tpu.memref_slice %arg12[%dma_start3A_257, %dma_start3A_258, %dma_start3A_259] : memref<4x128x32xf32, #tpu.memory_space<vmem>> -> memref<1x128x32xf32, #tpu.memory_space<vmem>>
      %dma_start3A_261 = tpu.memref_squeeze %dma_start3A_260 : memref<1x128x32xf32, #tpu.memory_space<vmem>> -> memref<128x32xf32, #tpu.memory_space<vmem>>
      %dma_start3A_262 = arith.constant 0 : i32
      %dma_start3A_263 = tpu.memref_slice %arg11[%add3A_238, %dma_start3A_262] : memref<8x128xi32, #tpu.memory_space<vmem>> -> memref<1x128xi32, #tpu.memory_space<vmem>>
      %dma_start3A_264 = tpu.memref_squeeze %dma_start3A_263 : memref<1x128xi32, #tpu.memory_space<vmem>> -> memref<128xi32, #tpu.memory_space<vmem>>
      %dma_start3A_265 = arith.constant 0 : i32
      %dma_start3A_266 = arith.constant 0 : i32
      %dma_start3A_267 = tpu.memref_slice %arg24[%dma_start3A_265, %dma_start3A_266] : memref<1024x32xf32, #tpu.memory_space<vmem_shared>> -> memref<1024x32xf32, #tpu.memory_space<vmem_shared>>
      tpu.enqueue_indirect_dma source(%dma_start3A_261 : memref<128x32xf32, #tpu.memory_space<vmem>>) target(%dma_start3A_267 : memref<1024x32xf32, #tpu.memory_space<vmem_shared>>) offsets(%dma_start3A_264 : memref<128xi32, #tpu.memory_space<vmem>>) semaphore(%arg22 : memref<!tpu.dma_semaphore, #tpu.memory_space<semaphore_mem>>) {add = true}
      %lt3A_268 = arith.constant 4 : i32
      %lt3A_269 = arith.cmpi slt, %add3A_238, %lt3A_268 : i32
      %convert_element_type3A_270 = arith.extui %lt3A_269 : i1 to i32
      %cond3A_271 = arith.constant 0 : i32
      %cond3A_272 = arith.cmpi ne, %convert_element_type3A_270, %cond3A_271 : i32
      scf.if %cond3A_272 {
        %dma_start3A_273 = arith.constant 0 : i32
        %dma_start3A_274 = tpu.memref_slice %arg11[%add3A_238, %dma_start3A_273] : memref<8x128xi32, #tpu.memory_space<vmem>> -> memref<1x128xi32, #tpu.memory_space<vmem>>
        %dma_start3A_275 = tpu.memref_squeeze %dma_start3A_274 : memref<1x128xi32, #tpu.memory_space<vmem>> -> memref<128xi32, #tpu.memory_space<vmem>>
        %dma_start3A_276 = arith.constant 0 : i32
        %dma_start3A_277 = arith.constant 0 : i32
        %dma_start3A_278 = tpu.memref_slice %arg25[%dma_start3A_276, %dma_start3A_277] : memref<1024x16xf32, #tpu.memory_space<vmem_shared>> -> memref<1024x16xf32, #tpu.memory_space<vmem_shared>>
        tpu.enqueue_indirect_dma source(%arg13 : memref<128x16xf32, #tpu.memory_space<vmem>>) target(%dma_start3A_278 : memref<1024x16xf32, #tpu.memory_space<vmem_shared>>) offsets(%dma_start3A_275 : memref<128xi32, #tpu.memory_space<vmem>>) semaphore(%arg23 : memref<!tpu.dma_semaphore, #tpu.memory_space<semaphore_mem>>) {add = true}
      } else {
      }
    }
    %scan3A_44 = arith.constant 2 : i32
    %dma_wait3A = arith.constant 0 : i32
    %dma_wait3A_45 = arith.constant 4 : i32
    %dma_wait3A_46 = arith.constant 0 : i32
    %dma_wait3A_47 = arith.constant 0 : i32
    %dma_wait3A_48 = tpu.memref_slice %arg12[%dma_wait3A, %dma_wait3A_46, %dma_wait3A_47] : memref<4x128x32xf32, #tpu.memory_space<vmem>> -> memref<1x128x32xf32, #tpu.memory_space<vmem>>
    %dma_wait3A_49 = tpu.memref_squeeze %dma_wait3A_48 : memref<1x128x32xf32, #tpu.memory_space<vmem>> -> memref<128x32xf32, #tpu.memory_space<vmem>>
    %dma_wait3A_50 = arith.constant 0 : i32
    %dma_wait3A_51 = tpu.memref_slice %arg11[%dma_wait3A_45, %dma_wait3A_50] : memref<8x128xi32, #tpu.memory_space<vmem>> -> memref<1x128xi32, #tpu.memory_space<vmem>>
    %dma_wait3A_52 = tpu.memref_squeeze %dma_wait3A_51 : memref<1x128xi32, #tpu.memory_space<vmem>> -> memref<128xi32, #tpu.memory_space<vmem>>
    %dma_wait3A_53 = arith.constant 0 : i32
    %dma_wait3A_54 = arith.constant 0 : i32
    %dma_wait3A_55 = tpu.memref_slice %arg24[%dma_wait3A_53, %dma_wait3A_54] : memref<1024x32xf32, #tpu.memory_space<vmem_shared>> -> memref<1024x32xf32, #tpu.memory_space<vmem_shared>>
    tpu.wait_indirect_dma semaphore(%arg19 : memref<!tpu.dma_semaphore, #tpu.memory_space<semaphore_mem>>) src(%dma_wait3A_49 : memref<128x32xf32, #tpu.memory_space<vmem>>) dst(%dma_wait3A_55 : memref<1024x32xf32, #tpu.memory_space<vmem_shared>>)
    %dma_wait3A_56 = arith.constant 1 : i32
    %dma_wait3A_57 = arith.constant 5 : i32
    %dma_wait3A_58 = arith.constant 0 : i32
    %dma_wait3A_59 = arith.constant 0 : i32
    %dma_wait3A_60 = tpu.memref_slice %arg12[%dma_wait3A_56, %dma_wait3A_58, %dma_wait3A_59] : memref<4x128x32xf32, #tpu.memory_space<vmem>> -> memref<1x128x32xf32, #tpu.memory_space<vmem>>
    %dma_wait3A_61 = tpu.memref_squeeze %dma_wait3A_60 : memref<1x128x32xf32, #tpu.memory_space<vmem>> -> memref<128x32xf32, #tpu.memory_space<vmem>>
    %dma_wait3A_62 = arith.constant 0 : i32
    %dma_wait3A_63 = tpu.memref_slice %arg11[%dma_wait3A_57, %dma_wait3A_62] : memref<8x128xi32, #tpu.memory_space<vmem>> -> memref<1x128xi32, #tpu.memory_space<vmem>>
    %dma_wait3A_64 = tpu.memref_squeeze %dma_wait3A_63 : memref<1x128xi32, #tpu.memory_space<vmem>> -> memref<128xi32, #tpu.memory_space<vmem>>
    %dma_wait3A_65 = arith.constant 0 : i32
    %dma_wait3A_66 = arith.constant 0 : i32
    %dma_wait3A_67 = tpu.memref_slice %arg24[%dma_wait3A_65, %dma_wait3A_66] : memref<1024x32xf32, #tpu.memory_space<vmem_shared>> -> memref<1024x32xf32, #tpu.memory_space<vmem_shared>>
    tpu.wait_indirect_dma semaphore(%arg20 : memref<!tpu.dma_semaphore, #tpu.memory_space<semaphore_mem>>) src(%dma_wait3A_61 : memref<128x32xf32, #tpu.memory_space<vmem>>) dst(%dma_wait3A_67 : memref<1024x32xf32, #tpu.memory_space<vmem_shared>>)
    %dma_wait3A_68 = arith.constant 2 : i32
    %dma_wait3A_69 = arith.constant 6 : i32
    %dma_wait3A_70 = arith.constant 0 : i32
    %dma_wait3A_71 = arith.constant 0 : i32
    %dma_wait3A_72 = tpu.memref_slice %arg12[%dma_wait3A_68, %dma_wait3A_70, %dma_wait3A_71] : memref<4x128x32xf32, #tpu.memory_space<vmem>> -> memref<1x128x32xf32, #tpu.memory_space<vmem>>
    %dma_wait3A_73 = tpu.memref_squeeze %dma_wait3A_72 : memref<1x128x32xf32, #tpu.memory_space<vmem>> -> memref<128x32xf32, #tpu.memory_space<vmem>>
    %dma_wait3A_74 = arith.constant 0 : i32
    %dma_wait3A_75 = tpu.memref_slice %arg11[%dma_wait3A_69, %dma_wait3A_74] : memref<8x128xi32, #tpu.memory_space<vmem>> -> memref<1x128xi32, #tpu.memory_space<vmem>>
    %dma_wait3A_76 = tpu.memref_squeeze %dma_wait3A_75 : memref<1x128xi32, #tpu.memory_space<vmem>> -> memref<128xi32, #tpu.memory_space<vmem>>
    %dma_wait3A_77 = arith.constant 0 : i32
    %dma_wait3A_78 = arith.constant 0 : i32
    %dma_wait3A_79 = tpu.memref_slice %arg24[%dma_wait3A_77, %dma_wait3A_78] : memref<1024x32xf32, #tpu.memory_space<vmem_shared>> -> memref<1024x32xf32, #tpu.memory_space<vmem_shared>>
    tpu.wait_indirect_dma semaphore(%arg21 : memref<!tpu.dma_semaphore, #tpu.memory_space<semaphore_mem>>) src(%dma_wait3A_73 : memref<128x32xf32, #tpu.memory_space<vmem>>) dst(%dma_wait3A_79 : memref<1024x32xf32, #tpu.memory_space<vmem_shared>>)
    %dma_wait3A_80 = arith.constant 3 : i32
    %dma_wait3A_81 = arith.constant 7 : i32
    %dma_wait3A_82 = arith.constant 0 : i32
    %dma_wait3A_83 = arith.constant 0 : i32
    %dma_wait3A_84 = tpu.memref_slice %arg12[%dma_wait3A_80, %dma_wait3A_82, %dma_wait3A_83] : memref<4x128x32xf32, #tpu.memory_space<vmem>> -> memref<1x128x32xf32, #tpu.memory_space<vmem>>
    %dma_wait3A_85 = tpu.memref_squeeze %dma_wait3A_84 : memref<1x128x32xf32, #tpu.memory_space<vmem>> -> memref<128x32xf32, #tpu.memory_space<vmem>>
    %dma_wait3A_86 = arith.constant 0 : i32
    %dma_wait3A_87 = tpu.memref_slice %arg11[%dma_wait3A_81, %dma_wait3A_86] : memref<8x128xi32, #tpu.memory_space<vmem>> -> memref<1x128xi32, #tpu.memory_space<vmem>>
    %dma_wait3A_88 = tpu.memref_squeeze %dma_wait3A_87 : memref<1x128xi32, #tpu.memory_space<vmem>> -> memref<128xi32, #tpu.memory_space<vmem>>
    %dma_wait3A_89 = arith.constant 0 : i32
    %dma_wait3A_90 = arith.constant 0 : i32
    %dma_wait3A_91 = tpu.memref_slice %arg24[%dma_wait3A_89, %dma_wait3A_90] : memref<1024x32xf32, #tpu.memory_space<vmem_shared>> -> memref<1024x32xf32, #tpu.memory_space<vmem_shared>>
    tpu.wait_indirect_dma semaphore(%arg22 : memref<!tpu.dma_semaphore, #tpu.memory_space<semaphore_mem>>) src(%dma_wait3A_85 : memref<128x32xf32, #tpu.memory_space<vmem>>) dst(%dma_wait3A_91 : memref<1024x32xf32, #tpu.memory_space<vmem_shared>>)
    %dma_wait3A_92 = arith.constant 0 : i32
    %dma_wait3A_93 = arith.constant 0 : i32
    %dma_wait3A_94 = tpu.memref_slice %arg11[%dma_wait3A_92, %dma_wait3A_93] : memref<8x128xi32, #tpu.memory_space<vmem>> -> memref<1x128xi32, #tpu.memory_space<vmem>>
    %dma_wait3A_95 = tpu.memref_squeeze %dma_wait3A_94 : memref<1x128xi32, #tpu.memory_space<vmem>> -> memref<128xi32, #tpu.memory_space<vmem>>
    %dma_wait3A_96 = arith.constant 0 : i32
    %dma_wait3A_97 = arith.constant 0 : i32
    %dma_wait3A_98 = tpu.memref_slice %arg25[%dma_wait3A_96, %dma_wait3A_97] : memref<1024x16xf32, #tpu.memory_space<vmem_shared>> -> memref<1024x16xf32, #tpu.memory_space<vmem_shared>>
    tpu.wait_indirect_dma semaphore(%arg23 : memref<!tpu.dma_semaphore, #tpu.memory_space<semaphore_mem>>) src(%arg13 : memref<128x16xf32, #tpu.memory_space<vmem>>) dst(%dma_wait3A_98 : memref<1024x16xf32, #tpu.memory_space<vmem_shared>>)
    %dma_wait3A_99 = arith.constant 0 : i32
    %dma_wait3A_100 = arith.constant 0 : i32
    %dma_wait3A_101 = tpu.memref_slice %arg11[%dma_wait3A_99, %dma_wait3A_100] : memref<8x128xi32, #tpu.memory_space<vmem>> -> memref<1x128xi32, #tpu.memory_space<vmem>>
    %dma_wait3A_102 = tpu.memref_squeeze %dma_wait3A_101 : memref<1x128xi32, #tpu.memory_space<vmem>> -> memref<128xi32, #tpu.memory_space<vmem>>
    %dma_wait3A_103 = arith.constant 0 : i32
    %dma_wait3A_104 = arith.constant 0 : i32
    %dma_wait3A_105 = tpu.memref_slice %arg25[%dma_wait3A_103, %dma_wait3A_104] : memref<1024x16xf32, #tpu.memory_space<vmem_shared>> -> memref<1024x16xf32, #tpu.memory_space<vmem_shared>>
    tpu.wait_indirect_dma semaphore(%arg23 : memref<!tpu.dma_semaphore, #tpu.memory_space<semaphore_mem>>) src(%arg13 : memref<128x16xf32, #tpu.memory_space<vmem>>) dst(%dma_wait3A_105 : memref<1024x16xf32, #tpu.memory_space<vmem_shared>>)
    %dma_wait3A_106 = arith.constant 0 : i32
    %dma_wait3A_107 = arith.constant 0 : i32
    %dma_wait3A_108 = tpu.memref_slice %arg11[%dma_wait3A_106, %dma_wait3A_107] : memref<8x128xi32, #tpu.memory_space<vmem>> -> memref<1x128xi32, #tpu.memory_space<vmem>>
    %dma_wait3A_109 = tpu.memref_squeeze %dma_wait3A_108 : memref<1x128xi32, #tpu.memory_space<vmem>> -> memref<128xi32, #tpu.memory_space<vmem>>
    %dma_wait3A_110 = arith.constant 0 : i32
    %dma_wait3A_111 = arith.constant 0 : i32
    %dma_wait3A_112 = tpu.memref_slice %arg25[%dma_wait3A_110, %dma_wait3A_111] : memref<1024x16xf32, #tpu.memory_space<vmem_shared>> -> memref<1024x16xf32, #tpu.memory_space<vmem_shared>>
    tpu.wait_indirect_dma semaphore(%arg23 : memref<!tpu.dma_semaphore, #tpu.memory_space<semaphore_mem>>) src(%arg13 : memref<128x16xf32, #tpu.memory_space<vmem>>) dst(%dma_wait3A_112 : memref<1024x16xf32, #tpu.memory_space<vmem_shared>>)
    %dma_wait3A_113 = arith.constant 0 : i32
    %dma_wait3A_114 = arith.constant 0 : i32
    %dma_wait3A_115 = tpu.memref_slice %arg11[%dma_wait3A_113, %dma_wait3A_114] : memref<8x128xi32, #tpu.memory_space<vmem>> -> memref<1x128xi32, #tpu.memory_space<vmem>>
    %dma_wait3A_116 = tpu.memref_squeeze %dma_wait3A_115 : memref<1x128xi32, #tpu.memory_space<vmem>> -> memref<128xi32, #tpu.memory_space<vmem>>
    %dma_wait3A_117 = arith.constant 0 : i32
    %dma_wait3A_118 = arith.constant 0 : i32
    %dma_wait3A_119 = tpu.memref_slice %arg25[%dma_wait3A_117, %dma_wait3A_118] : memref<1024x16xf32, #tpu.memory_space<vmem_shared>> -> memref<1024x16xf32, #tpu.memory_space<vmem_shared>>
    tpu.wait_indirect_dma semaphore(%arg23 : memref<!tpu.dma_semaphore, #tpu.memory_space<semaphore_mem>>) src(%arg13 : memref<128x16xf32, #tpu.memory_space<vmem>>) dst(%dma_wait3A_119 : memref<1024x16xf32, #tpu.memory_space<vmem_shared>>)
    %barrier3A_120 = arith.constant 0 : index
    tpu.barrier barrier_id(%barrier3A_120)
    %mul3A_121 = arith.constant 64 : i32
    %mul3A_122 = arith.muli %arg1, %mul3A_121 : i32
    "tpu.region"() ({
      %run_scoped3A_123 = tpu.sem_alloc : memref<!tpu.dma_semaphore, #tpu.memory_space<semaphore_mem>>
      %dma_start3A_124 = arith.constant 0 : i32
      %dma_start3A_125 = tpu.memref_slice %arg8[%arg0, %mul3A_122, %dma_start3A_124] : memref<2x1024x32xf32, #tpu.memory_space<hbm>> -> memref<1x64x32xf32, #tpu.memory_space<hbm>>
      %dma_start3A_126 = tpu.memref_squeeze %dma_start3A_125 : memref<1x64x32xf32, #tpu.memory_space<hbm>> -> memref<64x32xf32, #tpu.memory_space<hbm>>
      %dma_start3A_127 = arith.constant 0 : i32
      %dma_start3A_128 = tpu.memref_slice %arg24[%mul3A_122, %dma_start3A_127] : memref<1024x32xf32, #tpu.memory_space<vmem_shared>> -> memref<64x32xf32, #tpu.memory_space<vmem_shared>>
      tpu.enqueue_dma source(%dma_start3A_128 : memref<64x32xf32, #tpu.memory_space<vmem_shared>>) target(%dma_start3A_126 : memref<64x32xf32, #tpu.memory_space<hbm>>) target_semaphore(%run_scoped3A_123 : memref<!tpu.dma_semaphore, #tpu.memory_space<semaphore_mem>>)
      %dma_wait3A_129 = arith.constant 0 : i32
      %dma_wait3A_130 = tpu.memref_slice %arg8[%arg0, %mul3A_122, %dma_wait3A_129] : memref<2x1024x32xf32, #tpu.memory_space<hbm>> -> memref<1x64x32xf32, #tpu.memory_space<hbm>>
      %dma_wait3A_131 = tpu.memref_squeeze %dma_wait3A_130 : memref<1x64x32xf32, #tpu.memory_space<hbm>> -> memref<64x32xf32, #tpu.memory_space<hbm>>
      %dma_wait3A_132 = arith.constant 0 : i32
      %dma_wait3A_133 = tpu.memref_slice %arg24[%mul3A_122, %dma_wait3A_132] : memref<1024x32xf32, #tpu.memory_space<vmem_shared>> -> memref<64x32xf32, #tpu.memory_space<vmem_shared>>
      tpu.wait_dma2 semaphore(%run_scoped3A_123 : memref<!tpu.dma_semaphore, #tpu.memory_space<semaphore_mem>>) src(%dma_wait3A_133 : memref<64x32xf32, #tpu.memory_space<vmem_shared>>) dst(%dma_wait3A_131 : memref<64x32xf32, #tpu.memory_space<hbm>>)
      tpu.yield
    }) : () -> ()
    "tpu.region"() ({
      %run_scoped3A_123 = tpu.sem_alloc : memref<!tpu.dma_semaphore, #tpu.memory_space<semaphore_mem>>
      %dma_start3A_124 = arith.constant 0 : i32
      %dma_start3A_125 = tpu.memref_slice %arg9[%arg0, %mul3A_122, %dma_start3A_124] : memref<2x1024x16xf32, #tpu.memory_space<hbm>> -> memref<1x64x16xf32, #tpu.memory_space<hbm>>
      %dma_start3A_126 = tpu.memref_squeeze %dma_start3A_125 : memref<1x64x16xf32, #tpu.memory_space<hbm>> -> memref<64x16xf32, #tpu.memory_space<hbm>>
      %dma_start3A_127 = arith.constant 0 : i32
      %dma_start3A_128 = tpu.memref_slice %arg25[%mul3A_122, %dma_start3A_127] : memref<1024x16xf32, #tpu.memory_space<vmem_shared>> -> memref<64x16xf32, #tpu.memory_space<vmem_shared>>
      tpu.enqueue_dma source(%dma_start3A_128 : memref<64x16xf32, #tpu.memory_space<vmem_shared>>) target(%dma_start3A_126 : memref<64x16xf32, #tpu.memory_space<hbm>>) target_semaphore(%run_scoped3A_123 : memref<!tpu.dma_semaphore, #tpu.memory_space<semaphore_mem>>)
      %dma_wait3A_129 = arith.constant 0 : i32
      %dma_wait3A_130 = tpu.memref_slice %arg9[%arg0, %mul3A_122, %dma_wait3A_129] : memref<2x1024x16xf32, #tpu.memory_space<hbm>> -> memref<1x64x16xf32, #tpu.memory_space<hbm>>
      %dma_wait3A_131 = tpu.memref_squeeze %dma_wait3A_130 : memref<1x64x16xf32, #tpu.memory_space<hbm>> -> memref<64x16xf32, #tpu.memory_space<hbm>>
      %dma_wait3A_132 = arith.constant 0 : i32
      %dma_wait3A_133 = tpu.memref_slice %arg25[%mul3A_122, %dma_wait3A_132] : memref<1024x16xf32, #tpu.memory_space<vmem_shared>> -> memref<64x16xf32, #tpu.memory_space<vmem_shared>>
      tpu.wait_dma2 semaphore(%run_scoped3A_123 : memref<!tpu.dma_semaphore, #tpu.memory_space<semaphore_mem>>) src(%dma_wait3A_133 : memref<64x16xf32, #tpu.memory_space<vmem_shared>>) dst(%dma_wait3A_131 : memref<64x16xf32, #tpu.memory_space<hbm>>)
      tpu.yield
    }) : () -> ()
    return
  }
}

#map = affine_map<(d0, d1) -> (0, 0)>
#map1 = affine_map<(d0, d1) -> (0, 0, 0)>
module attributes {stable_mosaic.version = 14 : i64} {
  func.func @seg_kernel(%arg0: i32, %arg1: i32, %arg2: memref<100000x64xf32, #tpu.memory_space<hbm>>, %arg3: memref<2x1280x128xi32, #tpu.memory_space<hbm>>, %arg4: memref<2x1280x128xi32, #tpu.memory_space<hbm>>, %arg5: memref<128x64xf32, #tpu.memory_space<hbm>>, %arg6: memref<128x16xf32, #tpu.memory_space<hbm>>, %arg7: memref<128x16xf32, #tpu.memory_space<hbm>>, %arg8: memref<2x10240x64xf32, #tpu.memory_space<hbm>>, %arg9: memref<2x10240x16xf32, #tpu.memory_space<hbm>>, %arg10: memref<80x128xi32, #tpu.memory_space<vmem>>, %arg11: memref<80x128xi32, #tpu.memory_space<vmem>>, %arg12: memref<4x128x64xf32, #tpu.memory_space<vmem>>, %arg13: memref<128x16xf32, #tpu.memory_space<vmem>>, %arg14: memref<128x16xf32, #tpu.memory_space<vmem>>, %arg15: memref<!tpu.dma_semaphore, #tpu.memory_space<semaphore_mem>>, %arg16: memref<!tpu.dma_semaphore, #tpu.memory_space<semaphore_mem>>, %arg17: memref<!tpu.dma_semaphore, #tpu.memory_space<semaphore_mem>>, %arg18: memref<!tpu.dma_semaphore, #tpu.memory_space<semaphore_mem>>, %arg19: memref<!tpu.dma_semaphore, #tpu.memory_space<semaphore_mem>>, %arg20: memref<!tpu.dma_semaphore, #tpu.memory_space<semaphore_mem>>, %arg21: memref<!tpu.dma_semaphore, #tpu.memory_space<semaphore_mem>>, %arg22: memref<!tpu.dma_semaphore, #tpu.memory_space<semaphore_mem>>, %arg23: memref<!tpu.dma_semaphore, #tpu.memory_space<semaphore_mem>>, %arg24: memref<10240x64xf32, #tpu.memory_space<vmem_shared>>, %arg25: memref<10240x16xf32, #tpu.memory_space<vmem_shared>>) attributes {dimension_semantics = [#tpu.dimension_semantics<core_parallel>, #tpu.dimension_semantics<subcore_parallel>], iteration_bounds = array<i64: 2, 16>, scalar_prefetch = 0 : i64, scratch_operands = 16 : i64, tpu.core_type = #tpu.core_type<sc_vector_subcore>, window_params = [{transform_indices = #map}, {transform_indices = #map1}, {transform_indices = #map1}, {transform_indices = #map}, {transform_indices = #map}, {transform_indices = #map}, {transform_indices = #map1}, {transform_indices = #map1}]} {
    %run_scoped3A = arith.constant 0 : i32
    "tpu.region"() ({
      %run_scoped3A_395 = tpu.sem_alloc : memref<!tpu.dma_semaphore, #tpu.memory_space<semaphore_mem>>
      %dma_start3A_396 = arith.constant 0 : i32
      %dma_start3A_397 = arith.constant 0 : i32
      %dma_start3A_398 = tpu.memref_slice %arg12[%run_scoped3A, %dma_start3A_396, %dma_start3A_397] : memref<4x128x64xf32, #tpu.memory_space<vmem>> -> memref<1x128x64xf32, #tpu.memory_space<vmem>>
      %dma_start3A_399 = tpu.memref_squeeze %dma_start3A_398 : memref<1x128x64xf32, #tpu.memory_space<vmem>> -> memref<128x64xf32, #tpu.memory_space<vmem>>
      %dma_start3A_400 = arith.constant 0 : i32
      %dma_start3A_401 = arith.constant 0 : i32
      %dma_start3A_402 = tpu.memref_slice %arg12[%run_scoped3A, %dma_start3A_400, %dma_start3A_401] : memref<4x128x64xf32, #tpu.memory_space<vmem>> -> memref<1x128x64xf32, #tpu.memory_space<vmem>>
      %dma_start3A_403 = tpu.memref_squeeze %dma_start3A_402 : memref<1x128x64xf32, #tpu.memory_space<vmem>> -> memref<128x64xf32, #tpu.memory_space<vmem>>
      tpu.enqueue_dma source(%arg5 : memref<128x64xf32, #tpu.memory_space<hbm>>) target(%dma_start3A_403 : memref<128x64xf32, #tpu.memory_space<vmem>>) target_semaphore(%run_scoped3A_395 : memref<!tpu.dma_semaphore, #tpu.memory_space<semaphore_mem>>)
      %dma_wait3A_404 = arith.constant 0 : i32
      %dma_wait3A_405 = arith.constant 0 : i32
      %dma_wait3A_406 = tpu.memref_slice %arg12[%run_scoped3A, %dma_wait3A_404, %dma_wait3A_405] : memref<4x128x64xf32, #tpu.memory_space<vmem>> -> memref<1x128x64xf32, #tpu.memory_space<vmem>>
      %dma_wait3A_407 = tpu.memref_squeeze %dma_wait3A_406 : memref<1x128x64xf32, #tpu.memory_space<vmem>> -> memref<128x64xf32, #tpu.memory_space<vmem>>
      %dma_wait3A_408 = arith.constant 0 : i32
      %dma_wait3A_409 = arith.constant 0 : i32
      %dma_wait3A_410 = tpu.memref_slice %arg12[%run_scoped3A, %dma_wait3A_408, %dma_wait3A_409] : memref<4x128x64xf32, #tpu.memory_space<vmem>> -> memref<1x128x64xf32, #tpu.memory_space<vmem>>
      %dma_wait3A_411 = tpu.memref_squeeze %dma_wait3A_410 : memref<1x128x64xf32, #tpu.memory_space<vmem>> -> memref<128x64xf32, #tpu.memory_space<vmem>>
      tpu.wait_dma2 semaphore(%run_scoped3A_395 : memref<!tpu.dma_semaphore, #tpu.memory_space<semaphore_mem>>) src(%arg5 : memref<128x64xf32, #tpu.memory_space<hbm>>) dst(%dma_wait3A_411 : memref<128x64xf32, #tpu.memory_space<vmem>>)
      tpu.yield
    }) : () -> ()
    "tpu.region"() ({
      %run_scoped3A_395 = tpu.sem_alloc : memref<!tpu.dma_semaphore, #tpu.memory_space<semaphore_mem>>
      tpu.enqueue_dma source(%arg6 : memref<128x16xf32, #tpu.memory_space<hbm>>) target(%arg14 : memref<128x16xf32, #tpu.memory_space<vmem>>) target_semaphore(%run_scoped3A_395 : memref<!tpu.dma_semaphore, #tpu.memory_space<semaphore_mem>>)
      tpu.wait_dma2 semaphore(%run_scoped3A_395 : memref<!tpu.dma_semaphore, #tpu.memory_space<semaphore_mem>>) src(%arg6 : memref<128x16xf32, #tpu.memory_space<hbm>>) dst(%arg14 : memref<128x16xf32, #tpu.memory_space<vmem>>)
      tpu.yield
    }) : () -> ()
    "tpu.region"() ({
      %run_scoped3A_395 = tpu.sem_alloc : memref<!tpu.dma_semaphore, #tpu.memory_space<semaphore_mem>>
      tpu.enqueue_dma source(%arg7 : memref<128x16xf32, #tpu.memory_space<hbm>>) target(%arg13 : memref<128x16xf32, #tpu.memory_space<vmem>>) target_semaphore(%run_scoped3A_395 : memref<!tpu.dma_semaphore, #tpu.memory_space<semaphore_mem>>)
      tpu.wait_dma2 semaphore(%run_scoped3A_395 : memref<!tpu.dma_semaphore, #tpu.memory_space<semaphore_mem>>) src(%arg7 : memref<128x16xf32, #tpu.memory_space<hbm>>) dst(%arg13 : memref<128x16xf32, #tpu.memory_space<vmem>>)
      tpu.yield
    }) : () -> ()
    %mul3A = arith.constant 640 : i32
    %mul3A_0 = arith.muli %arg1, %mul3A : i32
    %add3A = arith.constant 0 : i32
    %add3A_1 = arith.addi %mul3A_0, %add3A : i32
    %run_scoped3A_2 = arith.constant 0 : i32
    "tpu.region"() ({
      %run_scoped3A_395 = tpu.sem_alloc : memref<!tpu.dma_semaphore, #tpu.memory_space<semaphore_mem>>
      %dma_start3A_396 = arith.constant 0 : i32
      %dma_start3A_397 = arith.constant 0 : i32
      %dma_start3A_398 = tpu.memref_slice %arg12[%run_scoped3A_2, %dma_start3A_396, %dma_start3A_397] : memref<4x128x64xf32, #tpu.memory_space<vmem>> -> memref<1x128x64xf32, #tpu.memory_space<vmem>>
      %dma_start3A_399 = tpu.memref_squeeze %dma_start3A_398 : memref<1x128x64xf32, #tpu.memory_space<vmem>> -> memref<128x64xf32, #tpu.memory_space<vmem>>
      %dma_start3A_400 = arith.constant 0 : i32
      %dma_start3A_401 = tpu.memref_slice %arg24[%add3A_1, %dma_start3A_400] : memref<10240x64xf32, #tpu.memory_space<vmem_shared>> -> memref<128x64xf32, #tpu.memory_space<vmem_shared>>
      %dma_start3A_402 = arith.constant 0 : i32
      %dma_start3A_403 = tpu.memref_slice %arg24[%add3A_1, %dma_start3A_402] : memref<10240x64xf32, #tpu.memory_space<vmem_shared>> -> memref<128x64xf32, #tpu.memory_space<vmem_shared>>
      %dma_start3A_404 = arith.constant 0 : i32
      %dma_start3A_405 = arith.constant 0 : i32
      %dma_start3A_406 = tpu.memref_slice %arg12[%run_scoped3A_2, %dma_start3A_404, %dma_start3A_405] : memref<4x128x64xf32, #tpu.memory_space<vmem>> -> memref<1x128x64xf32, #tpu.memory_space<vmem>>
      %dma_start3A_407 = tpu.memref_squeeze %dma_start3A_406 : memref<1x128x64xf32, #tpu.memory_space<vmem>> -> memref<128x64xf32, #tpu.memory_space<vmem>>
      tpu.enqueue_dma source(%dma_start3A_407 : memref<128x64xf32, #tpu.memory_space<vmem>>) target(%dma_start3A_403 : memref<128x64xf32, #tpu.memory_space<vmem_shared>>) target_semaphore(%run_scoped3A_395 : memref<!tpu.dma_semaphore, #tpu.memory_space<semaphore_mem>>)
      %dma_wait3A_408 = arith.constant 0 : i32
      %dma_wait3A_409 = arith.constant 0 : i32
      %dma_wait3A_410 = tpu.memref_slice %arg12[%run_scoped3A_2, %dma_wait3A_408, %dma_wait3A_409] : memref<4x128x64xf32, #tpu.memory_space<vmem>> -> memref<1x128x64xf32, #tpu.memory_space<vmem>>
      %dma_wait3A_411 = tpu.memref_squeeze %dma_wait3A_410 : memref<1x128x64xf32, #tpu.memory_space<vmem>> -> memref<128x64xf32, #tpu.memory_space<vmem>>
      %dma_wait3A_412 = arith.constant 0 : i32
      %dma_wait3A_413 = tpu.memref_slice %arg24[%add3A_1, %dma_wait3A_412] : memref<10240x64xf32, #tpu.memory_space<vmem_shared>> -> memref<128x64xf32, #tpu.memory_space<vmem_shared>>
      %dma_wait3A_414 = arith.constant 0 : i32
      %dma_wait3A_415 = tpu.memref_slice %arg24[%add3A_1, %dma_wait3A_414] : memref<10240x64xf32, #tpu.memory_space<vmem_shared>> -> memref<128x64xf32, #tpu.memory_space<vmem_shared>>
      %dma_wait3A_416 = arith.constant 0 : i32
      %dma_wait3A_417 = arith.constant 0 : i32
      %dma_wait3A_418 = tpu.memref_slice %arg12[%run_scoped3A_2, %dma_wait3A_416, %dma_wait3A_417] : memref<4x128x64xf32, #tpu.memory_space<vmem>> -> memref<1x128x64xf32, #tpu.memory_space<vmem>>
      %dma_wait3A_419 = tpu.memref_squeeze %dma_wait3A_418 : memref<1x128x64xf32, #tpu.memory_space<vmem>> -> memref<128x64xf32, #tpu.memory_space<vmem>>
      tpu.wait_dma2 semaphore(%run_scoped3A_395 : memref<!tpu.dma_semaphore, #tpu.memory_space<semaphore_mem>>) src(%dma_wait3A_419 : memref<128x64xf32, #tpu.memory_space<vmem>>) dst(%dma_wait3A_415 : memref<128x64xf32, #tpu.memory_space<vmem_shared>>)
      tpu.yield
    }) : () -> ()
    "tpu.region"() ({
      %run_scoped3A_395 = tpu.sem_alloc : memref<!tpu.dma_semaphore, #tpu.memory_space<semaphore_mem>>
      %dma_start3A_396 = arith.constant 0 : i32
      %dma_start3A_397 = arith.constant 0 : i32
      %dma_start3A_398 = tpu.memref_slice %arg14[%dma_start3A_396, %dma_start3A_397] : memref<128x16xf32, #tpu.memory_space<vmem>> -> memref<128x16xf32, #tpu.memory_space<vmem>>
      %dma_start3A_399 = arith.constant 0 : i32
      %dma_start3A_400 = tpu.memref_slice %arg25[%add3A_1, %dma_start3A_399] : memref<10240x16xf32, #tpu.memory_space<vmem_shared>> -> memref<128x16xf32, #tpu.memory_space<vmem_shared>>
      %dma_start3A_401 = arith.constant 0 : i32
      %dma_start3A_402 = tpu.memref_slice %arg25[%add3A_1, %dma_start3A_401] : memref<10240x16xf32, #tpu.memory_space<vmem_shared>> -> memref<128x16xf32, #tpu.memory_space<vmem_shared>>
      %dma_start3A_403 = arith.constant 0 : i32
      %dma_start3A_404 = arith.constant 0 : i32
      %dma_start3A_405 = tpu.memref_slice %arg14[%dma_start3A_403, %dma_start3A_404] : memref<128x16xf32, #tpu.memory_space<vmem>> -> memref<128x16xf32, #tpu.memory_space<vmem>>
      tpu.enqueue_dma source(%dma_start3A_405 : memref<128x16xf32, #tpu.memory_space<vmem>>) target(%dma_start3A_402 : memref<128x16xf32, #tpu.memory_space<vmem_shared>>) target_semaphore(%run_scoped3A_395 : memref<!tpu.dma_semaphore, #tpu.memory_space<semaphore_mem>>)
      %dma_wait3A_406 = arith.constant 0 : i32
      %dma_wait3A_407 = arith.constant 0 : i32
      %dma_wait3A_408 = tpu.memref_slice %arg14[%dma_wait3A_406, %dma_wait3A_407] : memref<128x16xf32, #tpu.memory_space<vmem>> -> memref<128x16xf32, #tpu.memory_space<vmem>>
      %dma_wait3A_409 = arith.constant 0 : i32
      %dma_wait3A_410 = tpu.memref_slice %arg25[%add3A_1, %dma_wait3A_409] : memref<10240x16xf32, #tpu.memory_space<vmem_shared>> -> memref<128x16xf32, #tpu.memory_space<vmem_shared>>
      %dma_wait3A_411 = arith.constant 0 : i32
      %dma_wait3A_412 = tpu.memref_slice %arg25[%add3A_1, %dma_wait3A_411] : memref<10240x16xf32, #tpu.memory_space<vmem_shared>> -> memref<128x16xf32, #tpu.memory_space<vmem_shared>>
      %dma_wait3A_413 = arith.constant 0 : i32
      %dma_wait3A_414 = arith.constant 0 : i32
      %dma_wait3A_415 = tpu.memref_slice %arg14[%dma_wait3A_413, %dma_wait3A_414] : memref<128x16xf32, #tpu.memory_space<vmem>> -> memref<128x16xf32, #tpu.memory_space<vmem>>
      tpu.wait_dma2 semaphore(%run_scoped3A_395 : memref<!tpu.dma_semaphore, #tpu.memory_space<semaphore_mem>>) src(%dma_wait3A_415 : memref<128x16xf32, #tpu.memory_space<vmem>>) dst(%dma_wait3A_412 : memref<128x16xf32, #tpu.memory_space<vmem_shared>>)
      tpu.yield
    }) : () -> ()
    %mul3A_3 = arith.constant 640 : i32
    %mul3A_4 = arith.muli %arg1, %mul3A_3 : i32
    %add3A_5 = arith.constant 128 : i32
    %add3A_6 = arith.addi %mul3A_4, %add3A_5 : i32
    %run_scoped3A_7 = arith.constant 0 : i32
    "tpu.region"() ({
      %run_scoped3A_395 = tpu.sem_alloc : memref<!tpu.dma_semaphore, #tpu.memory_space<semaphore_mem>>
      %dma_start3A_396 = arith.constant 0 : i32
      %dma_start3A_397 = arith.constant 0 : i32
      %dma_start3A_398 = tpu.memref_slice %arg12[%run_scoped3A_7, %dma_start3A_396, %dma_start3A_397] : memref<4x128x64xf32, #tpu.memory_space<vmem>> -> memref<1x128x64xf32, #tpu.memory_space<vmem>>
      %dma_start3A_399 = tpu.memref_squeeze %dma_start3A_398 : memref<1x128x64xf32, #tpu.memory_space<vmem>> -> memref<128x64xf32, #tpu.memory_space<vmem>>
      %dma_start3A_400 = arith.constant 0 : i32
      %dma_start3A_401 = tpu.memref_slice %arg24[%add3A_6, %dma_start3A_400] : memref<10240x64xf32, #tpu.memory_space<vmem_shared>> -> memref<128x64xf32, #tpu.memory_space<vmem_shared>>
      %dma_start3A_402 = arith.constant 0 : i32
      %dma_start3A_403 = tpu.memref_slice %arg24[%add3A_6, %dma_start3A_402] : memref<10240x64xf32, #tpu.memory_space<vmem_shared>> -> memref<128x64xf32, #tpu.memory_space<vmem_shared>>
      %dma_start3A_404 = arith.constant 0 : i32
      %dma_start3A_405 = arith.constant 0 : i32
      %dma_start3A_406 = tpu.memref_slice %arg12[%run_scoped3A_7, %dma_start3A_404, %dma_start3A_405] : memref<4x128x64xf32, #tpu.memory_space<vmem>> -> memref<1x128x64xf32, #tpu.memory_space<vmem>>
      %dma_start3A_407 = tpu.memref_squeeze %dma_start3A_406 : memref<1x128x64xf32, #tpu.memory_space<vmem>> -> memref<128x64xf32, #tpu.memory_space<vmem>>
      tpu.enqueue_dma source(%dma_start3A_407 : memref<128x64xf32, #tpu.memory_space<vmem>>) target(%dma_start3A_403 : memref<128x64xf32, #tpu.memory_space<vmem_shared>>) target_semaphore(%run_scoped3A_395 : memref<!tpu.dma_semaphore, #tpu.memory_space<semaphore_mem>>)
      %dma_wait3A_408 = arith.constant 0 : i32
      %dma_wait3A_409 = arith.constant 0 : i32
      %dma_wait3A_410 = tpu.memref_slice %arg12[%run_scoped3A_7, %dma_wait3A_408, %dma_wait3A_409] : memref<4x128x64xf32, #tpu.memory_space<vmem>> -> memref<1x128x64xf32, #tpu.memory_space<vmem>>
      %dma_wait3A_411 = tpu.memref_squeeze %dma_wait3A_410 : memref<1x128x64xf32, #tpu.memory_space<vmem>> -> memref<128x64xf32, #tpu.memory_space<vmem>>
      %dma_wait3A_412 = arith.constant 0 : i32
      %dma_wait3A_413 = tpu.memref_slice %arg24[%add3A_6, %dma_wait3A_412] : memref<10240x64xf32, #tpu.memory_space<vmem_shared>> -> memref<128x64xf32, #tpu.memory_space<vmem_shared>>
      %dma_wait3A_414 = arith.constant 0 : i32
      %dma_wait3A_415 = tpu.memref_slice %arg24[%add3A_6, %dma_wait3A_414] : memref<10240x64xf32, #tpu.memory_space<vmem_shared>> -> memref<128x64xf32, #tpu.memory_space<vmem_shared>>
      %dma_wait3A_416 = arith.constant 0 : i32
      %dma_wait3A_417 = arith.constant 0 : i32
      %dma_wait3A_418 = tpu.memref_slice %arg12[%run_scoped3A_7, %dma_wait3A_416, %dma_wait3A_417] : memref<4x128x64xf32, #tpu.memory_space<vmem>> -> memref<1x128x64xf32, #tpu.memory_space<vmem>>
      %dma_wait3A_419 = tpu.memref_squeeze %dma_wait3A_418 : memref<1x128x64xf32, #tpu.memory_space<vmem>> -> memref<128x64xf32, #tpu.memory_space<vmem>>
      tpu.wait_dma2 semaphore(%run_scoped3A_395 : memref<!tpu.dma_semaphore, #tpu.memory_space<semaphore_mem>>) src(%dma_wait3A_419 : memref<128x64xf32, #tpu.memory_space<vmem>>) dst(%dma_wait3A_415 : memref<128x64xf32, #tpu.memory_space<vmem_shared>>)
      tpu.yield
    }) : () -> ()
    "tpu.region"() ({
      %run_scoped3A_395 = tpu.sem_alloc : memref<!tpu.dma_semaphore, #tpu.memory_space<semaphore_mem>>
      %dma_start3A_396 = arith.constant 0 : i32
      %dma_start3A_397 = arith.constant 0 : i32
      %dma_start3A_398 = tpu.memref_slice %arg14[%dma_start3A_396, %dma_start3A_397] : memref<128x16xf32, #tpu.memory_space<vmem>> -> memref<128x16xf32, #tpu.memory_space<vmem>>
      %dma_start3A_399 = arith.constant 0 : i32
      %dma_start3A_400 = tpu.memref_slice %arg25[%add3A_6, %dma_start3A_399] : memref<10240x16xf32, #tpu.memory_space<vmem_shared>> -> memref<128x16xf32, #tpu.memory_space<vmem_shared>>
      %dma_start3A_401 = arith.constant 0 : i32
      %dma_start3A_402 = tpu.memref_slice %arg25[%add3A_6, %dma_start3A_401] : memref<10240x16xf32, #tpu.memory_space<vmem_shared>> -> memref<128x16xf32, #tpu.memory_space<vmem_shared>>
      %dma_start3A_403 = arith.constant 0 : i32
      %dma_start3A_404 = arith.constant 0 : i32
      %dma_start3A_405 = tpu.memref_slice %arg14[%dma_start3A_403, %dma_start3A_404] : memref<128x16xf32, #tpu.memory_space<vmem>> -> memref<128x16xf32, #tpu.memory_space<vmem>>
      tpu.enqueue_dma source(%dma_start3A_405 : memref<128x16xf32, #tpu.memory_space<vmem>>) target(%dma_start3A_402 : memref<128x16xf32, #tpu.memory_space<vmem_shared>>) target_semaphore(%run_scoped3A_395 : memref<!tpu.dma_semaphore, #tpu.memory_space<semaphore_mem>>)
      %dma_wait3A_406 = arith.constant 0 : i32
      %dma_wait3A_407 = arith.constant 0 : i32
      %dma_wait3A_408 = tpu.memref_slice %arg14[%dma_wait3A_406, %dma_wait3A_407] : memref<128x16xf32, #tpu.memory_space<vmem>> -> memref<128x16xf32, #tpu.memory_space<vmem>>
      %dma_wait3A_409 = arith.constant 0 : i32
      %dma_wait3A_410 = tpu.memref_slice %arg25[%add3A_6, %dma_wait3A_409] : memref<10240x16xf32, #tpu.memory_space<vmem_shared>> -> memref<128x16xf32, #tpu.memory_space<vmem_shared>>
      %dma_wait3A_411 = arith.constant 0 : i32
      %dma_wait3A_412 = tpu.memref_slice %arg25[%add3A_6, %dma_wait3A_411] : memref<10240x16xf32, #tpu.memory_space<vmem_shared>> -> memref<128x16xf32, #tpu.memory_space<vmem_shared>>
      %dma_wait3A_413 = arith.constant 0 : i32
      %dma_wait3A_414 = arith.constant 0 : i32
      %dma_wait3A_415 = tpu.memref_slice %arg14[%dma_wait3A_413, %dma_wait3A_414] : memref<128x16xf32, #tpu.memory_space<vmem>> -> memref<128x16xf32, #tpu.memory_space<vmem>>
      tpu.wait_dma2 semaphore(%run_scoped3A_395 : memref<!tpu.dma_semaphore, #tpu.memory_space<semaphore_mem>>) src(%dma_wait3A_415 : memref<128x16xf32, #tpu.memory_space<vmem>>) dst(%dma_wait3A_412 : memref<128x16xf32, #tpu.memory_space<vmem_shared>>)
      tpu.yield
    }) : () -> ()
    %mul3A_8 = arith.constant 640 : i32
    %mul3A_9 = arith.muli %arg1, %mul3A_8 : i32
    %add3A_10 = arith.constant 256 : i32
    %add3A_11 = arith.addi %mul3A_9, %add3A_10 : i32
    %run_scoped3A_12 = arith.constant 0 : i32
    "tpu.region"() ({
      %run_scoped3A_395 = tpu.sem_alloc : memref<!tpu.dma_semaphore, #tpu.memory_space<semaphore_mem>>
      %dma_start3A_396 = arith.constant 0 : i32
      %dma_start3A_397 = arith.constant 0 : i32
      %dma_start3A_398 = tpu.memref_slice %arg12[%run_scoped3A_12, %dma_start3A_396, %dma_start3A_397] : memref<4x128x64xf32, #tpu.memory_space<vmem>> -> memref<1x128x64xf32, #tpu.memory_space<vmem>>
      %dma_start3A_399 = tpu.memref_squeeze %dma_start3A_398 : memref<1x128x64xf32, #tpu.memory_space<vmem>> -> memref<128x64xf32, #tpu.memory_space<vmem>>
      %dma_start3A_400 = arith.constant 0 : i32
      %dma_start3A_401 = tpu.memref_slice %arg24[%add3A_11, %dma_start3A_400] : memref<10240x64xf32, #tpu.memory_space<vmem_shared>> -> memref<128x64xf32, #tpu.memory_space<vmem_shared>>
      %dma_start3A_402 = arith.constant 0 : i32
      %dma_start3A_403 = tpu.memref_slice %arg24[%add3A_11, %dma_start3A_402] : memref<10240x64xf32, #tpu.memory_space<vmem_shared>> -> memref<128x64xf32, #tpu.memory_space<vmem_shared>>
      %dma_start3A_404 = arith.constant 0 : i32
      %dma_start3A_405 = arith.constant 0 : i32
      %dma_start3A_406 = tpu.memref_slice %arg12[%run_scoped3A_12, %dma_start3A_404, %dma_start3A_405] : memref<4x128x64xf32, #tpu.memory_space<vmem>> -> memref<1x128x64xf32, #tpu.memory_space<vmem>>
      %dma_start3A_407 = tpu.memref_squeeze %dma_start3A_406 : memref<1x128x64xf32, #tpu.memory_space<vmem>> -> memref<128x64xf32, #tpu.memory_space<vmem>>
      tpu.enqueue_dma source(%dma_start3A_407 : memref<128x64xf32, #tpu.memory_space<vmem>>) target(%dma_start3A_403 : memref<128x64xf32, #tpu.memory_space<vmem_shared>>) target_semaphore(%run_scoped3A_395 : memref<!tpu.dma_semaphore, #tpu.memory_space<semaphore_mem>>)
      %dma_wait3A_408 = arith.constant 0 : i32
      %dma_wait3A_409 = arith.constant 0 : i32
      %dma_wait3A_410 = tpu.memref_slice %arg12[%run_scoped3A_12, %dma_wait3A_408, %dma_wait3A_409] : memref<4x128x64xf32, #tpu.memory_space<vmem>> -> memref<1x128x64xf32, #tpu.memory_space<vmem>>
      %dma_wait3A_411 = tpu.memref_squeeze %dma_wait3A_410 : memref<1x128x64xf32, #tpu.memory_space<vmem>> -> memref<128x64xf32, #tpu.memory_space<vmem>>
      %dma_wait3A_412 = arith.constant 0 : i32
      %dma_wait3A_413 = tpu.memref_slice %arg24[%add3A_11, %dma_wait3A_412] : memref<10240x64xf32, #tpu.memory_space<vmem_shared>> -> memref<128x64xf32, #tpu.memory_space<vmem_shared>>
      %dma_wait3A_414 = arith.constant 0 : i32
      %dma_wait3A_415 = tpu.memref_slice %arg24[%add3A_11, %dma_wait3A_414] : memref<10240x64xf32, #tpu.memory_space<vmem_shared>> -> memref<128x64xf32, #tpu.memory_space<vmem_shared>>
      %dma_wait3A_416 = arith.constant 0 : i32
      %dma_wait3A_417 = arith.constant 0 : i32
      %dma_wait3A_418 = tpu.memref_slice %arg12[%run_scoped3A_12, %dma_wait3A_416, %dma_wait3A_417] : memref<4x128x64xf32, #tpu.memory_space<vmem>> -> memref<1x128x64xf32, #tpu.memory_space<vmem>>
      %dma_wait3A_419 = tpu.memref_squeeze %dma_wait3A_418 : memref<1x128x64xf32, #tpu.memory_space<vmem>> -> memref<128x64xf32, #tpu.memory_space<vmem>>
      tpu.wait_dma2 semaphore(%run_scoped3A_395 : memref<!tpu.dma_semaphore, #tpu.memory_space<semaphore_mem>>) src(%dma_wait3A_419 : memref<128x64xf32, #tpu.memory_space<vmem>>) dst(%dma_wait3A_415 : memref<128x64xf32, #tpu.memory_space<vmem_shared>>)
      tpu.yield
    }) : () -> ()
    "tpu.region"() ({
      %run_scoped3A_395 = tpu.sem_alloc : memref<!tpu.dma_semaphore, #tpu.memory_space<semaphore_mem>>
      %dma_start3A_396 = arith.constant 0 : i32
      %dma_start3A_397 = arith.constant 0 : i32
      %dma_start3A_398 = tpu.memref_slice %arg14[%dma_start3A_396, %dma_start3A_397] : memref<128x16xf32, #tpu.memory_space<vmem>> -> memref<128x16xf32, #tpu.memory_space<vmem>>
      %dma_start3A_399 = arith.constant 0 : i32
      %dma_start3A_400 = tpu.memref_slice %arg25[%add3A_11, %dma_start3A_399] : memref<10240x16xf32, #tpu.memory_space<vmem_shared>> -> memref<128x16xf32, #tpu.memory_space<vmem_shared>>
      %dma_start3A_401 = arith.constant 0 : i32
      %dma_start3A_402 = tpu.memref_slice %arg25[%add3A_11, %dma_start3A_401] : memref<10240x16xf32, #tpu.memory_space<vmem_shared>> -> memref<128x16xf32, #tpu.memory_space<vmem_shared>>
      %dma_start3A_403 = arith.constant 0 : i32
      %dma_start3A_404 = arith.constant 0 : i32
      %dma_start3A_405 = tpu.memref_slice %arg14[%dma_start3A_403, %dma_start3A_404] : memref<128x16xf32, #tpu.memory_space<vmem>> -> memref<128x16xf32, #tpu.memory_space<vmem>>
      tpu.enqueue_dma source(%dma_start3A_405 : memref<128x16xf32, #tpu.memory_space<vmem>>) target(%dma_start3A_402 : memref<128x16xf32, #tpu.memory_space<vmem_shared>>) target_semaphore(%run_scoped3A_395 : memref<!tpu.dma_semaphore, #tpu.memory_space<semaphore_mem>>)
      %dma_wait3A_406 = arith.constant 0 : i32
      %dma_wait3A_407 = arith.constant 0 : i32
      %dma_wait3A_408 = tpu.memref_slice %arg14[%dma_wait3A_406, %dma_wait3A_407] : memref<128x16xf32, #tpu.memory_space<vmem>> -> memref<128x16xf32, #tpu.memory_space<vmem>>
      %dma_wait3A_409 = arith.constant 0 : i32
      %dma_wait3A_410 = tpu.memref_slice %arg25[%add3A_11, %dma_wait3A_409] : memref<10240x16xf32, #tpu.memory_space<vmem_shared>> -> memref<128x16xf32, #tpu.memory_space<vmem_shared>>
      %dma_wait3A_411 = arith.constant 0 : i32
      %dma_wait3A_412 = tpu.memref_slice %arg25[%add3A_11, %dma_wait3A_411] : memref<10240x16xf32, #tpu.memory_space<vmem_shared>> -> memref<128x16xf32, #tpu.memory_space<vmem_shared>>
      %dma_wait3A_413 = arith.constant 0 : i32
      %dma_wait3A_414 = arith.constant 0 : i32
      %dma_wait3A_415 = tpu.memref_slice %arg14[%dma_wait3A_413, %dma_wait3A_414] : memref<128x16xf32, #tpu.memory_space<vmem>> -> memref<128x16xf32, #tpu.memory_space<vmem>>
      tpu.wait_dma2 semaphore(%run_scoped3A_395 : memref<!tpu.dma_semaphore, #tpu.memory_space<semaphore_mem>>) src(%dma_wait3A_415 : memref<128x16xf32, #tpu.memory_space<vmem>>) dst(%dma_wait3A_412 : memref<128x16xf32, #tpu.memory_space<vmem_shared>>)
      tpu.yield
    }) : () -> ()
    %mul3A_13 = arith.constant 640 : i32
    %mul3A_14 = arith.muli %arg1, %mul3A_13 : i32
    %add3A_15 = arith.constant 384 : i32
    %add3A_16 = arith.addi %mul3A_14, %add3A_15 : i32
    %run_scoped3A_17 = arith.constant 0 : i32
    "tpu.region"() ({
      %run_scoped3A_395 = tpu.sem_alloc : memref<!tpu.dma_semaphore, #tpu.memory_space<semaphore_mem>>
      %dma_start3A_396 = arith.constant 0 : i32
      %dma_start3A_397 = arith.constant 0 : i32
      %dma_start3A_398 = tpu.memref_slice %arg12[%run_scoped3A_17, %dma_start3A_396, %dma_start3A_397] : memref<4x128x64xf32, #tpu.memory_space<vmem>> -> memref<1x128x64xf32, #tpu.memory_space<vmem>>
      %dma_start3A_399 = tpu.memref_squeeze %dma_start3A_398 : memref<1x128x64xf32, #tpu.memory_space<vmem>> -> memref<128x64xf32, #tpu.memory_space<vmem>>
      %dma_start3A_400 = arith.constant 0 : i32
      %dma_start3A_401 = tpu.memref_slice %arg24[%add3A_16, %dma_start3A_400] : memref<10240x64xf32, #tpu.memory_space<vmem_shared>> -> memref<128x64xf32, #tpu.memory_space<vmem_shared>>
      %dma_start3A_402 = arith.constant 0 : i32
      %dma_start3A_403 = tpu.memref_slice %arg24[%add3A_16, %dma_start3A_402] : memref<10240x64xf32, #tpu.memory_space<vmem_shared>> -> memref<128x64xf32, #tpu.memory_space<vmem_shared>>
      %dma_start3A_404 = arith.constant 0 : i32
      %dma_start3A_405 = arith.constant 0 : i32
      %dma_start3A_406 = tpu.memref_slice %arg12[%run_scoped3A_17, %dma_start3A_404, %dma_start3A_405] : memref<4x128x64xf32, #tpu.memory_space<vmem>> -> memref<1x128x64xf32, #tpu.memory_space<vmem>>
      %dma_start3A_407 = tpu.memref_squeeze %dma_start3A_406 : memref<1x128x64xf32, #tpu.memory_space<vmem>> -> memref<128x64xf32, #tpu.memory_space<vmem>>
      tpu.enqueue_dma source(%dma_start3A_407 : memref<128x64xf32, #tpu.memory_space<vmem>>) target(%dma_start3A_403 : memref<128x64xf32, #tpu.memory_space<vmem_shared>>) target_semaphore(%run_scoped3A_395 : memref<!tpu.dma_semaphore, #tpu.memory_space<semaphore_mem>>)
      %dma_wait3A_408 = arith.constant 0 : i32
      %dma_wait3A_409 = arith.constant 0 : i32
      %dma_wait3A_410 = tpu.memref_slice %arg12[%run_scoped3A_17, %dma_wait3A_408, %dma_wait3A_409] : memref<4x128x64xf32, #tpu.memory_space<vmem>> -> memref<1x128x64xf32, #tpu.memory_space<vmem>>
      %dma_wait3A_411 = tpu.memref_squeeze %dma_wait3A_410 : memref<1x128x64xf32, #tpu.memory_space<vmem>> -> memref<128x64xf32, #tpu.memory_space<vmem>>
      %dma_wait3A_412 = arith.constant 0 : i32
      %dma_wait3A_413 = tpu.memref_slice %arg24[%add3A_16, %dma_wait3A_412] : memref<10240x64xf32, #tpu.memory_space<vmem_shared>> -> memref<128x64xf32, #tpu.memory_space<vmem_shared>>
      %dma_wait3A_414 = arith.constant 0 : i32
      %dma_wait3A_415 = tpu.memref_slice %arg24[%add3A_16, %dma_wait3A_414] : memref<10240x64xf32, #tpu.memory_space<vmem_shared>> -> memref<128x64xf32, #tpu.memory_space<vmem_shared>>
      %dma_wait3A_416 = arith.constant 0 : i32
      %dma_wait3A_417 = arith.constant 0 : i32
      %dma_wait3A_418 = tpu.memref_slice %arg12[%run_scoped3A_17, %dma_wait3A_416, %dma_wait3A_417] : memref<4x128x64xf32, #tpu.memory_space<vmem>> -> memref<1x128x64xf32, #tpu.memory_space<vmem>>
      %dma_wait3A_419 = tpu.memref_squeeze %dma_wait3A_418 : memref<1x128x64xf32, #tpu.memory_space<vmem>> -> memref<128x64xf32, #tpu.memory_space<vmem>>
      tpu.wait_dma2 semaphore(%run_scoped3A_395 : memref<!tpu.dma_semaphore, #tpu.memory_space<semaphore_mem>>) src(%dma_wait3A_419 : memref<128x64xf32, #tpu.memory_space<vmem>>) dst(%dma_wait3A_415 : memref<128x64xf32, #tpu.memory_space<vmem_shared>>)
      tpu.yield
    }) : () -> ()
    "tpu.region"() ({
      %run_scoped3A_395 = tpu.sem_alloc : memref<!tpu.dma_semaphore, #tpu.memory_space<semaphore_mem>>
      %dma_start3A_396 = arith.constant 0 : i32
      %dma_start3A_397 = arith.constant 0 : i32
      %dma_start3A_398 = tpu.memref_slice %arg14[%dma_start3A_396, %dma_start3A_397] : memref<128x16xf32, #tpu.memory_space<vmem>> -> memref<128x16xf32, #tpu.memory_space<vmem>>
      %dma_start3A_399 = arith.constant 0 : i32
      %dma_start3A_400 = tpu.memref_slice %arg25[%add3A_16, %dma_start3A_399] : memref<10240x16xf32, #tpu.memory_space<vmem_shared>> -> memref<128x16xf32, #tpu.memory_space<vmem_shared>>
      %dma_start3A_401 = arith.constant 0 : i32
      %dma_start3A_402 = tpu.memref_slice %arg25[%add3A_16, %dma_start3A_401] : memref<10240x16xf32, #tpu.memory_space<vmem_shared>> -> memref<128x16xf32, #tpu.memory_space<vmem_shared>>
      %dma_start3A_403 = arith.constant 0 : i32
      %dma_start3A_404 = arith.constant 0 : i32
      %dma_start3A_405 = tpu.memref_slice %arg14[%dma_start3A_403, %dma_start3A_404] : memref<128x16xf32, #tpu.memory_space<vmem>> -> memref<128x16xf32, #tpu.memory_space<vmem>>
      tpu.enqueue_dma source(%dma_start3A_405 : memref<128x16xf32, #tpu.memory_space<vmem>>) target(%dma_start3A_402 : memref<128x16xf32, #tpu.memory_space<vmem_shared>>) target_semaphore(%run_scoped3A_395 : memref<!tpu.dma_semaphore, #tpu.memory_space<semaphore_mem>>)
      %dma_wait3A_406 = arith.constant 0 : i32
      %dma_wait3A_407 = arith.constant 0 : i32
      %dma_wait3A_408 = tpu.memref_slice %arg14[%dma_wait3A_406, %dma_wait3A_407] : memref<128x16xf32, #tpu.memory_space<vmem>> -> memref<128x16xf32, #tpu.memory_space<vmem>>
      %dma_wait3A_409 = arith.constant 0 : i32
      %dma_wait3A_410 = tpu.memref_slice %arg25[%add3A_16, %dma_wait3A_409] : memref<10240x16xf32, #tpu.memory_space<vmem_shared>> -> memref<128x16xf32, #tpu.memory_space<vmem_shared>>
      %dma_wait3A_411 = arith.constant 0 : i32
      %dma_wait3A_412 = tpu.memref_slice %arg25[%add3A_16, %dma_wait3A_411] : memref<10240x16xf32, #tpu.memory_space<vmem_shared>> -> memref<128x16xf32, #tpu.memory_space<vmem_shared>>
      %dma_wait3A_413 = arith.constant 0 : i32
      %dma_wait3A_414 = arith.constant 0 : i32
      %dma_wait3A_415 = tpu.memref_slice %arg14[%dma_wait3A_413, %dma_wait3A_414] : memref<128x16xf32, #tpu.memory_space<vmem>> -> memref<128x16xf32, #tpu.memory_space<vmem>>
      tpu.wait_dma2 semaphore(%run_scoped3A_395 : memref<!tpu.dma_semaphore, #tpu.memory_space<semaphore_mem>>) src(%dma_wait3A_415 : memref<128x16xf32, #tpu.memory_space<vmem>>) dst(%dma_wait3A_412 : memref<128x16xf32, #tpu.memory_space<vmem_shared>>)
      tpu.yield
    }) : () -> ()
    %mul3A_18 = arith.constant 640 : i32
    %mul3A_19 = arith.muli %arg1, %mul3A_18 : i32
    %add3A_20 = arith.constant 512 : i32
    %add3A_21 = arith.addi %mul3A_19, %add3A_20 : i32
    %run_scoped3A_22 = arith.constant 0 : i32
    "tpu.region"() ({
      %run_scoped3A_395 = tpu.sem_alloc : memref<!tpu.dma_semaphore, #tpu.memory_space<semaphore_mem>>
      %dma_start3A_396 = arith.constant 0 : i32
      %dma_start3A_397 = arith.constant 0 : i32
      %dma_start3A_398 = tpu.memref_slice %arg12[%run_scoped3A_22, %dma_start3A_396, %dma_start3A_397] : memref<4x128x64xf32, #tpu.memory_space<vmem>> -> memref<1x128x64xf32, #tpu.memory_space<vmem>>
      %dma_start3A_399 = tpu.memref_squeeze %dma_start3A_398 : memref<1x128x64xf32, #tpu.memory_space<vmem>> -> memref<128x64xf32, #tpu.memory_space<vmem>>
      %dma_start3A_400 = arith.constant 0 : i32
      %dma_start3A_401 = tpu.memref_slice %arg24[%add3A_21, %dma_start3A_400] : memref<10240x64xf32, #tpu.memory_space<vmem_shared>> -> memref<128x64xf32, #tpu.memory_space<vmem_shared>>
      %dma_start3A_402 = arith.constant 0 : i32
      %dma_start3A_403 = tpu.memref_slice %arg24[%add3A_21, %dma_start3A_402] : memref<10240x64xf32, #tpu.memory_space<vmem_shared>> -> memref<128x64xf32, #tpu.memory_space<vmem_shared>>
      %dma_start3A_404 = arith.constant 0 : i32
      %dma_start3A_405 = arith.constant 0 : i32
      %dma_start3A_406 = tpu.memref_slice %arg12[%run_scoped3A_22, %dma_start3A_404, %dma_start3A_405] : memref<4x128x64xf32, #tpu.memory_space<vmem>> -> memref<1x128x64xf32, #tpu.memory_space<vmem>>
      %dma_start3A_407 = tpu.memref_squeeze %dma_start3A_406 : memref<1x128x64xf32, #tpu.memory_space<vmem>> -> memref<128x64xf32, #tpu.memory_space<vmem>>
      tpu.enqueue_dma source(%dma_start3A_407 : memref<128x64xf32, #tpu.memory_space<vmem>>) target(%dma_start3A_403 : memref<128x64xf32, #tpu.memory_space<vmem_shared>>) target_semaphore(%run_scoped3A_395 : memref<!tpu.dma_semaphore, #tpu.memory_space<semaphore_mem>>)
      %dma_wait3A_408 = arith.constant 0 : i32
      %dma_wait3A_409 = arith.constant 0 : i32
      %dma_wait3A_410 = tpu.memref_slice %arg12[%run_scoped3A_22, %dma_wait3A_408, %dma_wait3A_409] : memref<4x128x64xf32, #tpu.memory_space<vmem>> -> memref<1x128x64xf32, #tpu.memory_space<vmem>>
      %dma_wait3A_411 = tpu.memref_squeeze %dma_wait3A_410 : memref<1x128x64xf32, #tpu.memory_space<vmem>> -> memref<128x64xf32, #tpu.memory_space<vmem>>
      %dma_wait3A_412 = arith.constant 0 : i32
      %dma_wait3A_413 = tpu.memref_slice %arg24[%add3A_21, %dma_wait3A_412] : memref<10240x64xf32, #tpu.memory_space<vmem_shared>> -> memref<128x64xf32, #tpu.memory_space<vmem_shared>>
      %dma_wait3A_414 = arith.constant 0 : i32
      %dma_wait3A_415 = tpu.memref_slice %arg24[%add3A_21, %dma_wait3A_414] : memref<10240x64xf32, #tpu.memory_space<vmem_shared>> -> memref<128x64xf32, #tpu.memory_space<vmem_shared>>
      %dma_wait3A_416 = arith.constant 0 : i32
      %dma_wait3A_417 = arith.constant 0 : i32
      %dma_wait3A_418 = tpu.memref_slice %arg12[%run_scoped3A_22, %dma_wait3A_416, %dma_wait3A_417] : memref<4x128x64xf32, #tpu.memory_space<vmem>> -> memref<1x128x64xf32, #tpu.memory_space<vmem>>
      %dma_wait3A_419 = tpu.memref_squeeze %dma_wait3A_418 : memref<1x128x64xf32, #tpu.memory_space<vmem>> -> memref<128x64xf32, #tpu.memory_space<vmem>>
      tpu.wait_dma2 semaphore(%run_scoped3A_395 : memref<!tpu.dma_semaphore, #tpu.memory_space<semaphore_mem>>) src(%dma_wait3A_419 : memref<128x64xf32, #tpu.memory_space<vmem>>) dst(%dma_wait3A_415 : memref<128x64xf32, #tpu.memory_space<vmem_shared>>)
      tpu.yield
    }) : () -> ()
    "tpu.region"() ({
      %run_scoped3A_395 = tpu.sem_alloc : memref<!tpu.dma_semaphore, #tpu.memory_space<semaphore_mem>>
      %dma_start3A_396 = arith.constant 0 : i32
      %dma_start3A_397 = arith.constant 0 : i32
      %dma_start3A_398 = tpu.memref_slice %arg14[%dma_start3A_396, %dma_start3A_397] : memref<128x16xf32, #tpu.memory_space<vmem>> -> memref<128x16xf32, #tpu.memory_space<vmem>>
      %dma_start3A_399 = arith.constant 0 : i32
      %dma_start3A_400 = tpu.memref_slice %arg25[%add3A_21, %dma_start3A_399] : memref<10240x16xf32, #tpu.memory_space<vmem_shared>> -> memref<128x16xf32, #tpu.memory_space<vmem_shared>>
      %dma_start3A_401 = arith.constant 0 : i32
      %dma_start3A_402 = tpu.memref_slice %arg25[%add3A_21, %dma_start3A_401] : memref<10240x16xf32, #tpu.memory_space<vmem_shared>> -> memref<128x16xf32, #tpu.memory_space<vmem_shared>>
      %dma_start3A_403 = arith.constant 0 : i32
      %dma_start3A_404 = arith.constant 0 : i32
      %dma_start3A_405 = tpu.memref_slice %arg14[%dma_start3A_403, %dma_start3A_404] : memref<128x16xf32, #tpu.memory_space<vmem>> -> memref<128x16xf32, #tpu.memory_space<vmem>>
      tpu.enqueue_dma source(%dma_start3A_405 : memref<128x16xf32, #tpu.memory_space<vmem>>) target(%dma_start3A_402 : memref<128x16xf32, #tpu.memory_space<vmem_shared>>) target_semaphore(%run_scoped3A_395 : memref<!tpu.dma_semaphore, #tpu.memory_space<semaphore_mem>>)
      %dma_wait3A_406 = arith.constant 0 : i32
      %dma_wait3A_407 = arith.constant 0 : i32
      %dma_wait3A_408 = tpu.memref_slice %arg14[%dma_wait3A_406, %dma_wait3A_407] : memref<128x16xf32, #tpu.memory_space<vmem>> -> memref<128x16xf32, #tpu.memory_space<vmem>>
      %dma_wait3A_409 = arith.constant 0 : i32
      %dma_wait3A_410 = tpu.memref_slice %arg25[%add3A_21, %dma_wait3A_409] : memref<10240x16xf32, #tpu.memory_space<vmem_shared>> -> memref<128x16xf32, #tpu.memory_space<vmem_shared>>
      %dma_wait3A_411 = arith.constant 0 : i32
      %dma_wait3A_412 = tpu.memref_slice %arg25[%add3A_21, %dma_wait3A_411] : memref<10240x16xf32, #tpu.memory_space<vmem_shared>> -> memref<128x16xf32, #tpu.memory_space<vmem_shared>>
      %dma_wait3A_413 = arith.constant 0 : i32
      %dma_wait3A_414 = arith.constant 0 : i32
      %dma_wait3A_415 = tpu.memref_slice %arg14[%dma_wait3A_413, %dma_wait3A_414] : memref<128x16xf32, #tpu.memory_space<vmem>> -> memref<128x16xf32, #tpu.memory_space<vmem>>
      tpu.wait_dma2 semaphore(%run_scoped3A_395 : memref<!tpu.dma_semaphore, #tpu.memory_space<semaphore_mem>>) src(%dma_wait3A_415 : memref<128x16xf32, #tpu.memory_space<vmem>>) dst(%dma_wait3A_412 : memref<128x16xf32, #tpu.memory_space<vmem_shared>>)
      tpu.yield
    }) : () -> ()
    %barrier3A = arith.constant 0 : index
    tpu.barrier barrier_id(%barrier3A)
    %mul3A_23 = arith.constant 80 : i32
    %mul3A_24 = arith.muli %arg1, %mul3A_23 : i32
    "tpu.region"() ({
      %run_scoped3A_395 = tpu.sem_alloc : memref<!tpu.dma_semaphore, #tpu.memory_space<semaphore_mem>>
      %dma_start3A_396 = arith.constant 0 : i32
      %dma_start3A_397 = tpu.memref_slice %arg3[%arg0, %mul3A_24, %dma_start3A_396] : memref<2x1280x128xi32, #tpu.memory_space<hbm>> -> memref<1x80x128xi32, #tpu.memory_space<hbm>>
      %dma_start3A_398 = tpu.memref_squeeze %dma_start3A_397 : memref<1x80x128xi32, #tpu.memory_space<hbm>> -> memref<80x128xi32, #tpu.memory_space<hbm>>
      %dma_start3A_399 = arith.constant 0 : i32
      %dma_start3A_400 = tpu.memref_slice %arg3[%arg0, %mul3A_24, %dma_start3A_399] : memref<2x1280x128xi32, #tpu.memory_space<hbm>> -> memref<1x80x128xi32, #tpu.memory_space<hbm>>
      %dma_start3A_401 = tpu.memref_squeeze %dma_start3A_400 : memref<1x80x128xi32, #tpu.memory_space<hbm>> -> memref<80x128xi32, #tpu.memory_space<hbm>>
      tpu.enqueue_dma source(%dma_start3A_401 : memref<80x128xi32, #tpu.memory_space<hbm>>) target(%arg10 : memref<80x128xi32, #tpu.memory_space<vmem>>) target_semaphore(%run_scoped3A_395 : memref<!tpu.dma_semaphore, #tpu.memory_space<semaphore_mem>>)
      %dma_wait3A_402 = arith.constant 0 : i32
      %dma_wait3A_403 = tpu.memref_slice %arg3[%arg0, %mul3A_24, %dma_wait3A_402] : memref<2x1280x128xi32, #tpu.memory_space<hbm>> -> memref<1x80x128xi32, #tpu.memory_space<hbm>>
      %dma_wait3A_404 = tpu.memref_squeeze %dma_wait3A_403 : memref<1x80x128xi32, #tpu.memory_space<hbm>> -> memref<80x128xi32, #tpu.memory_space<hbm>>
      %dma_wait3A_405 = arith.constant 0 : i32
      %dma_wait3A_406 = tpu.memref_slice %arg3[%arg0, %mul3A_24, %dma_wait3A_405] : memref<2x1280x128xi32, #tpu.memory_space<hbm>> -> memref<1x80x128xi32, #tpu.memory_space<hbm>>
      %dma_wait3A_407 = tpu.memref_squeeze %dma_wait3A_406 : memref<1x80x128xi32, #tpu.memory_space<hbm>> -> memref<80x128xi32, #tpu.memory_space<hbm>>
      tpu.wait_dma2 semaphore(%run_scoped3A_395 : memref<!tpu.dma_semaphore, #tpu.memory_space<semaphore_mem>>) src(%dma_wait3A_407 : memref<80x128xi32, #tpu.memory_space<hbm>>) dst(%arg10 : memref<80x128xi32, #tpu.memory_space<vmem>>)
      tpu.yield
    }) : () -> ()
    "tpu.region"() ({
      %run_scoped3A_395 = tpu.sem_alloc : memref<!tpu.dma_semaphore, #tpu.memory_space<semaphore_mem>>
      %dma_start3A_396 = arith.constant 0 : i32
      %dma_start3A_397 = tpu.memref_slice %arg4[%arg0, %mul3A_24, %dma_start3A_396] : memref<2x1280x128xi32, #tpu.memory_space<hbm>> -> memref<1x80x128xi32, #tpu.memory_space<hbm>>
      %dma_start3A_398 = tpu.memref_squeeze %dma_start3A_397 : memref<1x80x128xi32, #tpu.memory_space<hbm>> -> memref<80x128xi32, #tpu.memory_space<hbm>>
      %dma_start3A_399 = arith.constant 0 : i32
      %dma_start3A_400 = tpu.memref_slice %arg4[%arg0, %mul3A_24, %dma_start3A_399] : memref<2x1280x128xi32, #tpu.memory_space<hbm>> -> memref<1x80x128xi32, #tpu.memory_space<hbm>>
      %dma_start3A_401 = tpu.memref_squeeze %dma_start3A_400 : memref<1x80x128xi32, #tpu.memory_space<hbm>> -> memref<80x128xi32, #tpu.memory_space<hbm>>
      tpu.enqueue_dma source(%dma_start3A_401 : memref<80x128xi32, #tpu.memory_space<hbm>>) target(%arg11 : memref<80x128xi32, #tpu.memory_space<vmem>>) target_semaphore(%run_scoped3A_395 : memref<!tpu.dma_semaphore, #tpu.memory_space<semaphore_mem>>)
      %dma_wait3A_402 = arith.constant 0 : i32
      %dma_wait3A_403 = tpu.memref_slice %arg4[%arg0, %mul3A_24, %dma_wait3A_402] : memref<2x1280x128xi32, #tpu.memory_space<hbm>> -> memref<1x80x128xi32, #tpu.memory_space<hbm>>
      %dma_wait3A_404 = tpu.memref_squeeze %dma_wait3A_403 : memref<1x80x128xi32, #tpu.memory_space<hbm>> -> memref<80x128xi32, #tpu.memory_space<hbm>>
      %dma_wait3A_405 = arith.constant 0 : i32
      %dma_wait3A_406 = tpu.memref_slice %arg4[%arg0, %mul3A_24, %dma_wait3A_405] : memref<2x1280x128xi32, #tpu.memory_space<hbm>> -> memref<1x80x128xi32, #tpu.memory_space<hbm>>
      %dma_wait3A_407 = tpu.memref_squeeze %dma_wait3A_406 : memref<1x80x128xi32, #tpu.memory_space<hbm>> -> memref<80x128xi32, #tpu.memory_space<hbm>>
      tpu.wait_dma2 semaphore(%run_scoped3A_395 : memref<!tpu.dma_semaphore, #tpu.memory_space<semaphore_mem>>) src(%dma_wait3A_407 : memref<80x128xi32, #tpu.memory_space<hbm>>) dst(%arg11 : memref<80x128xi32, #tpu.memory_space<vmem>>)
      tpu.yield
    }) : () -> ()
    %dma_start3A = arith.constant 0 : i32
    %dma_start3A_25 = arith.constant 0 : i32
    %dma_start3A_26 = arith.constant 0 : i32
    %dma_start3A_27 = arith.constant 0 : i32
    %dma_start3A_28 = tpu.memref_slice %arg12[%dma_start3A_25, %dma_start3A_26, %dma_start3A_27] : memref<4x128x64xf32, #tpu.memory_space<vmem>> -> memref<1x128x64xf32, #tpu.memory_space<vmem>>
    %dma_start3A_29 = tpu.memref_squeeze %dma_start3A_28 : memref<1x128x64xf32, #tpu.memory_space<vmem>> -> memref<128x64xf32, #tpu.memory_space<vmem>>
    %dma_start3A_30 = arith.constant 0 : i32
    %dma_start3A_31 = tpu.memref_slice %arg10[%dma_start3A, %dma_start3A_30] : memref<80x128xi32, #tpu.memory_space<vmem>> -> memref<1x128xi32, #tpu.memory_space<vmem>>
    %dma_start3A_32 = tpu.memref_squeeze %dma_start3A_31 : memref<1x128xi32, #tpu.memory_space<vmem>> -> memref<128xi32, #tpu.memory_space<vmem>>
    %dma_start3A_33 = arith.constant 0 : i32
    %dma_start3A_34 = arith.constant 0 : i32
    %dma_start3A_35 = tpu.memref_slice %arg2[%dma_start3A_33, %dma_start3A_34] : memref<100000x64xf32, #tpu.memory_space<hbm>> -> memref<100000x64xf32, #tpu.memory_space<hbm>>
    tpu.enqueue_indirect_dma source(%dma_start3A_35 : memref<100000x64xf32, #tpu.memory_space<hbm>>) target(%dma_start3A_29 : memref<128x64xf32, #tpu.memory_space<vmem>>) offsets(%dma_start3A_32 : memref<128xi32, #tpu.memory_space<vmem>>) semaphore(%arg15 : memref<!tpu.dma_semaphore, #tpu.memory_space<semaphore_mem>>)
    %dma_start3A_36 = arith.constant 1 : i32
    %dma_start3A_37 = arith.constant 1 : i32
    %dma_start3A_38 = arith.constant 0 : i32
    %dma_start3A_39 = arith.constant 0 : i32
    %dma_start3A_40 = tpu.memref_slice %arg12[%dma_start3A_37, %dma_start3A_38, %dma_start3A_39] : memref<4x128x64xf32, #tpu.memory_space<vmem>> -> memref<1x128x64xf32, #tpu.memory_space<vmem>>
    %dma_start3A_41 = tpu.memref_squeeze %dma_start3A_40 : memref<1x128x64xf32, #tpu.memory_space<vmem>> -> memref<128x64xf32, #tpu.memory_space<vmem>>
    %dma_start3A_42 = arith.constant 0 : i32
    %dma_start3A_43 = tpu.memref_slice %arg10[%dma_start3A_36, %dma_start3A_42] : memref<80x128xi32, #tpu.memory_space<vmem>> -> memref<1x128xi32, #tpu.memory_space<vmem>>
    %dma_start3A_44 = tpu.memref_squeeze %dma_start3A_43 : memref<1x128xi32, #tpu.memory_space<vmem>> -> memref<128xi32, #tpu.memory_space<vmem>>
    %dma_start3A_45 = arith.constant 0 : i32
    %dma_start3A_46 = arith.constant 0 : i32
    %dma_start3A_47 = tpu.memref_slice %arg2[%dma_start3A_45, %dma_start3A_46] : memref<100000x64xf32, #tpu.memory_space<hbm>> -> memref<100000x64xf32, #tpu.memory_space<hbm>>
    tpu.enqueue_indirect_dma source(%dma_start3A_47 : memref<100000x64xf32, #tpu.memory_space<hbm>>) target(%dma_start3A_41 : memref<128x64xf32, #tpu.memory_space<vmem>>) offsets(%dma_start3A_44 : memref<128xi32, #tpu.memory_space<vmem>>) semaphore(%arg16 : memref<!tpu.dma_semaphore, #tpu.memory_space<semaphore_mem>>)
    %dma_start3A_48 = arith.constant 2 : i32
    %dma_start3A_49 = arith.constant 2 : i32
    %dma_start3A_50 = arith.constant 0 : i32
    %dma_start3A_51 = arith.constant 0 : i32
    %dma_start3A_52 = tpu.memref_slice %arg12[%dma_start3A_49, %dma_start3A_50, %dma_start3A_51] : memref<4x128x64xf32, #tpu.memory_space<vmem>> -> memref<1x128x64xf32, #tpu.memory_space<vmem>>
    %dma_start3A_53 = tpu.memref_squeeze %dma_start3A_52 : memref<1x128x64xf32, #tpu.memory_space<vmem>> -> memref<128x64xf32, #tpu.memory_space<vmem>>
    %dma_start3A_54 = arith.constant 0 : i32
    %dma_start3A_55 = tpu.memref_slice %arg10[%dma_start3A_48, %dma_start3A_54] : memref<80x128xi32, #tpu.memory_space<vmem>> -> memref<1x128xi32, #tpu.memory_space<vmem>>
    %dma_start3A_56 = tpu.memref_squeeze %dma_start3A_55 : memref<1x128xi32, #tpu.memory_space<vmem>> -> memref<128xi32, #tpu.memory_space<vmem>>
    %dma_start3A_57 = arith.constant 0 : i32
    %dma_start3A_58 = arith.constant 0 : i32
    %dma_start3A_59 = tpu.memref_slice %arg2[%dma_start3A_57, %dma_start3A_58] : memref<100000x64xf32, #tpu.memory_space<hbm>> -> memref<100000x64xf32, #tpu.memory_space<hbm>>
    tpu.enqueue_indirect_dma source(%dma_start3A_59 : memref<100000x64xf32, #tpu.memory_space<hbm>>) target(%dma_start3A_53 : memref<128x64xf32, #tpu.memory_space<vmem>>) offsets(%dma_start3A_56 : memref<128xi32, #tpu.memory_space<vmem>>) semaphore(%arg17 : memref<!tpu.dma_semaphore, #tpu.memory_space<semaphore_mem>>)
    %scan3A = arith.constant 0 : i32
    %scan3A_60 = arith.constant 0 : i32
    %scan3A_61 = arith.constant 20 : i32
    %scan3A_62 = arith.addi %scan3A_60, %scan3A_61 : i32
    %scan3A_63 = arith.constant 1 : i32
    scf.for %scan3A_395 = %scan3A_60 to %scan3A_62 step %scan3A_63  : i32 {
      %mul3A_396 = arith.constant 4 : i32
      %mul3A_397 = arith.muli %mul3A_396, %scan3A_395 : i32
      %add3A_398 = arith.constant 0 : i32
      %add3A_399 = arith.addi %mul3A_397, %add3A_398 : i32
      %add3A_400 = arith.constant 3 : i32
      %add3A_401 = arith.addi %add3A_399, %add3A_400 : i32
      %lt3A = arith.constant 80 : i32
      %lt3A_402 = arith.cmpi slt, %add3A_401, %lt3A : i32
      %convert_element_type3A = arith.extui %lt3A_402 : i1 to i32
      %cond3A = arith.constant 0 : i32
      %cond3A_403 = arith.cmpi ne, %convert_element_type3A, %cond3A : i32
      scf.if %cond3A_403 {
        %ge3A = arith.constant 4 : i32
        %ge3A_545 = arith.cmpi sge, %add3A_401, %ge3A : i32
        %convert_element_type3A_546 = arith.extui %ge3A_545 : i1 to i32
        %cond3A_547 = arith.constant 0 : i32
        %cond3A_548 = arith.cmpi ne, %convert_element_type3A_546, %cond3A_547 : i32
        scf.if %cond3A_548 {
          %sub3A = arith.constant 4 : i32
          %sub3A_560 = arith.subi %add3A_401, %sub3A : i32
          %dma_wait3A_561 = arith.constant 3 : i32
          %dma_wait3A_562 = arith.constant 0 : i32
          %dma_wait3A_563 = arith.constant 0 : i32
          %dma_wait3A_564 = tpu.memref_slice %arg12[%dma_wait3A_561, %dma_wait3A_562, %dma_wait3A_563] : memref<4x128x64xf32, #tpu.memory_space<vmem>> -> memref<1x128x64xf32, #tpu.memory_space<vmem>>
          %dma_wait3A_565 = tpu.memref_squeeze %dma_wait3A_564 : memref<1x128x64xf32, #tpu.memory_space<vmem>> -> memref<128x64xf32, #tpu.memory_space<vmem>>
          %dma_wait3A_566 = arith.constant 0 : i32
          %dma_wait3A_567 = tpu.memref_slice %arg11[%sub3A_560, %dma_wait3A_566] : memref<80x128xi32, #tpu.memory_space<vmem>> -> memref<1x128xi32, #tpu.memory_space<vmem>>
          %dma_wait3A_568 = tpu.memref_squeeze %dma_wait3A_567 : memref<1x128xi32, #tpu.memory_space<vmem>> -> memref<128xi32, #tpu.memory_space<vmem>>
          %dma_wait3A_569 = arith.constant 0 : i32
          %dma_wait3A_570 = arith.constant 0 : i32
          %dma_wait3A_571 = tpu.memref_slice %arg24[%dma_wait3A_569, %dma_wait3A_570] : memref<10240x64xf32, #tpu.memory_space<vmem_shared>> -> memref<10240x64xf32, #tpu.memory_space<vmem_shared>>
          tpu.wait_indirect_dma semaphore(%arg22 : memref<!tpu.dma_semaphore, #tpu.memory_space<semaphore_mem>>) src(%dma_wait3A_565 : memref<128x64xf32, #tpu.memory_space<vmem>>) dst(%dma_wait3A_571 : memref<10240x64xf32, #tpu.memory_space<vmem_shared>>)
        } else {
        }
        %dma_start3A_549 = arith.constant 3 : i32
        %dma_start3A_550 = arith.constant 0 : i32
        %dma_start3A_551 = arith.constant 0 : i32
        %dma_start3A_552 = tpu.memref_slice %arg12[%dma_start3A_549, %dma_start3A_550, %dma_start3A_551] : memref<4x128x64xf32, #tpu.memory_space<vmem>> -> memref<1x128x64xf32, #tpu.memory_space<vmem>>
        %dma_start3A_553 = tpu.memref_squeeze %dma_start3A_552 : memref<1x128x64xf32, #tpu.memory_space<vmem>> -> memref<128x64xf32, #tpu.memory_space<vmem>>
        %dma_start3A_554 = arith.constant 0 : i32
        %dma_start3A_555 = tpu.memref_slice %arg10[%add3A_401, %dma_start3A_554] : memref<80x128xi32, #tpu.memory_space<vmem>> -> memref<1x128xi32, #tpu.memory_space<vmem>>
        %dma_start3A_556 = tpu.memref_squeeze %dma_start3A_555 : memref<1x128xi32, #tpu.memory_space<vmem>> -> memref<128xi32, #tpu.memory_space<vmem>>
        %dma_start3A_557 = arith.constant 0 : i32
        %dma_start3A_558 = arith.constant 0 : i32
        %dma_start3A_559 = tpu.memref_slice %arg2[%dma_start3A_557, %dma_start3A_558] : memref<100000x64xf32, #tpu.memory_space<hbm>> -> memref<100000x64xf32, #tpu.memory_space<hbm>>
        tpu.enqueue_indirect_dma source(%dma_start3A_559 : memref<100000x64xf32, #tpu.memory_space<hbm>>) target(%dma_start3A_553 : memref<128x64xf32, #tpu.memory_space<vmem>>) offsets(%dma_start3A_556 : memref<128xi32, #tpu.memory_space<vmem>>) semaphore(%arg18 : memref<!tpu.dma_semaphore, #tpu.memory_space<semaphore_mem>>)
      } else {
      }
      %dma_wait3A_404 = arith.constant 0 : i32
      %dma_wait3A_405 = arith.constant 0 : i32
      %dma_wait3A_406 = arith.constant 0 : i32
      %dma_wait3A_407 = tpu.memref_slice %arg12[%dma_wait3A_404, %dma_wait3A_405, %dma_wait3A_406] : memref<4x128x64xf32, #tpu.memory_space<vmem>> -> memref<1x128x64xf32, #tpu.memory_space<vmem>>
      %dma_wait3A_408 = tpu.memref_squeeze %dma_wait3A_407 : memref<1x128x64xf32, #tpu.memory_space<vmem>> -> memref<128x64xf32, #tpu.memory_space<vmem>>
      %dma_wait3A_409 = arith.constant 0 : i32
      %dma_wait3A_410 = tpu.memref_slice %arg10[%add3A_399, %dma_wait3A_409] : memref<80x128xi32, #tpu.memory_space<vmem>> -> memref<1x128xi32, #tpu.memory_space<vmem>>
      %dma_wait3A_411 = tpu.memref_squeeze %dma_wait3A_410 : memref<1x128xi32, #tpu.memory_space<vmem>> -> memref<128xi32, #tpu.memory_space<vmem>>
      %dma_wait3A_412 = arith.constant 0 : i32
      %dma_wait3A_413 = arith.constant 0 : i32
      %dma_wait3A_414 = tpu.memref_slice %arg2[%dma_wait3A_412, %dma_wait3A_413] : memref<100000x64xf32, #tpu.memory_space<hbm>> -> memref<100000x64xf32, #tpu.memory_space<hbm>>
      tpu.wait_indirect_dma semaphore(%arg15 : memref<!tpu.dma_semaphore, #tpu.memory_space<semaphore_mem>>) src(%dma_wait3A_414 : memref<100000x64xf32, #tpu.memory_space<hbm>>) dst(%dma_wait3A_408 : memref<128x64xf32, #tpu.memory_space<vmem>>)
      %dma_start3A_415 = arith.constant 0 : i32
      %dma_start3A_416 = arith.constant 0 : i32
      %dma_start3A_417 = arith.constant 0 : i32
      %dma_start3A_418 = tpu.memref_slice %arg12[%dma_start3A_415, %dma_start3A_416, %dma_start3A_417] : memref<4x128x64xf32, #tpu.memory_space<vmem>> -> memref<1x128x64xf32, #tpu.memory_space<vmem>>
      %dma_start3A_419 = tpu.memref_squeeze %dma_start3A_418 : memref<1x128x64xf32, #tpu.memory_space<vmem>> -> memref<128x64xf32, #tpu.memory_space<vmem>>
      %dma_start3A_420 = arith.constant 0 : i32
      %dma_start3A_421 = tpu.memref_slice %arg11[%add3A_399, %dma_start3A_420] : memref<80x128xi32, #tpu.memory_space<vmem>> -> memref<1x128xi32, #tpu.memory_space<vmem>>
      %dma_start3A_422 = tpu.memref_squeeze %dma_start3A_421 : memref<1x128xi32, #tpu.memory_space<vmem>> -> memref<128xi32, #tpu.memory_space<vmem>>
      %dma_start3A_423 = arith.constant 0 : i32
      %dma_start3A_424 = arith.constant 0 : i32
      %dma_start3A_425 = tpu.memref_slice %arg24[%dma_start3A_423, %dma_start3A_424] : memref<10240x64xf32, #tpu.memory_space<vmem_shared>> -> memref<10240x64xf32, #tpu.memory_space<vmem_shared>>
      tpu.enqueue_indirect_dma source(%dma_start3A_419 : memref<128x64xf32, #tpu.memory_space<vmem>>) target(%dma_start3A_425 : memref<10240x64xf32, #tpu.memory_space<vmem_shared>>) offsets(%dma_start3A_422 : memref<128xi32, #tpu.memory_space<vmem>>) semaphore(%arg19 : memref<!tpu.dma_semaphore, #tpu.memory_space<semaphore_mem>>) {add = true}
      %lt3A_426 = arith.constant 40 : i32
      %lt3A_427 = arith.cmpi slt, %add3A_399, %lt3A_426 : i32
      %convert_element_type3A_428 = arith.extui %lt3A_427 : i1 to i32
      %cond3A_429 = arith.constant 0 : i32
      %cond3A_430 = arith.cmpi ne, %convert_element_type3A_428, %cond3A_429 : i32
      scf.if %cond3A_430 {
        %dma_start3A_545 = arith.constant 0 : i32
        %dma_start3A_546 = tpu.memref_slice %arg11[%add3A_399, %dma_start3A_545] : memref<80x128xi32, #tpu.memory_space<vmem>> -> memref<1x128xi32, #tpu.memory_space<vmem>>
        %dma_start3A_547 = tpu.memref_squeeze %dma_start3A_546 : memref<1x128xi32, #tpu.memory_space<vmem>> -> memref<128xi32, #tpu.memory_space<vmem>>
        %dma_start3A_548 = arith.constant 0 : i32
        %dma_start3A_549 = arith.constant 0 : i32
        %dma_start3A_550 = tpu.memref_slice %arg25[%dma_start3A_548, %dma_start3A_549] : memref<10240x16xf32, #tpu.memory_space<vmem_shared>> -> memref<10240x16xf32, #tpu.memory_space<vmem_shared>>
        tpu.enqueue_indirect_dma source(%arg13 : memref<128x16xf32, #tpu.memory_space<vmem>>) target(%dma_start3A_550 : memref<10240x16xf32, #tpu.memory_space<vmem_shared>>) offsets(%dma_start3A_547 : memref<128xi32, #tpu.memory_space<vmem>>) semaphore(%arg23 : memref<!tpu.dma_semaphore, #tpu.memory_space<semaphore_mem>>) {add = true}
      } else {
      }
      %mul3A_431 = arith.constant 4 : i32
      %mul3A_432 = arith.muli %mul3A_431, %scan3A_395 : i32
      %add3A_433 = arith.constant 1 : i32
      %add3A_434 = arith.addi %mul3A_432, %add3A_433 : i32
      %add3A_435 = arith.constant 3 : i32
      %add3A_436 = arith.addi %add3A_434, %add3A_435 : i32
      %lt3A_437 = arith.constant 80 : i32
      %lt3A_438 = arith.cmpi slt, %add3A_436, %lt3A_437 : i32
      %convert_element_type3A_439 = arith.extui %lt3A_438 : i1 to i32
      %cond3A_440 = arith.constant 0 : i32
      %cond3A_441 = arith.cmpi ne, %convert_element_type3A_439, %cond3A_440 : i32
      scf.if %cond3A_441 {
        %ge3A = arith.constant 4 : i32
        %ge3A_545 = arith.cmpi sge, %add3A_436, %ge3A : i32
        %convert_element_type3A_546 = arith.extui %ge3A_545 : i1 to i32
        %cond3A_547 = arith.constant 0 : i32
        %cond3A_548 = arith.cmpi ne, %convert_element_type3A_546, %cond3A_547 : i32
        scf.if %cond3A_548 {
          %sub3A = arith.constant 4 : i32
          %sub3A_560 = arith.subi %add3A_436, %sub3A : i32
          %dma_wait3A_561 = arith.constant 0 : i32
          %dma_wait3A_562 = arith.constant 0 : i32
          %dma_wait3A_563 = arith.constant 0 : i32
          %dma_wait3A_564 = tpu.memref_slice %arg12[%dma_wait3A_561, %dma_wait3A_562, %dma_wait3A_563] : memref<4x128x64xf32, #tpu.memory_space<vmem>> -> memref<1x128x64xf32, #tpu.memory_space<vmem>>
          %dma_wait3A_565 = tpu.memref_squeeze %dma_wait3A_564 : memref<1x128x64xf32, #tpu.memory_space<vmem>> -> memref<128x64xf32, #tpu.memory_space<vmem>>
          %dma_wait3A_566 = arith.constant 0 : i32
          %dma_wait3A_567 = tpu.memref_slice %arg11[%sub3A_560, %dma_wait3A_566] : memref<80x128xi32, #tpu.memory_space<vmem>> -> memref<1x128xi32, #tpu.memory_space<vmem>>
          %dma_wait3A_568 = tpu.memref_squeeze %dma_wait3A_567 : memref<1x128xi32, #tpu.memory_space<vmem>> -> memref<128xi32, #tpu.memory_space<vmem>>
          %dma_wait3A_569 = arith.constant 0 : i32
          %dma_wait3A_570 = arith.constant 0 : i32
          %dma_wait3A_571 = tpu.memref_slice %arg24[%dma_wait3A_569, %dma_wait3A_570] : memref<10240x64xf32, #tpu.memory_space<vmem_shared>> -> memref<10240x64xf32, #tpu.memory_space<vmem_shared>>
          tpu.wait_indirect_dma semaphore(%arg19 : memref<!tpu.dma_semaphore, #tpu.memory_space<semaphore_mem>>) src(%dma_wait3A_565 : memref<128x64xf32, #tpu.memory_space<vmem>>) dst(%dma_wait3A_571 : memref<10240x64xf32, #tpu.memory_space<vmem_shared>>)
        } else {
        }
        %dma_start3A_549 = arith.constant 0 : i32
        %dma_start3A_550 = arith.constant 0 : i32
        %dma_start3A_551 = arith.constant 0 : i32
        %dma_start3A_552 = tpu.memref_slice %arg12[%dma_start3A_549, %dma_start3A_550, %dma_start3A_551] : memref<4x128x64xf32, #tpu.memory_space<vmem>> -> memref<1x128x64xf32, #tpu.memory_space<vmem>>
        %dma_start3A_553 = tpu.memref_squeeze %dma_start3A_552 : memref<1x128x64xf32, #tpu.memory_space<vmem>> -> memref<128x64xf32, #tpu.memory_space<vmem>>
        %dma_start3A_554 = arith.constant 0 : i32
        %dma_start3A_555 = tpu.memref_slice %arg10[%add3A_436, %dma_start3A_554] : memref<80x128xi32, #tpu.memory_space<vmem>> -> memref<1x128xi32, #tpu.memory_space<vmem>>
        %dma_start3A_556 = tpu.memref_squeeze %dma_start3A_555 : memref<1x128xi32, #tpu.memory_space<vmem>> -> memref<128xi32, #tpu.memory_space<vmem>>
        %dma_start3A_557 = arith.constant 0 : i32
        %dma_start3A_558 = arith.constant 0 : i32
        %dma_start3A_559 = tpu.memref_slice %arg2[%dma_start3A_557, %dma_start3A_558] : memref<100000x64xf32, #tpu.memory_space<hbm>> -> memref<100000x64xf32, #tpu.memory_space<hbm>>
        tpu.enqueue_indirect_dma source(%dma_start3A_559 : memref<100000x64xf32, #tpu.memory_space<hbm>>) target(%dma_start3A_553 : memref<128x64xf32, #tpu.memory_space<vmem>>) offsets(%dma_start3A_556 : memref<128xi32, #tpu.memory_space<vmem>>) semaphore(%arg15 : memref<!tpu.dma_semaphore, #tpu.memory_space<semaphore_mem>>)
      } else {
      }
      %dma_wait3A_442 = arith.constant 1 : i32
      %dma_wait3A_443 = arith.constant 0 : i32
      %dma_wait3A_444 = arith.constant 0 : i32
      %dma_wait3A_445 = tpu.memref_slice %arg12[%dma_wait3A_442, %dma_wait3A_443, %dma_wait3A_444] : memref<4x128x64xf32, #tpu.memory_space<vmem>> -> memref<1x128x64xf32, #tpu.memory_space<vmem>>
      %dma_wait3A_446 = tpu.memref_squeeze %dma_wait3A_445 : memref<1x128x64xf32, #tpu.memory_space<vmem>> -> memref<128x64xf32, #tpu.memory_space<vmem>>
      %dma_wait3A_447 = arith.constant 0 : i32
      %dma_wait3A_448 = tpu.memref_slice %arg10[%add3A_434, %dma_wait3A_447] : memref<80x128xi32, #tpu.memory_space<vmem>> -> memref<1x128xi32, #tpu.memory_space<vmem>>
      %dma_wait3A_449 = tpu.memref_squeeze %dma_wait3A_448 : memref<1x128xi32, #tpu.memory_space<vmem>> -> memref<128xi32, #tpu.memory_space<vmem>>
      %dma_wait3A_450 = arith.constant 0 : i32
      %dma_wait3A_451 = arith.constant 0 : i32
      %dma_wait3A_452 = tpu.memref_slice %arg2[%dma_wait3A_450, %dma_wait3A_451] : memref<100000x64xf32, #tpu.memory_space<hbm>> -> memref<100000x64xf32, #tpu.memory_space<hbm>>
      tpu.wait_indirect_dma semaphore(%arg16 : memref<!tpu.dma_semaphore, #tpu.memory_space<semaphore_mem>>) src(%dma_wait3A_452 : memref<100000x64xf32, #tpu.memory_space<hbm>>) dst(%dma_wait3A_446 : memref<128x64xf32, #tpu.memory_space<vmem>>)
      %dma_start3A_453 = arith.constant 1 : i32
      %dma_start3A_454 = arith.constant 0 : i32
      %dma_start3A_455 = arith.constant 0 : i32
      %dma_start3A_456 = tpu.memref_slice %arg12[%dma_start3A_453, %dma_start3A_454, %dma_start3A_455] : memref<4x128x64xf32, #tpu.memory_space<vmem>> -> memref<1x128x64xf32, #tpu.memory_space<vmem>>
      %dma_start3A_457 = tpu.memref_squeeze %dma_start3A_456 : memref<1x128x64xf32, #tpu.memory_space<vmem>> -> memref<128x64xf32, #tpu.memory_space<vmem>>
      %dma_start3A_458 = arith.constant 0 : i32
      %dma_start3A_459 = tpu.memref_slice %arg11[%add3A_434, %dma_start3A_458] : memref<80x128xi32, #tpu.memory_space<vmem>> -> memref<1x128xi32, #tpu.memory_space<vmem>>
      %dma_start3A_460 = tpu.memref_squeeze %dma_start3A_459 : memref<1x128xi32, #tpu.memory_space<vmem>> -> memref<128xi32, #tpu.memory_space<vmem>>
      %dma_start3A_461 = arith.constant 0 : i32
      %dma_start3A_462 = arith.constant 0 : i32
      %dma_start3A_463 = tpu.memref_slice %arg24[%dma_start3A_461, %dma_start3A_462] : memref<10240x64xf32, #tpu.memory_space<vmem_shared>> -> memref<10240x64xf32, #tpu.memory_space<vmem_shared>>
      tpu.enqueue_indirect_dma source(%dma_start3A_457 : memref<128x64xf32, #tpu.memory_space<vmem>>) target(%dma_start3A_463 : memref<10240x64xf32, #tpu.memory_space<vmem_shared>>) offsets(%dma_start3A_460 : memref<128xi32, #tpu.memory_space<vmem>>) semaphore(%arg20 : memref<!tpu.dma_semaphore, #tpu.memory_space<semaphore_mem>>) {add = true}
      %lt3A_464 = arith.constant 40 : i32
      %lt3A_465 = arith.cmpi slt, %add3A_434, %lt3A_464 : i32
      %convert_element_type3A_466 = arith.extui %lt3A_465 : i1 to i32
      %cond3A_467 = arith.constant 0 : i32
      %cond3A_468 = arith.cmpi ne, %convert_element_type3A_466, %cond3A_467 : i32
      scf.if %cond3A_468 {
        %dma_start3A_545 = arith.constant 0 : i32
        %dma_start3A_546 = tpu.memref_slice %arg11[%add3A_434, %dma_start3A_545] : memref<80x128xi32, #tpu.memory_space<vmem>> -> memref<1x128xi32, #tpu.memory_space<vmem>>
        %dma_start3A_547 = tpu.memref_squeeze %dma_start3A_546 : memref<1x128xi32, #tpu.memory_space<vmem>> -> memref<128xi32, #tpu.memory_space<vmem>>
        %dma_start3A_548 = arith.constant 0 : i32
        %dma_start3A_549 = arith.constant 0 : i32
        %dma_start3A_550 = tpu.memref_slice %arg25[%dma_start3A_548, %dma_start3A_549] : memref<10240x16xf32, #tpu.memory_space<vmem_shared>> -> memref<10240x16xf32, #tpu.memory_space<vmem_shared>>
        tpu.enqueue_indirect_dma source(%arg13 : memref<128x16xf32, #tpu.memory_space<vmem>>) target(%dma_start3A_550 : memref<10240x16xf32, #tpu.memory_space<vmem_shared>>) offsets(%dma_start3A_547 : memref<128xi32, #tpu.memory_space<vmem>>) semaphore(%arg23 : memref<!tpu.dma_semaphore, #tpu.memory_space<semaphore_mem>>) {add = true}
      } else {
      }
      %mul3A_469 = arith.constant 4 : i32
      %mul3A_470 = arith.muli %mul3A_469, %scan3A_395 : i32
      %add3A_471 = arith.constant 2 : i32
      %add3A_472 = arith.addi %mul3A_470, %add3A_471 : i32
      %add3A_473 = arith.constant 3 : i32
      %add3A_474 = arith.addi %add3A_472, %add3A_473 : i32
      %lt3A_475 = arith.constant 80 : i32
      %lt3A_476 = arith.cmpi slt, %add3A_474, %lt3A_475 : i32
      %convert_element_type3A_477 = arith.extui %lt3A_476 : i1 to i32
      %cond3A_478 = arith.constant 0 : i32
      %cond3A_479 = arith.cmpi ne, %convert_element_type3A_477, %cond3A_478 : i32
      scf.if %cond3A_479 {
        %ge3A = arith.constant 4 : i32
        %ge3A_545 = arith.cmpi sge, %add3A_474, %ge3A : i32
        %convert_element_type3A_546 = arith.extui %ge3A_545 : i1 to i32
        %cond3A_547 = arith.constant 0 : i32
        %cond3A_548 = arith.cmpi ne, %convert_element_type3A_546, %cond3A_547 : i32
        scf.if %cond3A_548 {
          %sub3A = arith.constant 4 : i32
          %sub3A_560 = arith.subi %add3A_474, %sub3A : i32
          %dma_wait3A_561 = arith.constant 1 : i32
          %dma_wait3A_562 = arith.constant 0 : i32
          %dma_wait3A_563 = arith.constant 0 : i32
          %dma_wait3A_564 = tpu.memref_slice %arg12[%dma_wait3A_561, %dma_wait3A_562, %dma_wait3A_563] : memref<4x128x64xf32, #tpu.memory_space<vmem>> -> memref<1x128x64xf32, #tpu.memory_space<vmem>>
          %dma_wait3A_565 = tpu.memref_squeeze %dma_wait3A_564 : memref<1x128x64xf32, #tpu.memory_space<vmem>> -> memref<128x64xf32, #tpu.memory_space<vmem>>
          %dma_wait3A_566 = arith.constant 0 : i32
          %dma_wait3A_567 = tpu.memref_slice %arg11[%sub3A_560, %dma_wait3A_566] : memref<80x128xi32, #tpu.memory_space<vmem>> -> memref<1x128xi32, #tpu.memory_space<vmem>>
          %dma_wait3A_568 = tpu.memref_squeeze %dma_wait3A_567 : memref<1x128xi32, #tpu.memory_space<vmem>> -> memref<128xi32, #tpu.memory_space<vmem>>
          %dma_wait3A_569 = arith.constant 0 : i32
          %dma_wait3A_570 = arith.constant 0 : i32
          %dma_wait3A_571 = tpu.memref_slice %arg24[%dma_wait3A_569, %dma_wait3A_570] : memref<10240x64xf32, #tpu.memory_space<vmem_shared>> -> memref<10240x64xf32, #tpu.memory_space<vmem_shared>>
          tpu.wait_indirect_dma semaphore(%arg20 : memref<!tpu.dma_semaphore, #tpu.memory_space<semaphore_mem>>) src(%dma_wait3A_565 : memref<128x64xf32, #tpu.memory_space<vmem>>) dst(%dma_wait3A_571 : memref<10240x64xf32, #tpu.memory_space<vmem_shared>>)
        } else {
        }
        %dma_start3A_549 = arith.constant 1 : i32
        %dma_start3A_550 = arith.constant 0 : i32
        %dma_start3A_551 = arith.constant 0 : i32
        %dma_start3A_552 = tpu.memref_slice %arg12[%dma_start3A_549, %dma_start3A_550, %dma_start3A_551] : memref<4x128x64xf32, #tpu.memory_space<vmem>> -> memref<1x128x64xf32, #tpu.memory_space<vmem>>
        %dma_start3A_553 = tpu.memref_squeeze %dma_start3A_552 : memref<1x128x64xf32, #tpu.memory_space<vmem>> -> memref<128x64xf32, #tpu.memory_space<vmem>>
        %dma_start3A_554 = arith.constant 0 : i32
        %dma_start3A_555 = tpu.memref_slice %arg10[%add3A_474, %dma_start3A_554] : memref<80x128xi32, #tpu.memory_space<vmem>> -> memref<1x128xi32, #tpu.memory_space<vmem>>
        %dma_start3A_556 = tpu.memref_squeeze %dma_start3A_555 : memref<1x128xi32, #tpu.memory_space<vmem>> -> memref<128xi32, #tpu.memory_space<vmem>>
        %dma_start3A_557 = arith.constant 0 : i32
        %dma_start3A_558 = arith.constant 0 : i32
        %dma_start3A_559 = tpu.memref_slice %arg2[%dma_start3A_557, %dma_start3A_558] : memref<100000x64xf32, #tpu.memory_space<hbm>> -> memref<100000x64xf32, #tpu.memory_space<hbm>>
        tpu.enqueue_indirect_dma source(%dma_start3A_559 : memref<100000x64xf32, #tpu.memory_space<hbm>>) target(%dma_start3A_553 : memref<128x64xf32, #tpu.memory_space<vmem>>) offsets(%dma_start3A_556 : memref<128xi32, #tpu.memory_space<vmem>>) semaphore(%arg16 : memref<!tpu.dma_semaphore, #tpu.memory_space<semaphore_mem>>)
      } else {
      }
      %dma_wait3A_480 = arith.constant 2 : i32
      %dma_wait3A_481 = arith.constant 0 : i32
      %dma_wait3A_482 = arith.constant 0 : i32
      %dma_wait3A_483 = tpu.memref_slice %arg12[%dma_wait3A_480, %dma_wait3A_481, %dma_wait3A_482] : memref<4x128x64xf32, #tpu.memory_space<vmem>> -> memref<1x128x64xf32, #tpu.memory_space<vmem>>
      %dma_wait3A_484 = tpu.memref_squeeze %dma_wait3A_483 : memref<1x128x64xf32, #tpu.memory_space<vmem>> -> memref<128x64xf32, #tpu.memory_space<vmem>>
      %dma_wait3A_485 = arith.constant 0 : i32
      %dma_wait3A_486 = tpu.memref_slice %arg10[%add3A_472, %dma_wait3A_485] : memref<80x128xi32, #tpu.memory_space<vmem>> -> memref<1x128xi32, #tpu.memory_space<vmem>>
      %dma_wait3A_487 = tpu.memref_squeeze %dma_wait3A_486 : memref<1x128xi32, #tpu.memory_space<vmem>> -> memref<128xi32, #tpu.memory_space<vmem>>
      %dma_wait3A_488 = arith.constant 0 : i32
      %dma_wait3A_489 = arith.constant 0 : i32
      %dma_wait3A_490 = tpu.memref_slice %arg2[%dma_wait3A_488, %dma_wait3A_489] : memref<100000x64xf32, #tpu.memory_space<hbm>> -> memref<100000x64xf32, #tpu.memory_space<hbm>>
      tpu.wait_indirect_dma semaphore(%arg17 : memref<!tpu.dma_semaphore, #tpu.memory_space<semaphore_mem>>) src(%dma_wait3A_490 : memref<100000x64xf32, #tpu.memory_space<hbm>>) dst(%dma_wait3A_484 : memref<128x64xf32, #tpu.memory_space<vmem>>)
      %dma_start3A_491 = arith.constant 2 : i32
      %dma_start3A_492 = arith.constant 0 : i32
      %dma_start3A_493 = arith.constant 0 : i32
      %dma_start3A_494 = tpu.memref_slice %arg12[%dma_start3A_491, %dma_start3A_492, %dma_start3A_493] : memref<4x128x64xf32, #tpu.memory_space<vmem>> -> memref<1x128x64xf32, #tpu.memory_space<vmem>>
      %dma_start3A_495 = tpu.memref_squeeze %dma_start3A_494 : memref<1x128x64xf32, #tpu.memory_space<vmem>> -> memref<128x64xf32, #tpu.memory_space<vmem>>
      %dma_start3A_496 = arith.constant 0 : i32
      %dma_start3A_497 = tpu.memref_slice %arg11[%add3A_472, %dma_start3A_496] : memref<80x128xi32, #tpu.memory_space<vmem>> -> memref<1x128xi32, #tpu.memory_space<vmem>>
      %dma_start3A_498 = tpu.memref_squeeze %dma_start3A_497 : memref<1x128xi32, #tpu.memory_space<vmem>> -> memref<128xi32, #tpu.memory_space<vmem>>
      %dma_start3A_499 = arith.constant 0 : i32
      %dma_start3A_500 = arith.constant 0 : i32
      %dma_start3A_501 = tpu.memref_slice %arg24[%dma_start3A_499, %dma_start3A_500] : memref<10240x64xf32, #tpu.memory_space<vmem_shared>> -> memref<10240x64xf32, #tpu.memory_space<vmem_shared>>
      tpu.enqueue_indirect_dma source(%dma_start3A_495 : memref<128x64xf32, #tpu.memory_space<vmem>>) target(%dma_start3A_501 : memref<10240x64xf32, #tpu.memory_space<vmem_shared>>) offsets(%dma_start3A_498 : memref<128xi32, #tpu.memory_space<vmem>>) semaphore(%arg21 : memref<!tpu.dma_semaphore, #tpu.memory_space<semaphore_mem>>) {add = true}
      %lt3A_502 = arith.constant 40 : i32
      %lt3A_503 = arith.cmpi slt, %add3A_472, %lt3A_502 : i32
      %convert_element_type3A_504 = arith.extui %lt3A_503 : i1 to i32
      %cond3A_505 = arith.constant 0 : i32
      %cond3A_506 = arith.cmpi ne, %convert_element_type3A_504, %cond3A_505 : i32
      scf.if %cond3A_506 {
        %dma_start3A_545 = arith.constant 0 : i32
        %dma_start3A_546 = tpu.memref_slice %arg11[%add3A_472, %dma_start3A_545] : memref<80x128xi32, #tpu.memory_space<vmem>> -> memref<1x128xi32, #tpu.memory_space<vmem>>
        %dma_start3A_547 = tpu.memref_squeeze %dma_start3A_546 : memref<1x128xi32, #tpu.memory_space<vmem>> -> memref<128xi32, #tpu.memory_space<vmem>>
        %dma_start3A_548 = arith.constant 0 : i32
        %dma_start3A_549 = arith.constant 0 : i32
        %dma_start3A_550 = tpu.memref_slice %arg25[%dma_start3A_548, %dma_start3A_549] : memref<10240x16xf32, #tpu.memory_space<vmem_shared>> -> memref<10240x16xf32, #tpu.memory_space<vmem_shared>>
        tpu.enqueue_indirect_dma source(%arg13 : memref<128x16xf32, #tpu.memory_space<vmem>>) target(%dma_start3A_550 : memref<10240x16xf32, #tpu.memory_space<vmem_shared>>) offsets(%dma_start3A_547 : memref<128xi32, #tpu.memory_space<vmem>>) semaphore(%arg23 : memref<!tpu.dma_semaphore, #tpu.memory_space<semaphore_mem>>) {add = true}
      } else {
      }
      %mul3A_507 = arith.constant 4 : i32
      %mul3A_508 = arith.muli %mul3A_507, %scan3A_395 : i32
      %add3A_509 = arith.constant 3 : i32
      %add3A_510 = arith.addi %mul3A_508, %add3A_509 : i32
      %add3A_511 = arith.constant 3 : i32
      %add3A_512 = arith.addi %add3A_510, %add3A_511 : i32
      %lt3A_513 = arith.constant 80 : i32
      %lt3A_514 = arith.cmpi slt, %add3A_512, %lt3A_513 : i32
      %convert_element_type3A_515 = arith.extui %lt3A_514 : i1 to i32
      %cond3A_516 = arith.constant 0 : i32
      %cond3A_517 = arith.cmpi ne, %convert_element_type3A_515, %cond3A_516 : i32
      scf.if %cond3A_517 {
        %ge3A = arith.constant 4 : i32
        %ge3A_545 = arith.cmpi sge, %add3A_512, %ge3A : i32
        %convert_element_type3A_546 = arith.extui %ge3A_545 : i1 to i32
        %cond3A_547 = arith.constant 0 : i32
        %cond3A_548 = arith.cmpi ne, %convert_element_type3A_546, %cond3A_547 : i32
        scf.if %cond3A_548 {
          %sub3A = arith.constant 4 : i32
          %sub3A_560 = arith.subi %add3A_512, %sub3A : i32
          %dma_wait3A_561 = arith.constant 2 : i32
          %dma_wait3A_562 = arith.constant 0 : i32
          %dma_wait3A_563 = arith.constant 0 : i32
          %dma_wait3A_564 = tpu.memref_slice %arg12[%dma_wait3A_561, %dma_wait3A_562, %dma_wait3A_563] : memref<4x128x64xf32, #tpu.memory_space<vmem>> -> memref<1x128x64xf32, #tpu.memory_space<vmem>>
          %dma_wait3A_565 = tpu.memref_squeeze %dma_wait3A_564 : memref<1x128x64xf32, #tpu.memory_space<vmem>> -> memref<128x64xf32, #tpu.memory_space<vmem>>
          %dma_wait3A_566 = arith.constant 0 : i32
          %dma_wait3A_567 = tpu.memref_slice %arg11[%sub3A_560, %dma_wait3A_566] : memref<80x128xi32, #tpu.memory_space<vmem>> -> memref<1x128xi32, #tpu.memory_space<vmem>>
          %dma_wait3A_568 = tpu.memref_squeeze %dma_wait3A_567 : memref<1x128xi32, #tpu.memory_space<vmem>> -> memref<128xi32, #tpu.memory_space<vmem>>
          %dma_wait3A_569 = arith.constant 0 : i32
          %dma_wait3A_570 = arith.constant 0 : i32
          %dma_wait3A_571 = tpu.memref_slice %arg24[%dma_wait3A_569, %dma_wait3A_570] : memref<10240x64xf32, #tpu.memory_space<vmem_shared>> -> memref<10240x64xf32, #tpu.memory_space<vmem_shared>>
          tpu.wait_indirect_dma semaphore(%arg21 : memref<!tpu.dma_semaphore, #tpu.memory_space<semaphore_mem>>) src(%dma_wait3A_565 : memref<128x64xf32, #tpu.memory_space<vmem>>) dst(%dma_wait3A_571 : memref<10240x64xf32, #tpu.memory_space<vmem_shared>>)
        } else {
        }
        %dma_start3A_549 = arith.constant 2 : i32
        %dma_start3A_550 = arith.constant 0 : i32
        %dma_start3A_551 = arith.constant 0 : i32
        %dma_start3A_552 = tpu.memref_slice %arg12[%dma_start3A_549, %dma_start3A_550, %dma_start3A_551] : memref<4x128x64xf32, #tpu.memory_space<vmem>> -> memref<1x128x64xf32, #tpu.memory_space<vmem>>
        %dma_start3A_553 = tpu.memref_squeeze %dma_start3A_552 : memref<1x128x64xf32, #tpu.memory_space<vmem>> -> memref<128x64xf32, #tpu.memory_space<vmem>>
        %dma_start3A_554 = arith.constant 0 : i32
        %dma_start3A_555 = tpu.memref_slice %arg10[%add3A_512, %dma_start3A_554] : memref<80x128xi32, #tpu.memory_space<vmem>> -> memref<1x128xi32, #tpu.memory_space<vmem>>
        %dma_start3A_556 = tpu.memref_squeeze %dma_start3A_555 : memref<1x128xi32, #tpu.memory_space<vmem>> -> memref<128xi32, #tpu.memory_space<vmem>>
        %dma_start3A_557 = arith.constant 0 : i32
        %dma_start3A_558 = arith.constant 0 : i32
        %dma_start3A_559 = tpu.memref_slice %arg2[%dma_start3A_557, %dma_start3A_558] : memref<100000x64xf32, #tpu.memory_space<hbm>> -> memref<100000x64xf32, #tpu.memory_space<hbm>>
        tpu.enqueue_indirect_dma source(%dma_start3A_559 : memref<100000x64xf32, #tpu.memory_space<hbm>>) target(%dma_start3A_553 : memref<128x64xf32, #tpu.memory_space<vmem>>) offsets(%dma_start3A_556 : memref<128xi32, #tpu.memory_space<vmem>>) semaphore(%arg17 : memref<!tpu.dma_semaphore, #tpu.memory_space<semaphore_mem>>)
      } else {
      }
      %dma_wait3A_518 = arith.constant 3 : i32
      %dma_wait3A_519 = arith.constant 0 : i32
      %dma_wait3A_520 = arith.constant 0 : i32
      %dma_wait3A_521 = tpu.memref_slice %arg12[%dma_wait3A_518, %dma_wait3A_519, %dma_wait3A_520] : memref<4x128x64xf32, #tpu.memory_space<vmem>> -> memref<1x128x64xf32, #tpu.memory_space<vmem>>
      %dma_wait3A_522 = tpu.memref_squeeze %dma_wait3A_521 : memref<1x128x64xf32, #tpu.memory_space<vmem>> -> memref<128x64xf32, #tpu.memory_space<vmem>>
      %dma_wait3A_523 = arith.constant 0 : i32
      %dma_wait3A_524 = tpu.memref_slice %arg10[%add3A_510, %dma_wait3A_523] : memref<80x128xi32, #tpu.memory_space<vmem>> -> memref<1x128xi32, #tpu.memory_space<vmem>>
      %dma_wait3A_525 = tpu.memref_squeeze %dma_wait3A_524 : memref<1x128xi32, #tpu.memory_space<vmem>> -> memref<128xi32, #tpu.memory_space<vmem>>
      %dma_wait3A_526 = arith.constant 0 : i32
      %dma_wait3A_527 = arith.constant 0 : i32
      %dma_wait3A_528 = tpu.memref_slice %arg2[%dma_wait3A_526, %dma_wait3A_527] : memref<100000x64xf32, #tpu.memory_space<hbm>> -> memref<100000x64xf32, #tpu.memory_space<hbm>>
      tpu.wait_indirect_dma semaphore(%arg18 : memref<!tpu.dma_semaphore, #tpu.memory_space<semaphore_mem>>) src(%dma_wait3A_528 : memref<100000x64xf32, #tpu.memory_space<hbm>>) dst(%dma_wait3A_522 : memref<128x64xf32, #tpu.memory_space<vmem>>)
      %dma_start3A_529 = arith.constant 3 : i32
      %dma_start3A_530 = arith.constant 0 : i32
      %dma_start3A_531 = arith.constant 0 : i32
      %dma_start3A_532 = tpu.memref_slice %arg12[%dma_start3A_529, %dma_start3A_530, %dma_start3A_531] : memref<4x128x64xf32, #tpu.memory_space<vmem>> -> memref<1x128x64xf32, #tpu.memory_space<vmem>>
      %dma_start3A_533 = tpu.memref_squeeze %dma_start3A_532 : memref<1x128x64xf32, #tpu.memory_space<vmem>> -> memref<128x64xf32, #tpu.memory_space<vmem>>
      %dma_start3A_534 = arith.constant 0 : i32
      %dma_start3A_535 = tpu.memref_slice %arg11[%add3A_510, %dma_start3A_534] : memref<80x128xi32, #tpu.memory_space<vmem>> -> memref<1x128xi32, #tpu.memory_space<vmem>>
      %dma_start3A_536 = tpu.memref_squeeze %dma_start3A_535 : memref<1x128xi32, #tpu.memory_space<vmem>> -> memref<128xi32, #tpu.memory_space<vmem>>
      %dma_start3A_537 = arith.constant 0 : i32
      %dma_start3A_538 = arith.constant 0 : i32
      %dma_start3A_539 = tpu.memref_slice %arg24[%dma_start3A_537, %dma_start3A_538] : memref<10240x64xf32, #tpu.memory_space<vmem_shared>> -> memref<10240x64xf32, #tpu.memory_space<vmem_shared>>
      tpu.enqueue_indirect_dma source(%dma_start3A_533 : memref<128x64xf32, #tpu.memory_space<vmem>>) target(%dma_start3A_539 : memref<10240x64xf32, #tpu.memory_space<vmem_shared>>) offsets(%dma_start3A_536 : memref<128xi32, #tpu.memory_space<vmem>>) semaphore(%arg22 : memref<!tpu.dma_semaphore, #tpu.memory_space<semaphore_mem>>) {add = true}
      %lt3A_540 = arith.constant 40 : i32
      %lt3A_541 = arith.cmpi slt, %add3A_510, %lt3A_540 : i32
      %convert_element_type3A_542 = arith.extui %lt3A_541 : i1 to i32
      %cond3A_543 = arith.constant 0 : i32
      %cond3A_544 = arith.cmpi ne, %convert_element_type3A_542, %cond3A_543 : i32
      scf.if %cond3A_544 {
        %dma_start3A_545 = arith.constant 0 : i32
        %dma_start3A_546 = tpu.memref_slice %arg11[%add3A_510, %dma_start3A_545] : memref<80x128xi32, #tpu.memory_space<vmem>> -> memref<1x128xi32, #tpu.memory_space<vmem>>
        %dma_start3A_547 = tpu.memref_squeeze %dma_start3A_546 : memref<1x128xi32, #tpu.memory_space<vmem>> -> memref<128xi32, #tpu.memory_space<vmem>>
        %dma_start3A_548 = arith.constant 0 : i32
        %dma_start3A_549 = arith.constant 0 : i32
        %dma_start3A_550 = tpu.memref_slice %arg25[%dma_start3A_548, %dma_start3A_549] : memref<10240x16xf32, #tpu.memory_space<vmem_shared>> -> memref<10240x16xf32, #tpu.memory_space<vmem_shared>>
        tpu.enqueue_indirect_dma source(%arg13 : memref<128x16xf32, #tpu.memory_space<vmem>>) target(%dma_start3A_550 : memref<10240x16xf32, #tpu.memory_space<vmem_shared>>) offsets(%dma_start3A_547 : memref<128xi32, #tpu.memory_space<vmem>>) semaphore(%arg23 : memref<!tpu.dma_semaphore, #tpu.memory_space<semaphore_mem>>) {add = true}
      } else {
      }
    }
    %scan3A_64 = arith.constant 20 : i32
    %dma_wait3A = arith.constant 0 : i32
    %dma_wait3A_65 = arith.constant 76 : i32
    %dma_wait3A_66 = arith.constant 0 : i32
    %dma_wait3A_67 = arith.constant 0 : i32
    %dma_wait3A_68 = tpu.memref_slice %arg12[%dma_wait3A, %dma_wait3A_66, %dma_wait3A_67] : memref<4x128x64xf32, #tpu.memory_space<vmem>> -> memref<1x128x64xf32, #tpu.memory_space<vmem>>
    %dma_wait3A_69 = tpu.memref_squeeze %dma_wait3A_68 : memref<1x128x64xf32, #tpu.memory_space<vmem>> -> memref<128x64xf32, #tpu.memory_space<vmem>>
    %dma_wait3A_70 = arith.constant 0 : i32
    %dma_wait3A_71 = tpu.memref_slice %arg11[%dma_wait3A_65, %dma_wait3A_70] : memref<80x128xi32, #tpu.memory_space<vmem>> -> memref<1x128xi32, #tpu.memory_space<vmem>>
    %dma_wait3A_72 = tpu.memref_squeeze %dma_wait3A_71 : memref<1x128xi32, #tpu.memory_space<vmem>> -> memref<128xi32, #tpu.memory_space<vmem>>
    %dma_wait3A_73 = arith.constant 0 : i32
    %dma_wait3A_74 = arith.constant 0 : i32
    %dma_wait3A_75 = tpu.memref_slice %arg24[%dma_wait3A_73, %dma_wait3A_74] : memref<10240x64xf32, #tpu.memory_space<vmem_shared>> -> memref<10240x64xf32, #tpu.memory_space<vmem_shared>>
    tpu.wait_indirect_dma semaphore(%arg19 : memref<!tpu.dma_semaphore, #tpu.memory_space<semaphore_mem>>) src(%dma_wait3A_69 : memref<128x64xf32, #tpu.memory_space<vmem>>) dst(%dma_wait3A_75 : memref<10240x64xf32, #tpu.memory_space<vmem_shared>>)
    %dma_wait3A_76 = arith.constant 1 : i32
    %dma_wait3A_77 = arith.constant 77 : i32
    %dma_wait3A_78 = arith.constant 0 : i32
    %dma_wait3A_79 = arith.constant 0 : i32
    %dma_wait3A_80 = tpu.memref_slice %arg12[%dma_wait3A_76, %dma_wait3A_78, %dma_wait3A_79] : memref<4x128x64xf32, #tpu.memory_space<vmem>> -> memref<1x128x64xf32, #tpu.memory_space<vmem>>
    %dma_wait3A_81 = tpu.memref_squeeze %dma_wait3A_80 : memref<1x128x64xf32, #tpu.memory_space<vmem>> -> memref<128x64xf32, #tpu.memory_space<vmem>>
    %dma_wait3A_82 = arith.constant 0 : i32
    %dma_wait3A_83 = tpu.memref_slice %arg11[%dma_wait3A_77, %dma_wait3A_82] : memref<80x128xi32, #tpu.memory_space<vmem>> -> memref<1x128xi32, #tpu.memory_space<vmem>>
    %dma_wait3A_84 = tpu.memref_squeeze %dma_wait3A_83 : memref<1x128xi32, #tpu.memory_space<vmem>> -> memref<128xi32, #tpu.memory_space<vmem>>
    %dma_wait3A_85 = arith.constant 0 : i32
    %dma_wait3A_86 = arith.constant 0 : i32
    %dma_wait3A_87 = tpu.memref_slice %arg24[%dma_wait3A_85, %dma_wait3A_86] : memref<10240x64xf32, #tpu.memory_space<vmem_shared>> -> memref<10240x64xf32, #tpu.memory_space<vmem_shared>>
    tpu.wait_indirect_dma semaphore(%arg20 : memref<!tpu.dma_semaphore, #tpu.memory_space<semaphore_mem>>) src(%dma_wait3A_81 : memref<128x64xf32, #tpu.memory_space<vmem>>) dst(%dma_wait3A_87 : memref<10240x64xf32, #tpu.memory_space<vmem_shared>>)
    %dma_wait3A_88 = arith.constant 2 : i32
    %dma_wait3A_89 = arith.constant 78 : i32
    %dma_wait3A_90 = arith.constant 0 : i32
    %dma_wait3A_91 = arith.constant 0 : i32
    %dma_wait3A_92 = tpu.memref_slice %arg12[%dma_wait3A_88, %dma_wait3A_90, %dma_wait3A_91] : memref<4x128x64xf32, #tpu.memory_space<vmem>> -> memref<1x128x64xf32, #tpu.memory_space<vmem>>
    %dma_wait3A_93 = tpu.memref_squeeze %dma_wait3A_92 : memref<1x128x64xf32, #tpu.memory_space<vmem>> -> memref<128x64xf32, #tpu.memory_space<vmem>>
    %dma_wait3A_94 = arith.constant 0 : i32
    %dma_wait3A_95 = tpu.memref_slice %arg11[%dma_wait3A_89, %dma_wait3A_94] : memref<80x128xi32, #tpu.memory_space<vmem>> -> memref<1x128xi32, #tpu.memory_space<vmem>>
    %dma_wait3A_96 = tpu.memref_squeeze %dma_wait3A_95 : memref<1x128xi32, #tpu.memory_space<vmem>> -> memref<128xi32, #tpu.memory_space<vmem>>
    %dma_wait3A_97 = arith.constant 0 : i32
    %dma_wait3A_98 = arith.constant 0 : i32
    %dma_wait3A_99 = tpu.memref_slice %arg24[%dma_wait3A_97, %dma_wait3A_98] : memref<10240x64xf32, #tpu.memory_space<vmem_shared>> -> memref<10240x64xf32, #tpu.memory_space<vmem_shared>>
    tpu.wait_indirect_dma semaphore(%arg21 : memref<!tpu.dma_semaphore, #tpu.memory_space<semaphore_mem>>) src(%dma_wait3A_93 : memref<128x64xf32, #tpu.memory_space<vmem>>) dst(%dma_wait3A_99 : memref<10240x64xf32, #tpu.memory_space<vmem_shared>>)
    %dma_wait3A_100 = arith.constant 3 : i32
    %dma_wait3A_101 = arith.constant 79 : i32
    %dma_wait3A_102 = arith.constant 0 : i32
    %dma_wait3A_103 = arith.constant 0 : i32
    %dma_wait3A_104 = tpu.memref_slice %arg12[%dma_wait3A_100, %dma_wait3A_102, %dma_wait3A_103] : memref<4x128x64xf32, #tpu.memory_space<vmem>> -> memref<1x128x64xf32, #tpu.memory_space<vmem>>
    %dma_wait3A_105 = tpu.memref_squeeze %dma_wait3A_104 : memref<1x128x64xf32, #tpu.memory_space<vmem>> -> memref<128x64xf32, #tpu.memory_space<vmem>>
    %dma_wait3A_106 = arith.constant 0 : i32
    %dma_wait3A_107 = tpu.memref_slice %arg11[%dma_wait3A_101, %dma_wait3A_106] : memref<80x128xi32, #tpu.memory_space<vmem>> -> memref<1x128xi32, #tpu.memory_space<vmem>>
    %dma_wait3A_108 = tpu.memref_squeeze %dma_wait3A_107 : memref<1x128xi32, #tpu.memory_space<vmem>> -> memref<128xi32, #tpu.memory_space<vmem>>
    %dma_wait3A_109 = arith.constant 0 : i32
    %dma_wait3A_110 = arith.constant 0 : i32
    %dma_wait3A_111 = tpu.memref_slice %arg24[%dma_wait3A_109, %dma_wait3A_110] : memref<10240x64xf32, #tpu.memory_space<vmem_shared>> -> memref<10240x64xf32, #tpu.memory_space<vmem_shared>>
    tpu.wait_indirect_dma semaphore(%arg22 : memref<!tpu.dma_semaphore, #tpu.memory_space<semaphore_mem>>) src(%dma_wait3A_105 : memref<128x64xf32, #tpu.memory_space<vmem>>) dst(%dma_wait3A_111 : memref<10240x64xf32, #tpu.memory_space<vmem_shared>>)
    %dma_wait3A_112 = arith.constant 0 : i32
    %dma_wait3A_113 = arith.constant 0 : i32
    %dma_wait3A_114 = tpu.memref_slice %arg11[%dma_wait3A_112, %dma_wait3A_113] : memref<80x128xi32, #tpu.memory_space<vmem>> -> memref<1x128xi32, #tpu.memory_space<vmem>>
    %dma_wait3A_115 = tpu.memref_squeeze %dma_wait3A_114 : memref<1x128xi32, #tpu.memory_space<vmem>> -> memref<128xi32, #tpu.memory_space<vmem>>
    %dma_wait3A_116 = arith.constant 0 : i32
    %dma_wait3A_117 = arith.constant 0 : i32
    %dma_wait3A_118 = tpu.memref_slice %arg25[%dma_wait3A_116, %dma_wait3A_117] : memref<10240x16xf32, #tpu.memory_space<vmem_shared>> -> memref<10240x16xf32, #tpu.memory_space<vmem_shared>>
    tpu.wait_indirect_dma semaphore(%arg23 : memref<!tpu.dma_semaphore, #tpu.memory_space<semaphore_mem>>) src(%arg13 : memref<128x16xf32, #tpu.memory_space<vmem>>) dst(%dma_wait3A_118 : memref<10240x16xf32, #tpu.memory_space<vmem_shared>>)
    %dma_wait3A_119 = arith.constant 0 : i32
    %dma_wait3A_120 = arith.constant 0 : i32
    %dma_wait3A_121 = tpu.memref_slice %arg11[%dma_wait3A_119, %dma_wait3A_120] : memref<80x128xi32, #tpu.memory_space<vmem>> -> memref<1x128xi32, #tpu.memory_space<vmem>>
    %dma_wait3A_122 = tpu.memref_squeeze %dma_wait3A_121 : memref<1x128xi32, #tpu.memory_space<vmem>> -> memref<128xi32, #tpu.memory_space<vmem>>
    %dma_wait3A_123 = arith.constant 0 : i32
    %dma_wait3A_124 = arith.constant 0 : i32
    %dma_wait3A_125 = tpu.memref_slice %arg25[%dma_wait3A_123, %dma_wait3A_124] : memref<10240x16xf32, #tpu.memory_space<vmem_shared>> -> memref<10240x16xf32, #tpu.memory_space<vmem_shared>>
    tpu.wait_indirect_dma semaphore(%arg23 : memref<!tpu.dma_semaphore, #tpu.memory_space<semaphore_mem>>) src(%arg13 : memref<128x16xf32, #tpu.memory_space<vmem>>) dst(%dma_wait3A_125 : memref<10240x16xf32, #tpu.memory_space<vmem_shared>>)
    %dma_wait3A_126 = arith.constant 0 : i32
    %dma_wait3A_127 = arith.constant 0 : i32
    %dma_wait3A_128 = tpu.memref_slice %arg11[%dma_wait3A_126, %dma_wait3A_127] : memref<80x128xi32, #tpu.memory_space<vmem>> -> memref<1x128xi32, #tpu.memory_space<vmem>>
    %dma_wait3A_129 = tpu.memref_squeeze %dma_wait3A_128 : memref<1x128xi32, #tpu.memory_space<vmem>> -> memref<128xi32, #tpu.memory_space<vmem>>
    %dma_wait3A_130 = arith.constant 0 : i32
    %dma_wait3A_131 = arith.constant 0 : i32
    %dma_wait3A_132 = tpu.memref_slice %arg25[%dma_wait3A_130, %dma_wait3A_131] : memref<10240x16xf32, #tpu.memory_space<vmem_shared>> -> memref<10240x16xf32, #tpu.memory_space<vmem_shared>>
    tpu.wait_indirect_dma semaphore(%arg23 : memref<!tpu.dma_semaphore, #tpu.memory_space<semaphore_mem>>) src(%arg13 : memref<128x16xf32, #tpu.memory_space<vmem>>) dst(%dma_wait3A_132 : memref<10240x16xf32, #tpu.memory_space<vmem_shared>>)
    %dma_wait3A_133 = arith.constant 0 : i32
    %dma_wait3A_134 = arith.constant 0 : i32
    %dma_wait3A_135 = tpu.memref_slice %arg11[%dma_wait3A_133, %dma_wait3A_134] : memref<80x128xi32, #tpu.memory_space<vmem>> -> memref<1x128xi32, #tpu.memory_space<vmem>>
    %dma_wait3A_136 = tpu.memref_squeeze %dma_wait3A_135 : memref<1x128xi32, #tpu.memory_space<vmem>> -> memref<128xi32, #tpu.memory_space<vmem>>
    %dma_wait3A_137 = arith.constant 0 : i32
    %dma_wait3A_138 = arith.constant 0 : i32
    %dma_wait3A_139 = tpu.memref_slice %arg25[%dma_wait3A_137, %dma_wait3A_138] : memref<10240x16xf32, #tpu.memory_space<vmem_shared>> -> memref<10240x16xf32, #tpu.memory_space<vmem_shared>>
    tpu.wait_indirect_dma semaphore(%arg23 : memref<!tpu.dma_semaphore, #tpu.memory_space<semaphore_mem>>) src(%arg13 : memref<128x16xf32, #tpu.memory_space<vmem>>) dst(%dma_wait3A_139 : memref<10240x16xf32, #tpu.memory_space<vmem_shared>>)
    %dma_wait3A_140 = arith.constant 0 : i32
    %dma_wait3A_141 = arith.constant 0 : i32
    %dma_wait3A_142 = tpu.memref_slice %arg11[%dma_wait3A_140, %dma_wait3A_141] : memref<80x128xi32, #tpu.memory_space<vmem>> -> memref<1x128xi32, #tpu.memory_space<vmem>>
    %dma_wait3A_143 = tpu.memref_squeeze %dma_wait3A_142 : memref<1x128xi32, #tpu.memory_space<vmem>> -> memref<128xi32, #tpu.memory_space<vmem>>
    %dma_wait3A_144 = arith.constant 0 : i32
    %dma_wait3A_145 = arith.constant 0 : i32
    %dma_wait3A_146 = tpu.memref_slice %arg25[%dma_wait3A_144, %dma_wait3A_145] : memref<10240x16xf32, #tpu.memory_space<vmem_shared>> -> memref<10240x16xf32, #tpu.memory_space<vmem_shared>>
    tpu.wait_indirect_dma semaphore(%arg23 : memref<!tpu.dma_semaphore, #tpu.memory_space<semaphore_mem>>) src(%arg13 : memref<128x16xf32, #tpu.memory_space<vmem>>) dst(%dma_wait3A_146 : memref<10240x16xf32, #tpu.memory_space<vmem_shared>>)
    %dma_wait3A_147 = arith.constant 0 : i32
    %dma_wait3A_148 = arith.constant 0 : i32
    %dma_wait3A_149 = tpu.memref_slice %arg11[%dma_wait3A_147, %dma_wait3A_148] : memref<80x128xi32, #tpu.memory_space<vmem>> -> memref<1x128xi32, #tpu.memory_space<vmem>>
    %dma_wait3A_150 = tpu.memref_squeeze %dma_wait3A_149 : memref<1x128xi32, #tpu.memory_space<vmem>> -> memref<128xi32, #tpu.memory_space<vmem>>
    %dma_wait3A_151 = arith.constant 0 : i32
    %dma_wait3A_152 = arith.constant 0 : i32
    %dma_wait3A_153 = tpu.memref_slice %arg25[%dma_wait3A_151, %dma_wait3A_152] : memref<10240x16xf32, #tpu.memory_space<vmem_shared>> -> memref<10240x16xf32, #tpu.memory_space<vmem_shared>>
    tpu.wait_indirect_dma semaphore(%arg23 : memref<!tpu.dma_semaphore, #tpu.memory_space<semaphore_mem>>) src(%arg13 : memref<128x16xf32, #tpu.memory_space<vmem>>) dst(%dma_wait3A_153 : memref<10240x16xf32, #tpu.memory_space<vmem_shared>>)
    %dma_wait3A_154 = arith.constant 0 : i32
    %dma_wait3A_155 = arith.constant 0 : i32
    %dma_wait3A_156 = tpu.memref_slice %arg11[%dma_wait3A_154, %dma_wait3A_155] : memref<80x128xi32, #tpu.memory_space<vmem>> -> memref<1x128xi32, #tpu.memory_space<vmem>>
    %dma_wait3A_157 = tpu.memref_squeeze %dma_wait3A_156 : memref<1x128xi32, #tpu.memory_space<vmem>> -> memref<128xi32, #tpu.memory_space<vmem>>
    %dma_wait3A_158 = arith.constant 0 : i32
    %dma_wait3A_159 = arith.constant 0 : i32
    %dma_wait3A_160 = tpu.memref_slice %arg25[%dma_wait3A_158, %dma_wait3A_159] : memref<10240x16xf32, #tpu.memory_space<vmem_shared>> -> memref<10240x16xf32, #tpu.memory_space<vmem_shared>>
    tpu.wait_indirect_dma semaphore(%arg23 : memref<!tpu.dma_semaphore, #tpu.memory_space<semaphore_mem>>) src(%arg13 : memref<128x16xf32, #tpu.memory_space<vmem>>) dst(%dma_wait3A_160 : memref<10240x16xf32, #tpu.memory_space<vmem_shared>>)
    %dma_wait3A_161 = arith.constant 0 : i32
    %dma_wait3A_162 = arith.constant 0 : i32
    %dma_wait3A_163 = tpu.memref_slice %arg11[%dma_wait3A_161, %dma_wait3A_162] : memref<80x128xi32, #tpu.memory_space<vmem>> -> memref<1x128xi32, #tpu.memory_space<vmem>>
    %dma_wait3A_164 = tpu.memref_squeeze %dma_wait3A_163 : memref<1x128xi32, #tpu.memory_space<vmem>> -> memref<128xi32, #tpu.memory_space<vmem>>
    %dma_wait3A_165 = arith.constant 0 : i32
    %dma_wait3A_166 = arith.constant 0 : i32
    %dma_wait3A_167 = tpu.memref_slice %arg25[%dma_wait3A_165, %dma_wait3A_166] : memref<10240x16xf32, #tpu.memory_space<vmem_shared>> -> memref<10240x16xf32, #tpu.memory_space<vmem_shared>>
    tpu.wait_indirect_dma semaphore(%arg23 : memref<!tpu.dma_semaphore, #tpu.memory_space<semaphore_mem>>) src(%arg13 : memref<128x16xf32, #tpu.memory_space<vmem>>) dst(%dma_wait3A_167 : memref<10240x16xf32, #tpu.memory_space<vmem_shared>>)
    %dma_wait3A_168 = arith.constant 0 : i32
    %dma_wait3A_169 = arith.constant 0 : i32
    %dma_wait3A_170 = tpu.memref_slice %arg11[%dma_wait3A_168, %dma_wait3A_169] : memref<80x128xi32, #tpu.memory_space<vmem>> -> memref<1x128xi32, #tpu.memory_space<vmem>>
    %dma_wait3A_171 = tpu.memref_squeeze %dma_wait3A_170 : memref<1x128xi32, #tpu.memory_space<vmem>> -> memref<128xi32, #tpu.memory_space<vmem>>
    %dma_wait3A_172 = arith.constant 0 : i32
    %dma_wait3A_173 = arith.constant 0 : i32
    %dma_wait3A_174 = tpu.memref_slice %arg25[%dma_wait3A_172, %dma_wait3A_173] : memref<10240x16xf32, #tpu.memory_space<vmem_shared>> -> memref<10240x16xf32, #tpu.memory_space<vmem_shared>>
    tpu.wait_indirect_dma semaphore(%arg23 : memref<!tpu.dma_semaphore, #tpu.memory_space<semaphore_mem>>) src(%arg13 : memref<128x16xf32, #tpu.memory_space<vmem>>) dst(%dma_wait3A_174 : memref<10240x16xf32, #tpu.memory_space<vmem_shared>>)
    %dma_wait3A_175 = arith.constant 0 : i32
    %dma_wait3A_176 = arith.constant 0 : i32
    %dma_wait3A_177 = tpu.memref_slice %arg11[%dma_wait3A_175, %dma_wait3A_176] : memref<80x128xi32, #tpu.memory_space<vmem>> -> memref<1x128xi32, #tpu.memory_space<vmem>>
    %dma_wait3A_178 = tpu.memref_squeeze %dma_wait3A_177 : memref<1x128xi32, #tpu.memory_space<vmem>> -> memref<128xi32, #tpu.memory_space<vmem>>
    %dma_wait3A_179 = arith.constant 0 : i32
    %dma_wait3A_180 = arith.constant 0 : i32
    %dma_wait3A_181 = tpu.memref_slice %arg25[%dma_wait3A_179, %dma_wait3A_180] : memref<10240x16xf32, #tpu.memory_space<vmem_shared>> -> memref<10240x16xf32, #tpu.memory_space<vmem_shared>>
    tpu.wait_indirect_dma semaphore(%arg23 : memref<!tpu.dma_semaphore, #tpu.memory_space<semaphore_mem>>) src(%arg13 : memref<128x16xf32, #tpu.memory_space<vmem>>) dst(%dma_wait3A_181 : memref<10240x16xf32, #tpu.memory_space<vmem_shared>>)
    %dma_wait3A_182 = arith.constant 0 : i32
    %dma_wait3A_183 = arith.constant 0 : i32
    %dma_wait3A_184 = tpu.memref_slice %arg11[%dma_wait3A_182, %dma_wait3A_183] : memref<80x128xi32, #tpu.memory_space<vmem>> -> memref<1x128xi32, #tpu.memory_space<vmem>>
    %dma_wait3A_185 = tpu.memref_squeeze %dma_wait3A_184 : memref<1x128xi32, #tpu.memory_space<vmem>> -> memref<128xi32, #tpu.memory_space<vmem>>
    %dma_wait3A_186 = arith.constant 0 : i32
    %dma_wait3A_187 = arith.constant 0 : i32
    %dma_wait3A_188 = tpu.memref_slice %arg25[%dma_wait3A_186, %dma_wait3A_187] : memref<10240x16xf32, #tpu.memory_space<vmem_shared>> -> memref<10240x16xf32, #tpu.memory_space<vmem_shared>>
    tpu.wait_indirect_dma semaphore(%arg23 : memref<!tpu.dma_semaphore, #tpu.memory_space<semaphore_mem>>) src(%arg13 : memref<128x16xf32, #tpu.memory_space<vmem>>) dst(%dma_wait3A_188 : memref<10240x16xf32, #tpu.memory_space<vmem_shared>>)
    %dma_wait3A_189 = arith.constant 0 : i32
    %dma_wait3A_190 = arith.constant 0 : i32
    %dma_wait3A_191 = tpu.memref_slice %arg11[%dma_wait3A_189, %dma_wait3A_190] : memref<80x128xi32, #tpu.memory_space<vmem>> -> memref<1x128xi32, #tpu.memory_space<vmem>>
    %dma_wait3A_192 = tpu.memref_squeeze %dma_wait3A_191 : memref<1x128xi32, #tpu.memory_space<vmem>> -> memref<128xi32, #tpu.memory_space<vmem>>
    %dma_wait3A_193 = arith.constant 0 : i32
    %dma_wait3A_194 = arith.constant 0 : i32
    %dma_wait3A_195 = tpu.memref_slice %arg25[%dma_wait3A_193, %dma_wait3A_194] : memref<10240x16xf32, #tpu.memory_space<vmem_shared>> -> memref<10240x16xf32, #tpu.memory_space<vmem_shared>>
    tpu.wait_indirect_dma semaphore(%arg23 : memref<!tpu.dma_semaphore, #tpu.memory_space<semaphore_mem>>) src(%arg13 : memref<128x16xf32, #tpu.memory_space<vmem>>) dst(%dma_wait3A_195 : memref<10240x16xf32, #tpu.memory_space<vmem_shared>>)
    %dma_wait3A_196 = arith.constant 0 : i32
    %dma_wait3A_197 = arith.constant 0 : i32
    %dma_wait3A_198 = tpu.memref_slice %arg11[%dma_wait3A_196, %dma_wait3A_197] : memref<80x128xi32, #tpu.memory_space<vmem>> -> memref<1x128xi32, #tpu.memory_space<vmem>>
    %dma_wait3A_199 = tpu.memref_squeeze %dma_wait3A_198 : memref<1x128xi32, #tpu.memory_space<vmem>> -> memref<128xi32, #tpu.memory_space<vmem>>
    %dma_wait3A_200 = arith.constant 0 : i32
    %dma_wait3A_201 = arith.constant 0 : i32
    %dma_wait3A_202 = tpu.memref_slice %arg25[%dma_wait3A_200, %dma_wait3A_201] : memref<10240x16xf32, #tpu.memory_space<vmem_shared>> -> memref<10240x16xf32, #tpu.memory_space<vmem_shared>>
    tpu.wait_indirect_dma semaphore(%arg23 : memref<!tpu.dma_semaphore, #tpu.memory_space<semaphore_mem>>) src(%arg13 : memref<128x16xf32, #tpu.memory_space<vmem>>) dst(%dma_wait3A_202 : memref<10240x16xf32, #tpu.memory_space<vmem_shared>>)
    %dma_wait3A_203 = arith.constant 0 : i32
    %dma_wait3A_204 = arith.constant 0 : i32
    %dma_wait3A_205 = tpu.memref_slice %arg11[%dma_wait3A_203, %dma_wait3A_204] : memref<80x128xi32, #tpu.memory_space<vmem>> -> memref<1x128xi32, #tpu.memory_space<vmem>>
    %dma_wait3A_206 = tpu.memref_squeeze %dma_wait3A_205 : memref<1x128xi32, #tpu.memory_space<vmem>> -> memref<128xi32, #tpu.memory_space<vmem>>
    %dma_wait3A_207 = arith.constant 0 : i32
    %dma_wait3A_208 = arith.constant 0 : i32
    %dma_wait3A_209 = tpu.memref_slice %arg25[%dma_wait3A_207, %dma_wait3A_208] : memref<10240x16xf32, #tpu.memory_space<vmem_shared>> -> memref<10240x16xf32, #tpu.memory_space<vmem_shared>>
    tpu.wait_indirect_dma semaphore(%arg23 : memref<!tpu.dma_semaphore, #tpu.memory_space<semaphore_mem>>) src(%arg13 : memref<128x16xf32, #tpu.memory_space<vmem>>) dst(%dma_wait3A_209 : memref<10240x16xf32, #tpu.memory_space<vmem_shared>>)
    %dma_wait3A_210 = arith.constant 0 : i32
    %dma_wait3A_211 = arith.constant 0 : i32
    %dma_wait3A_212 = tpu.memref_slice %arg11[%dma_wait3A_210, %dma_wait3A_211] : memref<80x128xi32, #tpu.memory_space<vmem>> -> memref<1x128xi32, #tpu.memory_space<vmem>>
    %dma_wait3A_213 = tpu.memref_squeeze %dma_wait3A_212 : memref<1x128xi32, #tpu.memory_space<vmem>> -> memref<128xi32, #tpu.memory_space<vmem>>
    %dma_wait3A_214 = arith.constant 0 : i32
    %dma_wait3A_215 = arith.constant 0 : i32
    %dma_wait3A_216 = tpu.memref_slice %arg25[%dma_wait3A_214, %dma_wait3A_215] : memref<10240x16xf32, #tpu.memory_space<vmem_shared>> -> memref<10240x16xf32, #tpu.memory_space<vmem_shared>>
    tpu.wait_indirect_dma semaphore(%arg23 : memref<!tpu.dma_semaphore, #tpu.memory_space<semaphore_mem>>) src(%arg13 : memref<128x16xf32, #tpu.memory_space<vmem>>) dst(%dma_wait3A_216 : memref<10240x16xf32, #tpu.memory_space<vmem_shared>>)
    %dma_wait3A_217 = arith.constant 0 : i32
    %dma_wait3A_218 = arith.constant 0 : i32
    %dma_wait3A_219 = tpu.memref_slice %arg11[%dma_wait3A_217, %dma_wait3A_218] : memref<80x128xi32, #tpu.memory_space<vmem>> -> memref<1x128xi32, #tpu.memory_space<vmem>>
    %dma_wait3A_220 = tpu.memref_squeeze %dma_wait3A_219 : memref<1x128xi32, #tpu.memory_space<vmem>> -> memref<128xi32, #tpu.memory_space<vmem>>
    %dma_wait3A_221 = arith.constant 0 : i32
    %dma_wait3A_222 = arith.constant 0 : i32
    %dma_wait3A_223 = tpu.memref_slice %arg25[%dma_wait3A_221, %dma_wait3A_222] : memref<10240x16xf32, #tpu.memory_space<vmem_shared>> -> memref<10240x16xf32, #tpu.memory_space<vmem_shared>>
    tpu.wait_indirect_dma semaphore(%arg23 : memref<!tpu.dma_semaphore, #tpu.memory_space<semaphore_mem>>) src(%arg13 : memref<128x16xf32, #tpu.memory_space<vmem>>) dst(%dma_wait3A_223 : memref<10240x16xf32, #tpu.memory_space<vmem_shared>>)
    %dma_wait3A_224 = arith.constant 0 : i32
    %dma_wait3A_225 = arith.constant 0 : i32
    %dma_wait3A_226 = tpu.memref_slice %arg11[%dma_wait3A_224, %dma_wait3A_225] : memref<80x128xi32, #tpu.memory_space<vmem>> -> memref<1x128xi32, #tpu.memory_space<vmem>>
    %dma_wait3A_227 = tpu.memref_squeeze %dma_wait3A_226 : memref<1x128xi32, #tpu.memory_space<vmem>> -> memref<128xi32, #tpu.memory_space<vmem>>
    %dma_wait3A_228 = arith.constant 0 : i32
    %dma_wait3A_229 = arith.constant 0 : i32
    %dma_wait3A_230 = tpu.memref_slice %arg25[%dma_wait3A_228, %dma_wait3A_229] : memref<10240x16xf32, #tpu.memory_space<vmem_shared>> -> memref<10240x16xf32, #tpu.memory_space<vmem_shared>>
    tpu.wait_indirect_dma semaphore(%arg23 : memref<!tpu.dma_semaphore, #tpu.memory_space<semaphore_mem>>) src(%arg13 : memref<128x16xf32, #tpu.memory_space<vmem>>) dst(%dma_wait3A_230 : memref<10240x16xf32, #tpu.memory_space<vmem_shared>>)
    %dma_wait3A_231 = arith.constant 0 : i32
    %dma_wait3A_232 = arith.constant 0 : i32
    %dma_wait3A_233 = tpu.memref_slice %arg11[%dma_wait3A_231, %dma_wait3A_232] : memref<80x128xi32, #tpu.memory_space<vmem>> -> memref<1x128xi32, #tpu.memory_space<vmem>>
    %dma_wait3A_234 = tpu.memref_squeeze %dma_wait3A_233 : memref<1x128xi32, #tpu.memory_space<vmem>> -> memref<128xi32, #tpu.memory_space<vmem>>
    %dma_wait3A_235 = arith.constant 0 : i32
    %dma_wait3A_236 = arith.constant 0 : i32
    %dma_wait3A_237 = tpu.memref_slice %arg25[%dma_wait3A_235, %dma_wait3A_236] : memref<10240x16xf32, #tpu.memory_space<vmem_shared>> -> memref<10240x16xf32, #tpu.memory_space<vmem_shared>>
    tpu.wait_indirect_dma semaphore(%arg23 : memref<!tpu.dma_semaphore, #tpu.memory_space<semaphore_mem>>) src(%arg13 : memref<128x16xf32, #tpu.memory_space<vmem>>) dst(%dma_wait3A_237 : memref<10240x16xf32, #tpu.memory_space<vmem_shared>>)
    %dma_wait3A_238 = arith.constant 0 : i32
    %dma_wait3A_239 = arith.constant 0 : i32
    %dma_wait3A_240 = tpu.memref_slice %arg11[%dma_wait3A_238, %dma_wait3A_239] : memref<80x128xi32, #tpu.memory_space<vmem>> -> memref<1x128xi32, #tpu.memory_space<vmem>>
    %dma_wait3A_241 = tpu.memref_squeeze %dma_wait3A_240 : memref<1x128xi32, #tpu.memory_space<vmem>> -> memref<128xi32, #tpu.memory_space<vmem>>
    %dma_wait3A_242 = arith.constant 0 : i32
    %dma_wait3A_243 = arith.constant 0 : i32
    %dma_wait3A_244 = tpu.memref_slice %arg25[%dma_wait3A_242, %dma_wait3A_243] : memref<10240x16xf32, #tpu.memory_space<vmem_shared>> -> memref<10240x16xf32, #tpu.memory_space<vmem_shared>>
    tpu.wait_indirect_dma semaphore(%arg23 : memref<!tpu.dma_semaphore, #tpu.memory_space<semaphore_mem>>) src(%arg13 : memref<128x16xf32, #tpu.memory_space<vmem>>) dst(%dma_wait3A_244 : memref<10240x16xf32, #tpu.memory_space<vmem_shared>>)
    %dma_wait3A_245 = arith.constant 0 : i32
    %dma_wait3A_246 = arith.constant 0 : i32
    %dma_wait3A_247 = tpu.memref_slice %arg11[%dma_wait3A_245, %dma_wait3A_246] : memref<80x128xi32, #tpu.memory_space<vmem>> -> memref<1x128xi32, #tpu.memory_space<vmem>>
    %dma_wait3A_248 = tpu.memref_squeeze %dma_wait3A_247 : memref<1x128xi32, #tpu.memory_space<vmem>> -> memref<128xi32, #tpu.memory_space<vmem>>
    %dma_wait3A_249 = arith.constant 0 : i32
    %dma_wait3A_250 = arith.constant 0 : i32
    %dma_wait3A_251 = tpu.memref_slice %arg25[%dma_wait3A_249, %dma_wait3A_250] : memref<10240x16xf32, #tpu.memory_space<vmem_shared>> -> memref<10240x16xf32, #tpu.memory_space<vmem_shared>>
    tpu.wait_indirect_dma semaphore(%arg23 : memref<!tpu.dma_semaphore, #tpu.memory_space<semaphore_mem>>) src(%arg13 : memref<128x16xf32, #tpu.memory_space<vmem>>) dst(%dma_wait3A_251 : memref<10240x16xf32, #tpu.memory_space<vmem_shared>>)
    %dma_wait3A_252 = arith.constant 0 : i32
    %dma_wait3A_253 = arith.constant 0 : i32
    %dma_wait3A_254 = tpu.memref_slice %arg11[%dma_wait3A_252, %dma_wait3A_253] : memref<80x128xi32, #tpu.memory_space<vmem>> -> memref<1x128xi32, #tpu.memory_space<vmem>>
    %dma_wait3A_255 = tpu.memref_squeeze %dma_wait3A_254 : memref<1x128xi32, #tpu.memory_space<vmem>> -> memref<128xi32, #tpu.memory_space<vmem>>
    %dma_wait3A_256 = arith.constant 0 : i32
    %dma_wait3A_257 = arith.constant 0 : i32
    %dma_wait3A_258 = tpu.memref_slice %arg25[%dma_wait3A_256, %dma_wait3A_257] : memref<10240x16xf32, #tpu.memory_space<vmem_shared>> -> memref<10240x16xf32, #tpu.memory_space<vmem_shared>>
    tpu.wait_indirect_dma semaphore(%arg23 : memref<!tpu.dma_semaphore, #tpu.memory_space<semaphore_mem>>) src(%arg13 : memref<128x16xf32, #tpu.memory_space<vmem>>) dst(%dma_wait3A_258 : memref<10240x16xf32, #tpu.memory_space<vmem_shared>>)
    %dma_wait3A_259 = arith.constant 0 : i32
    %dma_wait3A_260 = arith.constant 0 : i32
    %dma_wait3A_261 = tpu.memref_slice %arg11[%dma_wait3A_259, %dma_wait3A_260] : memref<80x128xi32, #tpu.memory_space<vmem>> -> memref<1x128xi32, #tpu.memory_space<vmem>>
    %dma_wait3A_262 = tpu.memref_squeeze %dma_wait3A_261 : memref<1x128xi32, #tpu.memory_space<vmem>> -> memref<128xi32, #tpu.memory_space<vmem>>
    %dma_wait3A_263 = arith.constant 0 : i32
    %dma_wait3A_264 = arith.constant 0 : i32
    %dma_wait3A_265 = tpu.memref_slice %arg25[%dma_wait3A_263, %dma_wait3A_264] : memref<10240x16xf32, #tpu.memory_space<vmem_shared>> -> memref<10240x16xf32, #tpu.memory_space<vmem_shared>>
    tpu.wait_indirect_dma semaphore(%arg23 : memref<!tpu.dma_semaphore, #tpu.memory_space<semaphore_mem>>) src(%arg13 : memref<128x16xf32, #tpu.memory_space<vmem>>) dst(%dma_wait3A_265 : memref<10240x16xf32, #tpu.memory_space<vmem_shared>>)
    %dma_wait3A_266 = arith.constant 0 : i32
    %dma_wait3A_267 = arith.constant 0 : i32
    %dma_wait3A_268 = tpu.memref_slice %arg11[%dma_wait3A_266, %dma_wait3A_267] : memref<80x128xi32, #tpu.memory_space<vmem>> -> memref<1x128xi32, #tpu.memory_space<vmem>>
    %dma_wait3A_269 = tpu.memref_squeeze %dma_wait3A_268 : memref<1x128xi32, #tpu.memory_space<vmem>> -> memref<128xi32, #tpu.memory_space<vmem>>
    %dma_wait3A_270 = arith.constant 0 : i32
    %dma_wait3A_271 = arith.constant 0 : i32
    %dma_wait3A_272 = tpu.memref_slice %arg25[%dma_wait3A_270, %dma_wait3A_271] : memref<10240x16xf32, #tpu.memory_space<vmem_shared>> -> memref<10240x16xf32, #tpu.memory_space<vmem_shared>>
    tpu.wait_indirect_dma semaphore(%arg23 : memref<!tpu.dma_semaphore, #tpu.memory_space<semaphore_mem>>) src(%arg13 : memref<128x16xf32, #tpu.memory_space<vmem>>) dst(%dma_wait3A_272 : memref<10240x16xf32, #tpu.memory_space<vmem_shared>>)
    %dma_wait3A_273 = arith.constant 0 : i32
    %dma_wait3A_274 = arith.constant 0 : i32
    %dma_wait3A_275 = tpu.memref_slice %arg11[%dma_wait3A_273, %dma_wait3A_274] : memref<80x128xi32, #tpu.memory_space<vmem>> -> memref<1x128xi32, #tpu.memory_space<vmem>>
    %dma_wait3A_276 = tpu.memref_squeeze %dma_wait3A_275 : memref<1x128xi32, #tpu.memory_space<vmem>> -> memref<128xi32, #tpu.memory_space<vmem>>
    %dma_wait3A_277 = arith.constant 0 : i32
    %dma_wait3A_278 = arith.constant 0 : i32
    %dma_wait3A_279 = tpu.memref_slice %arg25[%dma_wait3A_277, %dma_wait3A_278] : memref<10240x16xf32, #tpu.memory_space<vmem_shared>> -> memref<10240x16xf32, #tpu.memory_space<vmem_shared>>
    tpu.wait_indirect_dma semaphore(%arg23 : memref<!tpu.dma_semaphore, #tpu.memory_space<semaphore_mem>>) src(%arg13 : memref<128x16xf32, #tpu.memory_space<vmem>>) dst(%dma_wait3A_279 : memref<10240x16xf32, #tpu.memory_space<vmem_shared>>)
    %dma_wait3A_280 = arith.constant 0 : i32
    %dma_wait3A_281 = arith.constant 0 : i32
    %dma_wait3A_282 = tpu.memref_slice %arg11[%dma_wait3A_280, %dma_wait3A_281] : memref<80x128xi32, #tpu.memory_space<vmem>> -> memref<1x128xi32, #tpu.memory_space<vmem>>
    %dma_wait3A_283 = tpu.memref_squeeze %dma_wait3A_282 : memref<1x128xi32, #tpu.memory_space<vmem>> -> memref<128xi32, #tpu.memory_space<vmem>>
    %dma_wait3A_284 = arith.constant 0 : i32
    %dma_wait3A_285 = arith.constant 0 : i32
    %dma_wait3A_286 = tpu.memref_slice %arg25[%dma_wait3A_284, %dma_wait3A_285] : memref<10240x16xf32, #tpu.memory_space<vmem_shared>> -> memref<10240x16xf32, #tpu.memory_space<vmem_shared>>
    tpu.wait_indirect_dma semaphore(%arg23 : memref<!tpu.dma_semaphore, #tpu.memory_space<semaphore_mem>>) src(%arg13 : memref<128x16xf32, #tpu.memory_space<vmem>>) dst(%dma_wait3A_286 : memref<10240x16xf32, #tpu.memory_space<vmem_shared>>)
    %dma_wait3A_287 = arith.constant 0 : i32
    %dma_wait3A_288 = arith.constant 0 : i32
    %dma_wait3A_289 = tpu.memref_slice %arg11[%dma_wait3A_287, %dma_wait3A_288] : memref<80x128xi32, #tpu.memory_space<vmem>> -> memref<1x128xi32, #tpu.memory_space<vmem>>
    %dma_wait3A_290 = tpu.memref_squeeze %dma_wait3A_289 : memref<1x128xi32, #tpu.memory_space<vmem>> -> memref<128xi32, #tpu.memory_space<vmem>>
    %dma_wait3A_291 = arith.constant 0 : i32
    %dma_wait3A_292 = arith.constant 0 : i32
    %dma_wait3A_293 = tpu.memref_slice %arg25[%dma_wait3A_291, %dma_wait3A_292] : memref<10240x16xf32, #tpu.memory_space<vmem_shared>> -> memref<10240x16xf32, #tpu.memory_space<vmem_shared>>
    tpu.wait_indirect_dma semaphore(%arg23 : memref<!tpu.dma_semaphore, #tpu.memory_space<semaphore_mem>>) src(%arg13 : memref<128x16xf32, #tpu.memory_space<vmem>>) dst(%dma_wait3A_293 : memref<10240x16xf32, #tpu.memory_space<vmem_shared>>)
    %dma_wait3A_294 = arith.constant 0 : i32
    %dma_wait3A_295 = arith.constant 0 : i32
    %dma_wait3A_296 = tpu.memref_slice %arg11[%dma_wait3A_294, %dma_wait3A_295] : memref<80x128xi32, #tpu.memory_space<vmem>> -> memref<1x128xi32, #tpu.memory_space<vmem>>
    %dma_wait3A_297 = tpu.memref_squeeze %dma_wait3A_296 : memref<1x128xi32, #tpu.memory_space<vmem>> -> memref<128xi32, #tpu.memory_space<vmem>>
    %dma_wait3A_298 = arith.constant 0 : i32
    %dma_wait3A_299 = arith.constant 0 : i32
    %dma_wait3A_300 = tpu.memref_slice %arg25[%dma_wait3A_298, %dma_wait3A_299] : memref<10240x16xf32, #tpu.memory_space<vmem_shared>> -> memref<10240x16xf32, #tpu.memory_space<vmem_shared>>
    tpu.wait_indirect_dma semaphore(%arg23 : memref<!tpu.dma_semaphore, #tpu.memory_space<semaphore_mem>>) src(%arg13 : memref<128x16xf32, #tpu.memory_space<vmem>>) dst(%dma_wait3A_300 : memref<10240x16xf32, #tpu.memory_space<vmem_shared>>)
    %dma_wait3A_301 = arith.constant 0 : i32
    %dma_wait3A_302 = arith.constant 0 : i32
    %dma_wait3A_303 = tpu.memref_slice %arg11[%dma_wait3A_301, %dma_wait3A_302] : memref<80x128xi32, #tpu.memory_space<vmem>> -> memref<1x128xi32, #tpu.memory_space<vmem>>
    %dma_wait3A_304 = tpu.memref_squeeze %dma_wait3A_303 : memref<1x128xi32, #tpu.memory_space<vmem>> -> memref<128xi32, #tpu.memory_space<vmem>>
    %dma_wait3A_305 = arith.constant 0 : i32
    %dma_wait3A_306 = arith.constant 0 : i32
    %dma_wait3A_307 = tpu.memref_slice %arg25[%dma_wait3A_305, %dma_wait3A_306] : memref<10240x16xf32, #tpu.memory_space<vmem_shared>> -> memref<10240x16xf32, #tpu.memory_space<vmem_shared>>
    tpu.wait_indirect_dma semaphore(%arg23 : memref<!tpu.dma_semaphore, #tpu.memory_space<semaphore_mem>>) src(%arg13 : memref<128x16xf32, #tpu.memory_space<vmem>>) dst(%dma_wait3A_307 : memref<10240x16xf32, #tpu.memory_space<vmem_shared>>)
    %dma_wait3A_308 = arith.constant 0 : i32
    %dma_wait3A_309 = arith.constant 0 : i32
    %dma_wait3A_310 = tpu.memref_slice %arg11[%dma_wait3A_308, %dma_wait3A_309] : memref<80x128xi32, #tpu.memory_space<vmem>> -> memref<1x128xi32, #tpu.memory_space<vmem>>
    %dma_wait3A_311 = tpu.memref_squeeze %dma_wait3A_310 : memref<1x128xi32, #tpu.memory_space<vmem>> -> memref<128xi32, #tpu.memory_space<vmem>>
    %dma_wait3A_312 = arith.constant 0 : i32
    %dma_wait3A_313 = arith.constant 0 : i32
    %dma_wait3A_314 = tpu.memref_slice %arg25[%dma_wait3A_312, %dma_wait3A_313] : memref<10240x16xf32, #tpu.memory_space<vmem_shared>> -> memref<10240x16xf32, #tpu.memory_space<vmem_shared>>
    tpu.wait_indirect_dma semaphore(%arg23 : memref<!tpu.dma_semaphore, #tpu.memory_space<semaphore_mem>>) src(%arg13 : memref<128x16xf32, #tpu.memory_space<vmem>>) dst(%dma_wait3A_314 : memref<10240x16xf32, #tpu.memory_space<vmem_shared>>)
    %dma_wait3A_315 = arith.constant 0 : i32
    %dma_wait3A_316 = arith.constant 0 : i32
    %dma_wait3A_317 = tpu.memref_slice %arg11[%dma_wait3A_315, %dma_wait3A_316] : memref<80x128xi32, #tpu.memory_space<vmem>> -> memref<1x128xi32, #tpu.memory_space<vmem>>
    %dma_wait3A_318 = tpu.memref_squeeze %dma_wait3A_317 : memref<1x128xi32, #tpu.memory_space<vmem>> -> memref<128xi32, #tpu.memory_space<vmem>>
    %dma_wait3A_319 = arith.constant 0 : i32
    %dma_wait3A_320 = arith.constant 0 : i32
    %dma_wait3A_321 = tpu.memref_slice %arg25[%dma_wait3A_319, %dma_wait3A_320] : memref<10240x16xf32, #tpu.memory_space<vmem_shared>> -> memref<10240x16xf32, #tpu.memory_space<vmem_shared>>
    tpu.wait_indirect_dma semaphore(%arg23 : memref<!tpu.dma_semaphore, #tpu.memory_space<semaphore_mem>>) src(%arg13 : memref<128x16xf32, #tpu.memory_space<vmem>>) dst(%dma_wait3A_321 : memref<10240x16xf32, #tpu.memory_space<vmem_shared>>)
    %dma_wait3A_322 = arith.constant 0 : i32
    %dma_wait3A_323 = arith.constant 0 : i32
    %dma_wait3A_324 = tpu.memref_slice %arg11[%dma_wait3A_322, %dma_wait3A_323] : memref<80x128xi32, #tpu.memory_space<vmem>> -> memref<1x128xi32, #tpu.memory_space<vmem>>
    %dma_wait3A_325 = tpu.memref_squeeze %dma_wait3A_324 : memref<1x128xi32, #tpu.memory_space<vmem>> -> memref<128xi32, #tpu.memory_space<vmem>>
    %dma_wait3A_326 = arith.constant 0 : i32
    %dma_wait3A_327 = arith.constant 0 : i32
    %dma_wait3A_328 = tpu.memref_slice %arg25[%dma_wait3A_326, %dma_wait3A_327] : memref<10240x16xf32, #tpu.memory_space<vmem_shared>> -> memref<10240x16xf32, #tpu.memory_space<vmem_shared>>
    tpu.wait_indirect_dma semaphore(%arg23 : memref<!tpu.dma_semaphore, #tpu.memory_space<semaphore_mem>>) src(%arg13 : memref<128x16xf32, #tpu.memory_space<vmem>>) dst(%dma_wait3A_328 : memref<10240x16xf32, #tpu.memory_space<vmem_shared>>)
    %dma_wait3A_329 = arith.constant 0 : i32
    %dma_wait3A_330 = arith.constant 0 : i32
    %dma_wait3A_331 = tpu.memref_slice %arg11[%dma_wait3A_329, %dma_wait3A_330] : memref<80x128xi32, #tpu.memory_space<vmem>> -> memref<1x128xi32, #tpu.memory_space<vmem>>
    %dma_wait3A_332 = tpu.memref_squeeze %dma_wait3A_331 : memref<1x128xi32, #tpu.memory_space<vmem>> -> memref<128xi32, #tpu.memory_space<vmem>>
    %dma_wait3A_333 = arith.constant 0 : i32
    %dma_wait3A_334 = arith.constant 0 : i32
    %dma_wait3A_335 = tpu.memref_slice %arg25[%dma_wait3A_333, %dma_wait3A_334] : memref<10240x16xf32, #tpu.memory_space<vmem_shared>> -> memref<10240x16xf32, #tpu.memory_space<vmem_shared>>
    tpu.wait_indirect_dma semaphore(%arg23 : memref<!tpu.dma_semaphore, #tpu.memory_space<semaphore_mem>>) src(%arg13 : memref<128x16xf32, #tpu.memory_space<vmem>>) dst(%dma_wait3A_335 : memref<10240x16xf32, #tpu.memory_space<vmem_shared>>)
    %dma_wait3A_336 = arith.constant 0 : i32
    %dma_wait3A_337 = arith.constant 0 : i32
    %dma_wait3A_338 = tpu.memref_slice %arg11[%dma_wait3A_336, %dma_wait3A_337] : memref<80x128xi32, #tpu.memory_space<vmem>> -> memref<1x128xi32, #tpu.memory_space<vmem>>
    %dma_wait3A_339 = tpu.memref_squeeze %dma_wait3A_338 : memref<1x128xi32, #tpu.memory_space<vmem>> -> memref<128xi32, #tpu.memory_space<vmem>>
    %dma_wait3A_340 = arith.constant 0 : i32
    %dma_wait3A_341 = arith.constant 0 : i32
    %dma_wait3A_342 = tpu.memref_slice %arg25[%dma_wait3A_340, %dma_wait3A_341] : memref<10240x16xf32, #tpu.memory_space<vmem_shared>> -> memref<10240x16xf32, #tpu.memory_space<vmem_shared>>
    tpu.wait_indirect_dma semaphore(%arg23 : memref<!tpu.dma_semaphore, #tpu.memory_space<semaphore_mem>>) src(%arg13 : memref<128x16xf32, #tpu.memory_space<vmem>>) dst(%dma_wait3A_342 : memref<10240x16xf32, #tpu.memory_space<vmem_shared>>)
    %dma_wait3A_343 = arith.constant 0 : i32
    %dma_wait3A_344 = arith.constant 0 : i32
    %dma_wait3A_345 = tpu.memref_slice %arg11[%dma_wait3A_343, %dma_wait3A_344] : memref<80x128xi32, #tpu.memory_space<vmem>> -> memref<1x128xi32, #tpu.memory_space<vmem>>
    %dma_wait3A_346 = tpu.memref_squeeze %dma_wait3A_345 : memref<1x128xi32, #tpu.memory_space<vmem>> -> memref<128xi32, #tpu.memory_space<vmem>>
    %dma_wait3A_347 = arith.constant 0 : i32
    %dma_wait3A_348 = arith.constant 0 : i32
    %dma_wait3A_349 = tpu.memref_slice %arg25[%dma_wait3A_347, %dma_wait3A_348] : memref<10240x16xf32, #tpu.memory_space<vmem_shared>> -> memref<10240x16xf32, #tpu.memory_space<vmem_shared>>
    tpu.wait_indirect_dma semaphore(%arg23 : memref<!tpu.dma_semaphore, #tpu.memory_space<semaphore_mem>>) src(%arg13 : memref<128x16xf32, #tpu.memory_space<vmem>>) dst(%dma_wait3A_349 : memref<10240x16xf32, #tpu.memory_space<vmem_shared>>)
    %dma_wait3A_350 = arith.constant 0 : i32
    %dma_wait3A_351 = arith.constant 0 : i32
    %dma_wait3A_352 = tpu.memref_slice %arg11[%dma_wait3A_350, %dma_wait3A_351] : memref<80x128xi32, #tpu.memory_space<vmem>> -> memref<1x128xi32, #tpu.memory_space<vmem>>
    %dma_wait3A_353 = tpu.memref_squeeze %dma_wait3A_352 : memref<1x128xi32, #tpu.memory_space<vmem>> -> memref<128xi32, #tpu.memory_space<vmem>>
    %dma_wait3A_354 = arith.constant 0 : i32
    %dma_wait3A_355 = arith.constant 0 : i32
    %dma_wait3A_356 = tpu.memref_slice %arg25[%dma_wait3A_354, %dma_wait3A_355] : memref<10240x16xf32, #tpu.memory_space<vmem_shared>> -> memref<10240x16xf32, #tpu.memory_space<vmem_shared>>
    tpu.wait_indirect_dma semaphore(%arg23 : memref<!tpu.dma_semaphore, #tpu.memory_space<semaphore_mem>>) src(%arg13 : memref<128x16xf32, #tpu.memory_space<vmem>>) dst(%dma_wait3A_356 : memref<10240x16xf32, #tpu.memory_space<vmem_shared>>)
    %dma_wait3A_357 = arith.constant 0 : i32
    %dma_wait3A_358 = arith.constant 0 : i32
    %dma_wait3A_359 = tpu.memref_slice %arg11[%dma_wait3A_357, %dma_wait3A_358] : memref<80x128xi32, #tpu.memory_space<vmem>> -> memref<1x128xi32, #tpu.memory_space<vmem>>
    %dma_wait3A_360 = tpu.memref_squeeze %dma_wait3A_359 : memref<1x128xi32, #tpu.memory_space<vmem>> -> memref<128xi32, #tpu.memory_space<vmem>>
    %dma_wait3A_361 = arith.constant 0 : i32
    %dma_wait3A_362 = arith.constant 0 : i32
    %dma_wait3A_363 = tpu.memref_slice %arg25[%dma_wait3A_361, %dma_wait3A_362] : memref<10240x16xf32, #tpu.memory_space<vmem_shared>> -> memref<10240x16xf32, #tpu.memory_space<vmem_shared>>
    tpu.wait_indirect_dma semaphore(%arg23 : memref<!tpu.dma_semaphore, #tpu.memory_space<semaphore_mem>>) src(%arg13 : memref<128x16xf32, #tpu.memory_space<vmem>>) dst(%dma_wait3A_363 : memref<10240x16xf32, #tpu.memory_space<vmem_shared>>)
    %dma_wait3A_364 = arith.constant 0 : i32
    %dma_wait3A_365 = arith.constant 0 : i32
    %dma_wait3A_366 = tpu.memref_slice %arg11[%dma_wait3A_364, %dma_wait3A_365] : memref<80x128xi32, #tpu.memory_space<vmem>> -> memref<1x128xi32, #tpu.memory_space<vmem>>
    %dma_wait3A_367 = tpu.memref_squeeze %dma_wait3A_366 : memref<1x128xi32, #tpu.memory_space<vmem>> -> memref<128xi32, #tpu.memory_space<vmem>>
    %dma_wait3A_368 = arith.constant 0 : i32
    %dma_wait3A_369 = arith.constant 0 : i32
    %dma_wait3A_370 = tpu.memref_slice %arg25[%dma_wait3A_368, %dma_wait3A_369] : memref<10240x16xf32, #tpu.memory_space<vmem_shared>> -> memref<10240x16xf32, #tpu.memory_space<vmem_shared>>
    tpu.wait_indirect_dma semaphore(%arg23 : memref<!tpu.dma_semaphore, #tpu.memory_space<semaphore_mem>>) src(%arg13 : memref<128x16xf32, #tpu.memory_space<vmem>>) dst(%dma_wait3A_370 : memref<10240x16xf32, #tpu.memory_space<vmem_shared>>)
    %dma_wait3A_371 = arith.constant 0 : i32
    %dma_wait3A_372 = arith.constant 0 : i32
    %dma_wait3A_373 = tpu.memref_slice %arg11[%dma_wait3A_371, %dma_wait3A_372] : memref<80x128xi32, #tpu.memory_space<vmem>> -> memref<1x128xi32, #tpu.memory_space<vmem>>
    %dma_wait3A_374 = tpu.memref_squeeze %dma_wait3A_373 : memref<1x128xi32, #tpu.memory_space<vmem>> -> memref<128xi32, #tpu.memory_space<vmem>>
    %dma_wait3A_375 = arith.constant 0 : i32
    %dma_wait3A_376 = arith.constant 0 : i32
    %dma_wait3A_377 = tpu.memref_slice %arg25[%dma_wait3A_375, %dma_wait3A_376] : memref<10240x16xf32, #tpu.memory_space<vmem_shared>> -> memref<10240x16xf32, #tpu.memory_space<vmem_shared>>
    tpu.wait_indirect_dma semaphore(%arg23 : memref<!tpu.dma_semaphore, #tpu.memory_space<semaphore_mem>>) src(%arg13 : memref<128x16xf32, #tpu.memory_space<vmem>>) dst(%dma_wait3A_377 : memref<10240x16xf32, #tpu.memory_space<vmem_shared>>)
    %dma_wait3A_378 = arith.constant 0 : i32
    %dma_wait3A_379 = arith.constant 0 : i32
    %dma_wait3A_380 = tpu.memref_slice %arg11[%dma_wait3A_378, %dma_wait3A_379] : memref<80x128xi32, #tpu.memory_space<vmem>> -> memref<1x128xi32, #tpu.memory_space<vmem>>
    %dma_wait3A_381 = tpu.memref_squeeze %dma_wait3A_380 : memref<1x128xi32, #tpu.memory_space<vmem>> -> memref<128xi32, #tpu.memory_space<vmem>>
    %dma_wait3A_382 = arith.constant 0 : i32
    %dma_wait3A_383 = arith.constant 0 : i32
    %dma_wait3A_384 = tpu.memref_slice %arg25[%dma_wait3A_382, %dma_wait3A_383] : memref<10240x16xf32, #tpu.memory_space<vmem_shared>> -> memref<10240x16xf32, #tpu.memory_space<vmem_shared>>
    tpu.wait_indirect_dma semaphore(%arg23 : memref<!tpu.dma_semaphore, #tpu.memory_space<semaphore_mem>>) src(%arg13 : memref<128x16xf32, #tpu.memory_space<vmem>>) dst(%dma_wait3A_384 : memref<10240x16xf32, #tpu.memory_space<vmem_shared>>)
    %dma_wait3A_385 = arith.constant 0 : i32
    %dma_wait3A_386 = arith.constant 0 : i32
    %dma_wait3A_387 = tpu.memref_slice %arg11[%dma_wait3A_385, %dma_wait3A_386] : memref<80x128xi32, #tpu.memory_space<vmem>> -> memref<1x128xi32, #tpu.memory_space<vmem>>
    %dma_wait3A_388 = tpu.memref_squeeze %dma_wait3A_387 : memref<1x128xi32, #tpu.memory_space<vmem>> -> memref<128xi32, #tpu.memory_space<vmem>>
    %dma_wait3A_389 = arith.constant 0 : i32
    %dma_wait3A_390 = arith.constant 0 : i32
    %dma_wait3A_391 = tpu.memref_slice %arg25[%dma_wait3A_389, %dma_wait3A_390] : memref<10240x16xf32, #tpu.memory_space<vmem_shared>> -> memref<10240x16xf32, #tpu.memory_space<vmem_shared>>
    tpu.wait_indirect_dma semaphore(%arg23 : memref<!tpu.dma_semaphore, #tpu.memory_space<semaphore_mem>>) src(%arg13 : memref<128x16xf32, #tpu.memory_space<vmem>>) dst(%dma_wait3A_391 : memref<10240x16xf32, #tpu.memory_space<vmem_shared>>)
    %barrier3A_392 = arith.constant 0 : index
    tpu.barrier barrier_id(%barrier3A_392)
    %mul3A_393 = arith.constant 640 : i32
    %mul3A_394 = arith.muli %arg1, %mul3A_393 : i32
    "tpu.region"() ({
      %run_scoped3A_395 = tpu.sem_alloc : memref<!tpu.dma_semaphore, #tpu.memory_space<semaphore_mem>>
      %dma_start3A_396 = arith.constant 0 : i32
      %dma_start3A_397 = tpu.memref_slice %arg8[%arg0, %mul3A_394, %dma_start3A_396] : memref<2x10240x64xf32, #tpu.memory_space<hbm>> -> memref<1x640x64xf32, #tpu.memory_space<hbm>>
      %dma_start3A_398 = tpu.memref_squeeze %dma_start3A_397 : memref<1x640x64xf32, #tpu.memory_space<hbm>> -> memref<640x64xf32, #tpu.memory_space<hbm>>
      %dma_start3A_399 = arith.constant 0 : i32
      %dma_start3A_400 = tpu.memref_slice %arg24[%mul3A_394, %dma_start3A_399] : memref<10240x64xf32, #tpu.memory_space<vmem_shared>> -> memref<640x64xf32, #tpu.memory_space<vmem_shared>>
      tpu.enqueue_dma source(%dma_start3A_400 : memref<640x64xf32, #tpu.memory_space<vmem_shared>>) target(%dma_start3A_398 : memref<640x64xf32, #tpu.memory_space<hbm>>) target_semaphore(%run_scoped3A_395 : memref<!tpu.dma_semaphore, #tpu.memory_space<semaphore_mem>>)
      %dma_wait3A_401 = arith.constant 0 : i32
      %dma_wait3A_402 = tpu.memref_slice %arg8[%arg0, %mul3A_394, %dma_wait3A_401] : memref<2x10240x64xf32, #tpu.memory_space<hbm>> -> memref<1x640x64xf32, #tpu.memory_space<hbm>>
      %dma_wait3A_403 = tpu.memref_squeeze %dma_wait3A_402 : memref<1x640x64xf32, #tpu.memory_space<hbm>> -> memref<640x64xf32, #tpu.memory_space<hbm>>
      %dma_wait3A_404 = arith.constant 0 : i32
      %dma_wait3A_405 = tpu.memref_slice %arg24[%mul3A_394, %dma_wait3A_404] : memref<10240x64xf32, #tpu.memory_space<vmem_shared>> -> memref<640x64xf32, #tpu.memory_space<vmem_shared>>
      tpu.wait_dma2 semaphore(%run_scoped3A_395 : memref<!tpu.dma_semaphore, #tpu.memory_space<semaphore_mem>>) src(%dma_wait3A_405 : memref<640x64xf32, #tpu.memory_space<vmem_shared>>) dst(%dma_wait3A_403 : memref<640x64xf32, #tpu.memory_space<hbm>>)
      tpu.yield
    }) : () -> ()
    "tpu.region"() ({
      %run_scoped3A_395 = tpu.sem_alloc : memref<!tpu.dma_semaphore, #tpu.memory_space<semaphore_mem>>
      %dma_start3A_396 = arith.constant 0 : i32
      %dma_start3A_397 = tpu.memref_slice %arg9[%arg0, %mul3A_394, %dma_start3A_396] : memref<2x10240x16xf32, #tpu.memory_space<hbm>> -> memref<1x640x16xf32, #tpu.memory_space<hbm>>
      %dma_start3A_398 = tpu.memref_squeeze %dma_start3A_397 : memref<1x640x16xf32, #tpu.memory_space<hbm>> -> memref<640x16xf32, #tpu.memory_space<hbm>>
      %dma_start3A_399 = arith.constant 0 : i32
      %dma_start3A_400 = tpu.memref_slice %arg25[%mul3A_394, %dma_start3A_399] : memref<10240x16xf32, #tpu.memory_space<vmem_shared>> -> memref<640x16xf32, #tpu.memory_space<vmem_shared>>
      tpu.enqueue_dma source(%dma_start3A_400 : memref<640x16xf32, #tpu.memory_space<vmem_shared>>) target(%dma_start3A_398 : memref<640x16xf32, #tpu.memory_space<hbm>>) target_semaphore(%run_scoped3A_395 : memref<!tpu.dma_semaphore, #tpu.memory_space<semaphore_mem>>)
      %dma_wait3A_401 = arith.constant 0 : i32
      %dma_wait3A_402 = tpu.memref_slice %arg9[%arg0, %mul3A_394, %dma_wait3A_401] : memref<2x10240x16xf32, #tpu.memory_space<hbm>> -> memref<1x640x16xf32, #tpu.memory_space<hbm>>
      %dma_wait3A_403 = tpu.memref_squeeze %dma_wait3A_402 : memref<1x640x16xf32, #tpu.memory_space<hbm>> -> memref<640x16xf32, #tpu.memory_space<hbm>>
      %dma_wait3A_404 = arith.constant 0 : i32
      %dma_wait3A_405 = tpu.memref_slice %arg25[%mul3A_394, %dma_wait3A_404] : memref<10240x16xf32, #tpu.memory_space<vmem_shared>> -> memref<640x16xf32, #tpu.memory_space<vmem_shared>>
      tpu.wait_dma2 semaphore(%run_scoped3A_395 : memref<!tpu.dma_semaphore, #tpu.memory_space<semaphore_mem>>) src(%dma_wait3A_405 : memref<640x16xf32, #tpu.memory_space<vmem_shared>>) dst(%dma_wait3A_403 : memref<640x16xf32, #tpu.memory_space<hbm>>)
      tpu.yield
    }) : () -> ()
    return
  }
}

module attributes {stable_mosaic.version = 14 : i64} {
  func.func @mk(%arg0: i32, %arg1: memref<2000x256xf32, #tpu.memory_space<vmem>>, %arg2: memref<256x128xf32, #tpu.memory_space<vmem>>, %arg3: memref<2000x128xf32, #tpu.memory_space<vmem>>) attributes {dimension_semantics = [#tpu.dimension_semantics<arbitrary>], iteration_bounds = array<i64: 25>, scalar_prefetch = 0 : i64, scratch_operands = 0 : i64, tpu.core_type = #tpu.core_type<tc>, window_params = [{transform_indices = @transform_0, window_bounds = array<i64: 2000, 256>}, {pipeline_mode = #tpu.pipeline_mode<synchronous>, transform_indices = @transform_1, window_bounds = array<i64: 256, 128>}, {transform_indices = @transform_2, window_bounds = array<i64: 2000, 128>}]} {
    %get3A = arith.constant 0 : index
    %get3A_0 = arith.constant 0 : index
    %get3A_1 = vector.load %arg1[%get3A, %get3A_0] : memref<2000x256xf32, #tpu.memory_space<vmem>>, vector<2000x256xf32>
    %get3A_2 = arith.constant 0 : index
    %get3A_3 = arith.constant 0 : index
    %get3A_4 = vector.load %arg2[%get3A_2, %get3A_3] : memref<256x128xf32, #tpu.memory_space<vmem>>, vector<256x128xf32>
    %dot_general3A = arith.constant dense<0.000000e+00> : vector<2000x128xf32>
    %dot_general3A_5 = tpu.matmul %get3A_1, %get3A_4, %dot_general3A {dimension_numbers = #tpu.dot_dimension_numbers<[1], [0], [0], [1], [0, 0, 1, 1], [], []>, transpose_lhs_hint = false} : vector<2000x256xf32>, vector<256x128xf32>, vector<2000x128xf32> -> vector<2000x128xf32>
    %swap3A = arith.constant 0 : index
    %swap3A_6 = arith.constant 0 : index
    %swap3A_7 = vector.load %arg3[%swap3A, %swap3A_6] : memref<2000x128xf32, #tpu.memory_space<vmem>>, vector<2000x128xf32>
    tpu.vector_store %arg3[%swap3A, %swap3A_6], %dot_general3A_5 {strides = array<i32>} : memref<2000x128xf32, #tpu.memory_space<vmem>>, vector<2000x128xf32>,
    return
  }
  func.func @transform_0(%arg0: i32) -> (i32, i32) {
    %c0_i32 = arith.constant 0 : i32
    %c0_i32_0 = arith.constant 0 : i32
    return %arg0, %c0_i32 : i32, i32
  }
  func.func @transform_1(%arg0: i32) -> (i32, i32) {
    %c0_i32 = arith.constant 0 : i32
    %c0_i32_0 = arith.constant 0 : i32
    %c0_i32_1 = arith.constant 0 : i32
    return %c0_i32, %c0_i32_0 : i32, i32
  }
  func.func @transform_2(%arg0: i32) -> (i32, i32) {
    %c0_i32 = arith.constant 0 : i32
    %c0_i32_0 = arith.constant 0 : i32
    return %arg0, %c0_i32 : i32, i32
  }
}

module attributes {stable_mosaic.version = 14 : i64} {
  func.func @mk(%arg0: i32, %arg1: memref<2x1024x64xf32, #tpu.memory_space<vmem>>, %arg2: memref<2x1024x16xf32, #tpu.memory_space<vmem>>, %arg3: memref<1x128xf32, #tpu.memory_space<vmem>>, %arg4: memref<128x64xf32, #tpu.memory_space<vmem>>, %arg5: memref<128x64xf32, #tpu.memory_space<vmem>>, %arg6: memref<1024x128xf32, #tpu.memory_space<vmem>>) attributes {dimension_semantics = [#tpu.dimension_semantics<arbitrary>], iteration_bounds = array<i64: 10>, scalar_prefetch = 0 : i64, scratch_operands = 0 : i64, tpu.core_type = #tpu.core_type<tc>, window_params = [{transform_indices = @transform_0, window_bounds = array<i64: 2, 1024, 64>}, {transform_indices = @transform_1, window_bounds = array<i64: 2, 1024, 16>}, {pipeline_mode = #tpu.pipeline_mode<synchronous>, transform_indices = @transform_2, window_bounds = array<i64: 1, 128>}, {pipeline_mode = #tpu.pipeline_mode<synchronous>, transform_indices = @transform_3, window_bounds = array<i64: 128, 64>}, {pipeline_mode = #tpu.pipeline_mode<synchronous>, transform_indices = @transform_4, window_bounds = array<i64: 128, 64>}, {transform_indices = @transform_5, window_bounds = array<i64: 1024, 128>}]} {
    %get3A = arith.constant 0 : index
    %get3A_0 = arith.constant 0 : index
    %get3A_1 = arith.constant 0 : index
    %get3A_2 = vector.load %arg2[%get3A, %get3A_0, %get3A_1] : memref<2x1024x16xf32, #tpu.memory_space<vmem>>, vector<1x1024x1xf32>
    %get3A_3 = vector.shape_cast %get3A_2 : vector<1x1024x1xf32> to vector<1024x1xf32>
    %get3A_4 = arith.constant 1 : index
    %get3A_5 = arith.constant 0 : index
    %get3A_6 = arith.constant 0 : index
    %get3A_7 = vector.load %arg2[%get3A_4, %get3A_5, %get3A_6] : memref<2x1024x16xf32, #tpu.memory_space<vmem>>, vector<1x1024x1xf32>
    %get3A_8 = vector.shape_cast %get3A_7 : vector<1x1024x1xf32> to vector<1024x1xf32>
    %add3A = arith.addf %get3A_3, %get3A_8 : vector<1024x1xf32>
    %max3A = arith.constant 1.000000e+00 : f32
    %max3A_9 = vector.broadcast %max3A : f32 to vector<1024x1xf32>
    %max3A_10 = arith.maximumf %add3A, %max3A_9 : vector<1024x1xf32>
    %div3A = arith.constant 1.000000e+00 : f32
    %div3A_11 = vector.broadcast %div3A : f32 to vector<1024x1xf32>
    %div3A_12 = arith.divf %div3A_11, %max3A_10 : vector<1024x1xf32>
    %get3A_13 = arith.constant 0 : index
    %get3A_14 = arith.constant 0 : index
    %get3A_15 = arith.constant 0 : index
    %get3A_16 = vector.load %arg1[%get3A_13, %get3A_14, %get3A_15] : memref<2x1024x64xf32, #tpu.memory_space<vmem>>, vector<1x1024x64xf32>
    %get3A_17 = vector.shape_cast %get3A_16 : vector<1x1024x64xf32> to vector<1024x64xf32>
    %get3A_18 = arith.constant 1 : index
    %get3A_19 = arith.constant 0 : index
    %get3A_20 = arith.constant 0 : index
    %get3A_21 = vector.load %arg1[%get3A_18, %get3A_19, %get3A_20] : memref<2x1024x64xf32, #tpu.memory_space<vmem>>, vector<1x1024x64xf32>
    %get3A_22 = vector.shape_cast %get3A_21 : vector<1x1024x64xf32> to vector<1024x64xf32>
    %concatenate3A = tpu.concatenate %get3A_17, %get3A_22 in 1 : vector<1024x64xf32>, vector<1024x64xf32> -> vector<1024x128xf32>
    %mul3A = vector.broadcast %div3A_12 : vector<1024x1xf32> to vector<1024x128xf32>
    %mul3A_23 = arith.mulf %concatenate3A, %mul3A : vector<1024x128xf32>
    %get3A_24 = arith.constant 0 : index
    %get3A_25 = arith.constant 0 : index
    %get3A_26 = vector.load %arg3[%get3A_24, %get3A_25] : memref<1x128xf32, #tpu.memory_space<vmem>>, vector<1x128xf32>
    %add3A_27 = vector.broadcast %get3A_26 : vector<1x128xf32> to vector<1024x128xf32>
    %add3A_28 = arith.addf %mul3A_23, %add3A_27 : vector<1024x128xf32>
    %get3A_29 = arith.constant 0 : index
    %get3A_30 = arith.constant 0 : index
    %get3A_31 = vector.load %arg4[%get3A_29, %get3A_30] : memref<128x64xf32, #tpu.memory_space<vmem>>, vector<128x64xf32>
    %dot_general3A = arith.constant dense<0.000000e+00> : vector<1024x64xf32>
    %dot_general3A_32 = tpu.matmul %add3A_28, %get3A_31, %dot_general3A {dimension_numbers = #tpu.dot_dimension_numbers<[1], [0], [0], [1], [0, 0, 1, 1], [], []>, transpose_lhs_hint = false} : vector<1024x128xf32>, vector<128x64xf32>, vector<1024x64xf32> -> vector<1024x64xf32>
    %max3A_33 = arith.constant 0.000000e+00 : f32
    %max3A_34 = vector.broadcast %max3A_33 : f32 to vector<1024x128xf32>
    %max3A_35 = arith.maximumf %add3A_28, %max3A_34 : vector<1024x128xf32>
    %get3A_36 = arith.constant 0 : index
    %get3A_37 = arith.constant 0 : index
    %get3A_38 = vector.load %arg5[%get3A_36, %get3A_37] : memref<128x64xf32, #tpu.memory_space<vmem>>, vector<128x64xf32>
    %dot_general3A_39 = arith.constant dense<0.000000e+00> : vector<1024x64xf32>
    %dot_general3A_40 = tpu.matmul %max3A_35, %get3A_38, %dot_general3A_39 {dimension_numbers = #tpu.dot_dimension_numbers<[1], [0], [0], [1], [0, 0, 1, 1], [], []>, transpose_lhs_hint = false} : vector<1024x128xf32>, vector<128x64xf32>, vector<1024x64xf32> -> vector<1024x64xf32>
    %add3A_41 = arith.addf %dot_general3A_32, %dot_general3A_40 : vector<1024x64xf32>
    %broadcast_in_dim3A = arith.constant 0.000000e+00 : f32
    %broadcast_in_dim3A_42 = vector.broadcast %broadcast_in_dim3A : f32 to vector<1024x64xf32>
    %concatenate3A_43 = tpu.concatenate %add3A_41, %broadcast_in_dim3A_42 in 1 : vector<1024x64xf32>, vector<1024x64xf32> -> vector<1024x128xf32>
    %swap3A = arith.constant 0 : index
    %swap3A_44 = arith.constant 0 : index
    %swap3A_45 = vector.load %arg6[%swap3A, %swap3A_44] : memref<1024x128xf32, #tpu.memory_space<vmem>>, vector<1024x128xf32>
    tpu.vector_store %arg6[%swap3A, %swap3A_44], %concatenate3A_43 {strides = array<i32>} : memref<1024x128xf32, #tpu.memory_space<vmem>>, vector<1024x128xf32>,
    return
  }
  func.func @transform_0(%arg0: i32) -> (i32, i32, i32) {
    %c0_i32 = arith.constant 0 : i32
    %c0_i32_0 = arith.constant 0 : i32
    %c0_i32_1 = arith.constant 0 : i32
    return %c0_i32, %arg0, %c0_i32_0 : i32, i32, i32
  }
  func.func @transform_1(%arg0: i32) -> (i32, i32, i32) {
    %c0_i32 = arith.constant 0 : i32
    %c0_i32_0 = arith.constant 0 : i32
    %c0_i32_1 = arith.constant 0 : i32
    return %c0_i32, %arg0, %c0_i32_0 : i32, i32, i32
  }
  func.func @transform_2(%arg0: i32) -> (i32, i32) {
    %c0_i32 = arith.constant 0 : i32
    %c0_i32_0 = arith.constant 0 : i32
    %c0_i32_1 = arith.constant 0 : i32
    return %c0_i32, %c0_i32_0 : i32, i32
  }
  func.func @transform_3(%arg0: i32) -> (i32, i32) {
    %c0_i32 = arith.constant 0 : i32
    %c0_i32_0 = arith.constant 0 : i32
    %c0_i32_1 = arith.constant 0 : i32
    return %c0_i32, %c0_i32_0 : i32, i32
  }
  func.func @transform_4(%arg0: i32) -> (i32, i32) {
    %c0_i32 = arith.constant 0 : i32
    %c0_i32_0 = arith.constant 0 : i32
    %c0_i32_1 = arith.constant 0 : i32
    return %c0_i32, %c0_i32_0 : i32, i32
  }
  func.func @transform_5(%arg0: i32) -> (i32, i32) {
    %c0_i32 = arith.constant 0 : i32
    %c0_i32_0 = arith.constant 0 : i32
    return %arg0, %c0_i32 : i32, i32
  }
}

module attributes {stable_mosaic.version = 14 : i64} {
  func.func @mk(%arg0: i32, %arg1: memref<2x1024x32xf32, #tpu.memory_space<vmem>>, %arg2: memref<2x1024x16xf32, #tpu.memory_space<vmem>>, %arg3: memref<1x64xf32, #tpu.memory_space<vmem>>, %arg4: memref<1000x64xf32, #tpu.memory_space<vmem>>) attributes {dimension_semantics = [#tpu.dimension_semantics<arbitrary>], iteration_bounds = array<i64: 1>, scalar_prefetch = 0 : i64, scratch_operands = 0 : i64, tpu.core_type = #tpu.core_type<tc>, window_params = [{pipeline_mode = #tpu.pipeline_mode<synchronous>, transform_indices = @transform_0, window_bounds = array<i64: 2, 1024, 32>}, {pipeline_mode = #tpu.pipeline_mode<synchronous>, transform_indices = @transform_1, window_bounds = array<i64: 2, 1024, 16>}, {pipeline_mode = #tpu.pipeline_mode<synchronous>, transform_indices = @transform_2, window_bounds = array<i64: 1, 64>}, {pipeline_mode = #tpu.pipeline_mode<synchronous>, transform_indices = @transform_3, window_bounds = array<i64: 1000, 64>}]} {
    %get3A = arith.constant 0 : index
    %get3A_0 = arith.constant 0 : index
    %get3A_1 = arith.constant 0 : index
    %get3A_2 = vector.load %arg2[%get3A, %get3A_0, %get3A_1] : memref<2x1024x16xf32, #tpu.memory_space<vmem>>, vector<1x1024x1xf32>
    %get3A_3 = vector.shape_cast %get3A_2 : vector<1x1024x1xf32> to vector<1024x1xf32>
    %get3A_4 = arith.constant 1 : index
    %get3A_5 = arith.constant 0 : index
    %get3A_6 = arith.constant 0 : index
    %get3A_7 = vector.load %arg2[%get3A_4, %get3A_5, %get3A_6] : memref<2x1024x16xf32, #tpu.memory_space<vmem>>, vector<1x1024x1xf32>
    %get3A_8 = vector.shape_cast %get3A_7 : vector<1x1024x1xf32> to vector<1024x1xf32>
    %add3A = arith.addf %get3A_3, %get3A_8 : vector<1024x1xf32>
    %max3A = arith.constant 1.000000e+00 : f32
    %max3A_9 = vector.broadcast %max3A : f32 to vector<1024x1xf32>
    %max3A_10 = arith.maximumf %add3A, %max3A_9 : vector<1024x1xf32>
    %div3A = arith.constant 1.000000e+00 : f32
    %div3A_11 = vector.broadcast %div3A : f32 to vector<1024x1xf32>
    %div3A_12 = arith.divf %div3A_11, %max3A_10 : vector<1024x1xf32>
    %get3A_13 = arith.constant 0 : index
    %get3A_14 = arith.constant 0 : index
    %get3A_15 = arith.constant 0 : index
    %get3A_16 = vector.load %arg1[%get3A_13, %get3A_14, %get3A_15] : memref<2x1024x32xf32, #tpu.memory_space<vmem>>, vector<1x1024x32xf32>
    %get3A_17 = vector.shape_cast %get3A_16 : vector<1x1024x32xf32> to vector<1024x32xf32>
    %get3A_18 = arith.constant 1 : index
    %get3A_19 = arith.constant 0 : index
    %get3A_20 = arith.constant 0 : index
    %get3A_21 = vector.load %arg1[%get3A_18, %get3A_19, %get3A_20] : memref<2x1024x32xf32, #tpu.memory_space<vmem>>, vector<1x1024x32xf32>
    %get3A_22 = vector.shape_cast %get3A_21 : vector<1x1024x32xf32> to vector<1024x32xf32>
    %concatenate3A = tpu.concatenate %get3A_17, %get3A_22 in 1 : vector<1024x32xf32>, vector<1024x32xf32> -> vector<1024x64xf32>
    %mul3A = vector.broadcast %div3A_12 : vector<1024x1xf32> to vector<1024x64xf32>
    %mul3A_23 = arith.mulf %concatenate3A, %mul3A : vector<1024x64xf32>
    %get3A_24 = arith.constant 0 : index
    %get3A_25 = arith.constant 0 : index
    %get3A_26 = vector.load %arg3[%get3A_24, %get3A_25] : memref<1x64xf32, #tpu.memory_space<vmem>>, vector<1x64xf32>
    %add3A_27 = vector.broadcast %get3A_26 : vector<1x64xf32> to vector<1024x64xf32>
    %add3A_28 = arith.addf %mul3A_23, %add3A_27 : vector<1024x64xf32>
    %slice3A = vector.extract_strided_slice %add3A_28 {offsets = [0, 0], sizes = [1000, 64], strides = [1, 1]} : vector<1024x64xf32> to vector<1000x64xf32>
    %swap3A = arith.constant 0 : index
    %swap3A_29 = arith.constant 0 : index
    %swap3A_30 = vector.load %arg4[%swap3A, %swap3A_29] : memref<1000x64xf32, #tpu.memory_space<vmem>>, vector<1000x64xf32>
    tpu.vector_store %arg4[%swap3A, %swap3A_29], %slice3A {strides = array<i32>} : memref<1000x64xf32, #tpu.memory_space<vmem>>, vector<1000x64xf32>,
    return
  }
  func.func @transform_0(%arg0: i32) -> (i32, i32, i32) {
    %c0_i32 = arith.constant 0 : i32
    %c0_i32_0 = arith.constant 0 : i32
    %c0_i32_1 = arith.constant 0 : i32
    %c0_i32_2 = arith.constant 0 : i32
    return %c0_i32, %c0_i32_0, %c0_i32_1 : i32, i32, i32
  }
  func.func @transform_1(%arg0: i32) -> (i32, i32, i32) {
    %c0_i32 = arith.constant 0 : i32
    %c0_i32_0 = arith.constant 0 : i32
    %c0_i32_1 = arith.constant 0 : i32
    %c0_i32_2 = arith.constant 0 : i32
    return %c0_i32, %c0_i32_0, %c0_i32_1 : i32, i32, i32
  }
  func.func @transform_2(%arg0: i32) -> (i32, i32) {
    %c0_i32 = arith.constant 0 : i32
    %c0_i32_0 = arith.constant 0 : i32
    %c0_i32_1 = arith.constant 0 : i32
    return %c0_i32, %c0_i32_0 : i32, i32
  }
  func.func @transform_3(%arg0: i32) -> (i32, i32) {
    %c0_i32 = arith.constant 0 : i32
    %c0_i32_0 = arith.constant 0 : i32
    %c0_i32_1 = arith.constant 0 : i32
    return %c0_i32, %c0_i32_0 : i32, i32
  }
}

</mosaic_0001>

<sc_bundles>
// kernel: kernel.10.cloned.1.call-start
scs
__scs_entry_jumppad:
0x0: {  	(pc) =	sbr.rel $0x88, $3  }
0x1: {  	(tag) =	ssettag $0x0;
	lr =	simm.s32 $0x1  }
0x2: {  	[smem:$0x3F98] =	sst lr;
	_ =	strace $0xD0000000  }
0x3: {  	_ = 	snop  }
0x4: {  	_ = 	snop  }
0x5: {  	_ = 	snop  }
0x6: {  	_ = 	snop  }
0x7: {  	_ = 	snop  }
__scs_overlays_trampoline_lowered:
0x8: {  	[smem:$0x3FA7] =	sst s0  }
0x9: {  	[smem:$0x3FA8] =	sst s1  }
0xa: {  	[smem:$0x3FA9] =	sst s2  }
0xb: {  	[smem:$0x3FAA] =	sst s3  }
0xc: {  	[smem:$0x3FAB] =	sst s4  }
0xd: {  	[smem:$0x3FAC] =	sst s5  }
0xe: {  	[smem:$0x3FAD] =	sst s6  }
0xf: {  	[smem:$0x3FAE] =	sst s7  }
0x10: {  	[smem:$0x3FAF] =	sst s8  }
0x11: {  	[smem:$0x3FB0] =	sst s9;
	s0 =	simm.s32 @!p0 $0x0  }
0x12: {  	s1 =	sld [smem:$0x3F96];
	s0 =	simm.s32 @p0 $0x1  }
0x13: {  	[smem:$0x3FB1] =	sst s0;
	s0 =	simm.s32 @!p1 $0x0  }
0x14: {  	s2 =	sld [smem:$0x3F95];
	s0 =	simm.s32 @p1 $0x1  }
0x15: {  	[smem:$0x3FB2] =	sst s0;
	s0 =	simm.s32 @!p2 $0x0  }
0x16: {  	s3 =	sld [smem:$0x3FDB];
	s0 =	simm.s32 @p2 $0x1  }
0x17: {  	s4 =	simm.s32 $0x1BF5;
	[smem:$0x3FB4] =	sst s0  }
0x18: {  	s0 =	sld [smem:$0x3F97];
	_ =	swait.ge [sflag:s4], $0x0  }
0x19: {  	s7 =	sld [smem:$0x3F98]  }
0x1a: {  	s8 =	sadd.s32 $0xFFFFE003, lr  }
0x1b: {  	s9 =	sadd.s32 $0xFFFFFEF7, lr;
	s5 =	simm.s32 $0xFFFFFFFF;
	p2 =	slt.u32 s8, $0xFFFFF086  }
0x1c: {  	p1 =	slt.u32 s9, $0xF7A;
	s5 =	simm.s32 @!p2 $0x0  }
0x1d: {  	s5 =	simm.s32 @p1 $0x1;
	p0 =	seq.s32 s7, s2  }
0x1e: {  	s7 =	smul.u32 @!p0 $0xF7A, s2;
	p2 =	seq.s32 @!p0 s5, $0x0  }
0x1f: {  	s9 =	smul.u32 $0xF7A, s1;
	s8 =	simm.s32 @!p0 $0x1BF5;
	p2 =	por !p2, p0  }
0x20: {  	[sflag:s8] =	ssyncset.s32 @!p0 $0xFFFFF086;
	s6 =	sadd.s32 @!p0 s3, s7;
	s7 =	simm.s32 @!p0 $0x108  }
0x21: {  	s3 =	sadd.s32 s3, s9;
	s6 =	sadd.s32 @!p0 $0x88, s6;
	s7 =	simm.s32 @p2 $0x1082  }
0x22: {  	[simem:s7], [sflag:s8] =	dma.local @!p0 [hbm:s6], $0xF7A  }
0x23: {  	s9 =	sor.u32 $0xD0000000, s2;
	s6 =	simm.s32 $0x108;
	_ =	swait.ge @!p0 [sflag:s8], $0x0  }
0x24: {  	s3 =	sadd.s32 $0x88, s3;
	s6 =	simm.s32 @!p1 $0x1082;
	[sflag:s4] =	ssyncset.s32 $0xFFFFF086  }
0x25: {  	[simem:s6], [sflag:s4] =	dma.local [hbm:s3], $0xF7A  }
0x26: {  	[smem:$0x3F98] =	sst s1;
	(tag) =	ssettag s2;
	_ =	strace s9  }
0x27: {  	s1 =	sld [smem:$0x3FA8]  }
0x28: {  	s2 =	sld [smem:$0x3FA9]  }
0x29: {  	s4 =	sld [smem:$0x3FAB]  }
0x2a: {  	p0 =	seq.s32 s5, $0x0;
	s5 =	sld [smem:$0x3FAC]  }
0x2b: {  	s6 =	sld [smem:$0x3FAD]  }
0x2c: {  	s7 =	sld [smem:$0x3FAE]  }
0x2d: {  	s3 =	simm.s32 $0x108;
	s8 =	sld [smem:$0x3FAF]  }
0x2e: {  	s3 =	simm.s32 @!p0 $0x1082;
	s9 =	sld [smem:$0x3FB0]  }
0x2f: {  	lr =	sadd.s32 s0, s3;
	s0 =	sld [smem:$0x3FA7]  }
0x30: {  	s3 =	sld [smem:$0x3FAA]  }
0x31: {  	[smem:$0x3FB3] =	sst s10  }
0x32: {  	s10 =	sld [smem:$0x3FB1];
	_ =	sdelay $0x3  }
0x33: {  	p0 =	seq.s32 s10, $0x1;
	s10 =	sld [smem:$0x3FB3];
	_ =	sdelay $0x3  }
0x34: {  	[smem:$0x3FB3] =	sst s10  }
0x35: {  	s10 =	sld [smem:$0x3FB2];
	_ =	sdelay $0x3  }
0x36: {  	p1 =	seq.s32 s10, $0x1;
	s10 =	sld [smem:$0x3FB3];
	_ =	sdelay $0x3  }
0x37: {  	[smem:$0x3FB3] =	sst s10  }
0x38: {  	s10 =	sld [smem:$0x3FB4]  }
0x39: {  	_ = 	snop;
	(pc) =	sbr.ind lr, $3  }
0x3a: {  	_ = 	snop  }
0x3b: {  	_ = 	snop  }
0x3c: {  	p2 =	seq.s32 s10, $0x1;
	s10 =	sld [smem:$0x3FB3]  }
0x3d: {  	_ =	shalt  }
0x3e: {  	_ =	shalt  }
0x3f: {  	_ =	shalt  }
0x40: {  	_ =	shalt  }
0x41: {  	_ =	shalt  }
0x42: {  	_ =	shalt  }
0x43: {  	_ =	shalt  }
0x44: {  	_ =	shalt  }
0x45: {  	_ =	shalt  }
0x46: {  	_ =	shalt  }
0x47: {  	_ =	shalt  }
0x48: {  	_ =	shalt  }
0x49: {  	_ =	shalt  }
0x4a: {  	_ =	shalt  }
0x4b: {  	_ =	shalt  }
0x4c: {  	_ =	shalt  }
0x4d: {  	_ =	shalt  }
0x4e: {  	_ =	shalt  }
0x4f: {  	_ =	shalt  }
0x50: {  	_ =	shalt  }
0x51: {  	_ =	shalt  }
0x52: {  	_ =	shalt  }
0x53: {  	_ =	shalt  }
0x54: {  	_ =	shalt  }
0x55: {  	_ =	shalt  }
0x56: {  	_ =	shalt  }
0x57: {  	_ =	shalt  }
0x58: {  	_ =	shalt  }
0x59: {  	_ =	shalt  }
0x5a: {  	_ =	shalt  }
0x5b: {  	_ =	shalt  }
0x5c: {  	_ =	shalt  }
0x5d: {  	_ =	shalt  }
0x5e: {  	_ =	shalt  }
0x5f: {  	_ =	shalt  }
0x60: {  	_ =	shalt  }
0x61: {  	_ =	shalt  }
0x62: {  	_ =	shalt  }
0x63: {  	_ =	shalt  }
0x64: {  	_ =	shalt  }
0x65: {  	_ =	shalt  }
0x66: {  	_ =	shalt  }
0x67: {  	_ =	shalt  }
0x68: {  	_ =	shalt  }
0x69: {  	_ =	shalt  }
0x6a: {  	_ =	shalt  }
0x6b: {  	_ =	shalt  }
0x6c: {  	_ =	shalt  }
0x6d: {  	_ =	shalt  }
0x6e: {  	_ =	shalt  }
0x6f: {  	_ =	shalt  }
0x70: {  	_ =	shalt  }
0x71: {  	_ =	shalt  }
0x72: {  	_ =	shalt  }
0x73: {  	_ =	shalt  }
0x74: {  	_ =	shalt  }
0x75: {  	_ =	shalt  }
0x76: {  	_ =	shalt  }
0x77: {  	_ =	shalt  }
0x78: {  	_ =	shalt  }
0x79: {  	_ =	shalt  }
0x7a: {  	_ =	shalt  }
0x7b: {  	_ =	shalt  }
0x7c: {  	_ =	shalt  }
0x7d: {  	_ =	shalt  }
0x7e: {  	_ =	shalt  }
0x7f: {  	_ =	shalt  }
0x80: {  	_ =	shalt  }
0x81: {  	_ =	shalt  }
0x82: {  	_ =	shalt  }
0x83: {  	_ =	shalt  }
0x84: {  	_ =	shalt  }
0x85: {  	_ =	shalt  }
0x86: {  	_ =	shalt  }
0x87: {  	_ =	shalt  }
.Lfunc_end0:
.L_simem_size_0:
called_computation.1_lowered:
.L_overlay_start_0:
0x88: {  	s2 =	sld [smem:$0x3FD9]  }
0x89: {  	s3 =	sld [smem:$0x3FFE];
	_ =	sdelay $0x1  }
0x8a: {  	s1 =	srdreg.scid  }
0x8b: {  	s0 =	sand.u32 $0x1, s1  }
0x8c: {  	s17 =	sshll.u32 s0, $0xA;
	s2 =	sadd.s32 s3, s2  }
0x8d: {  	s2 =	sadd.s32 s2, s17  }
0x8e: {  	[smem:$0x3FBF] =	sst s2  }
0x8f: {  	_ = 	snop  }
0x90: {  	s2 =	sld [smem:$0x3FD0];
	(tm) =	ssettm $0x1  }
0x91: {  	s18 =	sld [smem:$0x3FFB];
	_ =	sdelay $0x3  }
0x92: {  	_ =	strace s18  }
0x93: {  	s3 =	sld [smem:$0x3FFC];
	_ =	sdelay $0x3  }
0x94: {  	_ =	strace s3  }
0x95: {  	s3 =	sld [smem:$0x3FFD];
	_ =	sdelay $0x3  }
0x96: {  	_ =	strace s3  }
0x97: {  	_ =	strace $0x8FFFFFFF  }
0x98: {  	s19 =	sld [smem:$0x3FDB];
	_ =	sdelay $0x1  }
0x99: {  	s4 =	simm.s32 $_scs_section_size  }
0x9a: {  	s5 =	simm.s32 $_size__tile_overlayer_lowered;
	s6 =	simm.s32 $_tile_overlayer_lowered  }
0x9b: {  	s22 =	simm.s32 $0x1BFF;
	s21 =	sshll.u32 s6, $0x1;
	s3 =	sadd.s32 s4, s19  }
0x9c: {  	s7 =	simm.s32 $0x0;
	s20 =	sshll.u32 s5, $0x1;
	s5 =	sadd.s32 s21, s3  }
0x9d: {  	[timem:s7], [sflag:s22] =	dma.local [hbm:s5], s20  }
0x9e: {  	_ =	swait.ge [sflag:s22], s20  }
0x9f: {  	s4 =	ssub.s32 $0x0, s20;
	[sflag:s22] =	ssyncset.done $0x0  }
0xa0: {  	[sflag:s22] =	ssyncadd.s32 s4;
	_ =	sdelay $0x1  }
0xa1: {  	s23 =	simm.s32 $0x1B8B  }
0xa2: {  	_ =	swait.ge [sflag:s23], $0x1  }
0xa3: {  	[sflag:s23] =	ssyncset.done $0x0  }
0xa4: {  	s25 =	simm.s32 $0x1B8E;
	s24 =	sld [smem:$0x3FFE];
	[sflag:s23] =	ssyncadd.s32 $0xFFFFFFFF  }
0xa5: {  	s26 =	simm.s32 $execute0_lowered;
	[smem:$0x3FD2] =	sst s25  }
0xa6: {  	s5 =	sshll.u32 s26, $0x1;
	_ =	strace $0x80000049;
	[dreg:$0x1] =	wrdreg $0xFFFFFFFF  }
0xa7: {  	s28 =	simm.s32 $_size_execute0_lowered;
	s3 =	sadd.s32 s3, s5;
	[dreg:$0x0] =	wrdreg $0x0  }
0xa8: {  	s5 =	sshll.u32 s28, $0x1;
	[dreg:$0x2] =	wrdreg s3  }
0xa9: {  	[dreg:$0x3] =	wrdreg s5  }
0xaa: {  	[dreg:$0x4] =	wrdreg $0xC0  }
0xab: {  	_ =	task [dreg:s7], $0x5FFFF  }
0xac: {  	[dreg:$0x1] =	wrdreg $0xFFFFFFFF  }
0xad: {  	[dreg:$0x0] =	wrdreg $0x60  }
0xae: {  	[dreg:$0x2] =	wrdreg s24  }
0xaf: {  	[dreg:$0x3] =	wrdreg s2  }
0xb0: {  	[dreg:$0x4] =	wrdreg $0x58000  }
0xb1: {  	[dreg:$0x5] =	wrdreg $0x60000  }
0xb2: {  	[dreg:$0x6] =	wrdreg $0x9  }
0xb3: {  	_ =	task.clear_ibuf [dreg:s7], $0x7FFFF;
	_ =	strace $0x90000049  }
0xb4: {  	s29 =	simm.s32 $0x9;
	_ =	strace $0x8000004B  }
0xb5: {  	_ =	swait.ge [sflag:s29], $0x1  }
0xb6: {  	[sflag:s29] =	ssyncadd.s32 $0xFFFFFFFF  }
0xb7: {  	_ =	strace $0x9000004B  }
0xb8: {  	_ =	sfence  }
0xb9: {  	s30 =	sld [smem:$0x0];
	_ =	sdelay $0x2  }
0xba: {  	s31 =	sshll.u32 s1, $0xD;
	s1 =	sshrl.u32 s1, $0x2  }
0xbb: {  	s3 =	sand.u32 $0x4000, s31;
	s1 =	sadd.s32 s1, s30  }
0xbc: {  	s0 =	sor.u32 s3, s0;
	s1 =	sshll.u32 s1, $0x11  }
0xbd: {  	s0 =	sor.u32 s1, s0  }
0xbe: {  	s0 =	sadd.s32 $0x8F2B, s0  }
0xbf: {  	[sflag:s0] =	ssyncadd.remote.s32 $0x1  }
0xc0: {  	_ =	sfence.sel $0xFFFF  }
0xc1: {  	[dreg:$0x0] =	wrdreg $0xFFFFFFFF;
	(pc) =	sbr.abs _section_cstart, $3  }
0xc2: {  	[dreg:$0x1] =	wrdreg $0xFFFFFFFF  }
0xc3: {  	_ =	task.clear_ibuf [dreg:s7], $0x2FFFF;
	_ =	strace $0x9FFFFFFF  }
0xc4: {  	(tm) =	ssettm $0x7FFFFFFF  }
0xc5: {  	_ =	shalt  }
tec
execute0_lowered:
.L_overlay_start_1:
0x0: {  	(tag) =	ssettag $0x1  }
0x1: {  	s0 =	rddreg [dreg:$0x0]  }
0x2: {  	s1 =	rddreg [dreg:$0x1]  }
0x3: {  	s2 =	rddreg [dreg:$0x2]  }
0x4: {  	s6 =	rddreg [dreg:$0x3]  }
0x5: {  	s30 =	rddreg [dreg:$0x4]  }
0x6: {  	s18 =	simm.s32 $0x0;
	s3 =	srdreg.scid;
	s31 =	stileid.u32  }
0x7: {  	s17 =	simm.s32 $0x4800;
	s11 =	simm.s32 $0x180;
	s13 =	simm.s32 $0x1800  }
0x8: {  	s12 =	simm.s32 $0x200;
	s14 =	simm.s32 $0x280;
	s15 =	simm.s32 $0x300  }
0x9: {  	s20 =	simm.s32 $0x1;
	[smem:$0x7FF] =	sst s18;
	s4 =	sadd.s32 $0x102E00, s0  }
0xa: {  	s22 =	sadd.s32 $0xDAC00, s0;
	_ =	strace $0x8000004A;
	[dreg:$0x5] =	wrdreg s4  }
0xb: {  	s16 =	simm.s32 $0x380;
	s23 =	sadd.s32 $0xDAA00, s0;
	[dreg:$0x6] =	wrdreg s22  }
0xc: {  	s19 =	simm.s32 $0x600;
	s21 =	simm.s32 $0x2;
	[dreg:$0x7] =	wrdreg s23  }
0xd: {  	s29 =	simm.s32 $0x480;
	s28 =	simm.s32 $0x500;
	[dreg:$0xd] =	wrdreg s11  }
0xe: {  	p0 =	por $0x0, $0x0;
	s3 =	sand.u32 $0x1, s3;
	[dreg:$0xe] =	wrdreg s12  }
0xf: {  	s8 =	sshll.u32 s31, $0xA;
	s7 =	sadd.s32 $0xDAE00, s0;
	[dreg:$0xf] =	wrdreg s14  }
0x10: {  	s25 =	sshll.u32 s31, $0xB;
	s5 =	sshll.u32 s3, $0xE;
	[dreg:$0x10] =	wrdreg s15  }
0x11: {  	s24 =	ssub.s32 $0x2, s3;
	s3 =	sshll.u32 s3, $0xF;
	[dreg:$0x11] =	wrdreg s16  }
0x12: {  	s11 =	simm.s32 $0x2800;
	s12 =	simm.s32 $0x5;
	[dreg:$0x12] =	wrdreg s19  }
0x13: {  	s22 =	simm.s32 $0x680;
	s23 =	simm.s32 $0x700;
	s15 =	simm.s32 $0x6  }
0x14: {  	s16 =	simm.s32 $0x7;
	s19 =	simm.s32 $0x8;
	s14 =	simm.s32 $0x9  }
0x15: {  	s5 =	sor.u32 s8, s5;
	s9 =	sshrl.u32 s24, $0x1;
	[dreg:$0x13] =	wrdreg s22  }
0x16: {  	s3 =	sor.u32 s25, s3;
	s25 =	sadd.s32 s25, s2;
	[dreg:$0x14] =	wrdreg s23  }
0x17: {  	s22 =	simm.s32 $0x3;
	s23 =	simm.s32 $0x4;
	s5 =	sshrl.u32 s5, $0x3  }
0x18: {  	s3 =	sshrl.u32 s3, $0x3;
	s4 =	ssub.s32 s24, s9;
	s9 =	simm.s32 $0x800  }
0x19: {  	s24 =	simm.s32 $0x400;
	s0 =	sadd.s32 s5, s0;
	s1 =	sadd.s32 s1, s3  }
0x1a: {  	s3 =	smax.u32 s4, $0x1;
	s10 =	sadd.s32 $0x10CE00, s0;
	[dreg:$0xa] =	wrdreg s1  }
0x1b: {  	p1 =	sne.s32 s3, $0x1;
	s1 =	sadd.s32 $0xFFFFFFFF, s3;
	s3 =	rddreg [dreg:$0x5]  }
.Ltmp0:
0x1c: {  	s26 =	sadd.s32 $0x10DE00, s0;
	[dreg:$0x8] =	wrdreg s10;
	(pc) =	sbr.rel @!p1 .LBB2_5-.Ltmp0, $4  }
0x1d: {  	s5 =	sadd.s32 s8, s6;
	s0 =	sadd.s32 $0x103000, s0;
	[dreg:$0x9] =	wrdreg s26  }
0x1e: {  	s4 =	simm.s32 $0xA;
	[dreg:$0xb] =	wrdreg s0;
	s10 =	simm.s32 $0x100  }
0x1f: {  	s8 =	simm.s32 $0x80;
	s26 =	simm.s32 $0x780;
	[dreg:$0xc] =	wrdreg s10  }
0x20: {  	s10 =	simm.s32 $0x3800;
	[dreg:$0x15] =	wrdreg s26;
	s26 =	simm.s32 $0x580  }
0x21: {  	[tilespmem:s9], [sflag:$0xA] =	stream.linear.gather [hbm4b:s3+s18], $0x1000, $0x38;
	[tilespmem:$0x6400] =	vst v63  }
0x22: {  	_ =	swait.ge [sflag:s4], $0x1000  }
0x23: {  	[sflag:s4] =	ssyncset.done $0x0  }
0x24: {  	s3 =	simm.s32 $0x5000;
	s0 =	rddreg [dreg:$0x6];
	[sflag:s4] =	ssyncadd.s32 $0xFFFFF000  }
0x25: {  	[tilespmem:s3], [sflag:$0xA] =	stream.linear.gather [hbm4b:s0+s18], $0x800, $0x38;
	[tilespmem:$0x6400] =	vst v63  }
0x26: {  	_ =	swait.ge [sflag:s4], $0x800  }
0x27: {  	[sflag:s4] =	ssyncset.done $0x0  }
0x28: {  	s0 =	rddreg [dreg:$0x7];
	[sflag:s4] =	ssyncadd.s32 $0xFFFFF800  }
0x29: {  	[tilespmem:s17], [sflag:$0xA] =	stream.linear.gather [hbm4b:s0+s18], $0x800, $0x38;
	[tilespmem:$0x6400] =	vst v63  }
0x2a: {  	_ =	swait.ge [sflag:s4], $0x800  }
0x2b: {  	[sflag:s4] =	ssyncset.done $0x0  }
0x2c: {  	[sflag:s4] =	ssyncadd.s32 $0xFFFFF800  }
0x2d: {  	[spmem:s25] =	stream.linear.scatter [tilespmem:s9], [sflag:$0xA], $0x800, $0x38;
	[tilespmem:$0x6400] =	vst v63  }
0x2e: {  	_ =	swait.ge [sflag:s4], $0x800  }
0x2f: {  	[sflag:s4] =	ssyncset.done $0x0  }
0x30: {  	[sflag:s4] =	ssyncadd.s32 $0xFFFFF800  }
0x31: {  	[spmem:s5] =	stream.linear.scatter [tilespmem:s3], [sflag:$0xA], $0x400, $0x38;
	[tilespmem:$0x6400] =	vst v63  }
0x32: {  	_ =	swait.ge [sflag:s4], $0x400  }
0x33: {  	[sflag:s4] =	ssyncset.done $0x0  }
0x34: {  	[sflag:s4] =	ssyncadd.s32 $0xFFFFFC00  }
0x35: {  	[bflag:$0x0] =	sbarrier.arrive $0xFFFF  }
0x36: {  	s3 =	rddreg [dreg:$0x8]  }
0x37: {  	[tilespmem:s18], [sflag:$0xA] =	stream.linear.gather [hbm4b:s3+s18], $0x400, $0x38;
	[tilespmem:$0x6400] =	vst v63  }
0x38: {  	_ =	swait.ge [sflag:s4], $0x400  }
0x39: {  	[sflag:s4] =	ssyncset.done $0x0  }
0x3a: {  	s3 =	rddreg [dreg:$0x9];
	[sflag:s4] =	ssyncadd.s32 $0xFFFFFC00  }
0x3b: {  	[tilespmem:s24], [sflag:$0xA] =	stream.linear.gather [hbm4b:s3+s18], $0x400, $0x38;
	[tilespmem:$0x6400] =	vst v63  }
0x3c: {  	_ =	swait.ge [sflag:s4], $0x400  }
0x3d: {  	[sflag:s4] =	ssyncset.done $0x0  }
0x3e: {  	[sflag:s4] =	ssyncadd.s32 $0xFFFFFC00  }
0x3f: {  	[tilespmem:s9], [sflag:$0x1] =	stream.indirect.gather [hbm4b:s7+s8], $0x20, s18, s8, $0xb8;
	[tilespmem:$0x6400] =	vst v63  }
0x40: {  	_ = 	snop  }
0x41: {  	[tilespmem:s13], [sflag:$0x2] =	stream.indirect.gather [hbm4b:s7+s8], $0x20, s8, s8, $0xb8;
	[tilespmem:$0x6400] =	vst v63  }
0x42: {  	s0 =	rddreg [dreg:$0xc]  }
0x43: {  	[tilespmem:s11], [sflag:$0x3] =	stream.indirect.gather [hbm4b:s7+s8], $0x20, s0, s8, $0xb8;
	[tilespmem:$0x6400] =	vst v63  }
0x44: {  	s3 =	rddreg [dreg:$0xd]  }
0x45: {  	[tilespmem:s10], [sflag:$0x4] =	stream.indirect.gather [hbm4b:s7+s8], $0x20, s3, s8, $0xb8;
	[tilespmem:$0x6400] =	vst v63  }
0x46: {  	_ =	swait.ge [sflag:s20], $0x1000  }
0x47: {  	[sflag:s20] =	ssyncset.done $0x0  }
0x48: {  	[sflag:s20] =	ssyncadd.s32 $0xFFFFF000  }
0x49: {  	[spmem:s2] =	stream.indirect.scatter.add.f32 [tilespmem:s9], [sflag:$0x5], $0x20, s24, s8, $0xb8;
	[tilespmem:$0x6400] =	vst v63  }
0x4a: {  	_ = 	snop  }
0x4b: {  	[spmem:s6] =	stream.indirect.scatter.add.f32 [tilespmem:s17], [sflag:$0x9], $0x10, s24, s8, $0xb8;
	[tilespmem:$0x6400] =	vst v63  }
0x4c: {  	_ =	swait.ge [sflag:s12], $0x1000  }
0x4d: {  	[sflag:s12] =	ssyncset.done $0x0  }
0x4e: {  	s3 =	rddreg [dreg:$0xe];
	[sflag:s12] =	ssyncadd.s32 $0xFFFFF000  }
0x4f: {  	[tilespmem:s9], [sflag:$0x1] =	stream.indirect.gather [hbm4b:s7+s8], $0x20, s3, s8, $0xb8;
	[tilespmem:$0x6400] =	vst v63  }
0x50: {  	_ =	swait.ge [sflag:s21], $0x1000  }
0x51: {  	[sflag:s21] =	ssyncset.done $0x0  }
0x52: {  	[sflag:s21] =	ssyncadd.s32 $0xFFFFF000  }
0x53: {  	[spmem:s2] =	stream.indirect.scatter.add.f32 [tilespmem:s13], [sflag:$0x6], $0x20, s29, s8, $0xb8;
	[tilespmem:$0x6400] =	vst v63  }
0x54: {  	_ = 	snop  }
0x55: {  	[spmem:s6] =	stream.indirect.scatter.add.f32 [tilespmem:s17], [sflag:$0x9], $0x10, s29, s8, $0xb8;
	[tilespmem:$0x6400] =	vst v63  }
0x56: {  	_ =	swait.ge [sflag:s15], $0x1000  }
0x57: {  	[sflag:s15] =	ssyncset.done $0x0  }
0x58: {  	s3 =	rddreg [dreg:$0xf];
	[sflag:s15] =	ssyncadd.s32 $0xFFFFF000  }
0x59: {  	[tilespmem:s13], [sflag:$0x2] =	stream.indirect.gather [hbm4b:s7+s8], $0x20, s3, s8, $0xb8;
	[tilespmem:$0x6400] =	vst v63  }
0x5a: {  	_ =	swait.ge [sflag:s22], $0x1000  }
0x5b: {  	[sflag:s22] =	ssyncset.done $0x0  }
0x5c: {  	[sflag:s22] =	ssyncadd.s32 $0xFFFFF000  }
0x5d: {  	[spmem:s2] =	stream.indirect.scatter.add.f32 [tilespmem:s11], [sflag:$0x7], $0x20, s28, s8, $0xb8;
	[tilespmem:$0x6400] =	vst v63  }
0x5e: {  	_ = 	snop  }
0x5f: {  	[spmem:s6] =	stream.indirect.scatter.add.f32 [tilespmem:s17], [sflag:$0x9], $0x10, s28, s8, $0xb8;
	[tilespmem:$0x6400] =	vst v63  }
0x60: {  	_ =	swait.ge [sflag:s16], $0x1000  }
0x61: {  	[sflag:s16] =	ssyncset.done $0x0  }
0x62: {  	s3 =	rddreg [dreg:$0x10];
	[sflag:s16] =	ssyncadd.s32 $0xFFFFF000  }
0x63: {  	[tilespmem:s11], [sflag:$0x3] =	stream.indirect.gather [hbm4b:s7+s8], $0x20, s3, s8, $0xb8;
	[tilespmem:$0x6400] =	vst v63  }
0x64: {  	_ =	swait.ge [sflag:s23], $0x1000  }
0x65: {  	[sflag:s23] =	ssyncset.done $0x0  }
0x66: {  	[sflag:s23] =	ssyncadd.s32 $0xFFFFF000  }
0x67: {  	[spmem:s2] =	stream.indirect.scatter.add.f32 [tilespmem:s10], [sflag:$0x8], $0x20, s26, s8, $0xb8;
	[tilespmem:$0x6400] =	vst v63  }
0x68: {  	_ = 	snop  }
0x69: {  	[spmem:s6] =	stream.indirect.scatter.add.f32 [tilespmem:s17], [sflag:$0x9], $0x10, s26, s8, $0xb8;
	[tilespmem:$0x6400] =	vst v63  }
0x6a: {  	_ =	swait.ge [sflag:s19], $0x1000  }
0x6b: {  	[sflag:s19] =	ssyncset.done $0x0  }
0x6c: {  	s3 =	rddreg [dreg:$0x11];
	[sflag:s19] =	ssyncadd.s32 $0xFFFFF000  }
0x6d: {  	[tilespmem:s10], [sflag:$0x4] =	stream.indirect.gather [hbm4b:s7+s8], $0x20, s3, s8, $0xb8;
	[tilespmem:$0x6400] =	vst v63  }
0x6e: {  	_ =	swait.ge [sflag:s20], $0x1000  }
0x6f: {  	[sflag:s20] =	ssyncset.done $0x0  }
0x70: {  	s3 =	rddreg [dreg:$0x12];
	[sflag:s20] =	ssyncadd.s32 $0xFFFFF000  }
0x71: {  	[spmem:s2] =	stream.indirect.scatter.add.f32 [tilespmem:s9], [sflag:$0x5], $0x20, s3, s8, $0xb8;
	[tilespmem:$0x6400] =	vst v63  }
0x72: {  	_ =	swait.ge [sflag:s21], $0x1000  }
0x73: {  	[sflag:s21] =	ssyncset.done $0x0  }
0x74: {  	s3 =	rddreg [dreg:$0x13];
	[sflag:s21] =	ssyncadd.s32 $0xFFFFF000  }
0x75: {  	[spmem:s2] =	stream.indirect.scatter.add.f32 [tilespmem:s13], [sflag:$0x6], $0x20, s3, s8, $0xb8;
	[tilespmem:$0x6400] =	vst v63  }
0x76: {  	_ =	swait.ge [sflag:s22], $0x1000  }
0x77: {  	[sflag:s22] =	ssyncset.done $0x0  }
0x78: {  	s3 =	rddreg [dreg:$0x14];
	[sflag:s22] =	ssyncadd.s32 $0xFFFFF000  }
0x79: {  	[spmem:s2] =	stream.indirect.scatter.add.f32 [tilespmem:s11], [sflag:$0x7], $0x20, s3, s8, $0xb8;
	[tilespmem:$0x6400] =	vst v63  }
0x7a: {  	_ =	swait.ge [sflag:s23], $0x1000  }
0x7b: {  	[sflag:s23] =	ssyncset.done $0x0  }
0x7c: {  	s3 =	rddreg [dreg:$0x15];
	[sflag:s23] =	ssyncadd.s32 $0xFFFFF000  }
0x7d: {  	[spmem:s2] =	stream.indirect.scatter.add.f32 [tilespmem:s10], [sflag:$0x8], $0x20, s3, s8, $0xb8;
	[tilespmem:$0x6400] =	vst v63  }
0x7e: {  	_ =	swait.ge [sflag:s12], $0x1000  }
0x7f: {  	[sflag:s12] =	ssyncset.done $0x0  }
0x80: {  	[sflag:s12] =	ssyncadd.s32 $0xFFFFF000  }
0x81: {  	_ =	swait.ge [sflag:s15], $0x1000  }
0x82: {  	[sflag:s15] =	ssyncset.done $0x0  }
0x83: {  	[sflag:s15] =	ssyncadd.s32 $0xFFFFF000  }
0x84: {  	_ =	swait.ge [sflag:s16], $0x1000  }
0x85: {  	[sflag:s16] =	ssyncset.done $0x0  }
0x86: {  	[sflag:s16] =	ssyncadd.s32 $0xFFFFF000  }
0x87: {  	_ =	swait.ge [sflag:s19], $0x1000  }
0x88: {  	[sflag:s19] =	ssyncset.done $0x0  }
0x89: {  	[sflag:s19] =	ssyncadd.s32 $0xFFFFF000  }
0x8a: {  	_ =	swait.ge [sflag:s14], $0x800  }
0x8b: {  	[sflag:s14] =	ssyncset.done $0x0  }
0x8c: {  	[sflag:s14] =	ssyncadd.s32 $0xFFFFF800  }
0x8d: {  	_ =	swait.ge [sflag:s14], $0x800  }
0x8e: {  	[sflag:s14] =	ssyncset.done $0x0  }
0x8f: {  	[sflag:s14] =	ssyncadd.s32 $0xFFFFF800  }
0x90: {  	_ =	swait.ge [sflag:s14], $0x800  }
0x91: {  	[sflag:s14] =	ssyncset.done $0x0  }
0x92: {  	[sflag:s14] =	ssyncadd.s32 $0xFFFFF800  }
0x93: {  	_ =	swait.ge [sflag:s14], $0x800  }
0x94: {  	[sflag:s14] =	ssyncset.done $0x0  }
0x95: {  	[sflag:s14] =	ssyncadd.s32 $0xFFFFF800  }
0x96: {  	s3 =	sshll.u32 s31, $0x6;
	[bflag:$0x0] =	sbarrier.arrive $0xFFFF  }
0x97: {  	s31 =	sshrl.u32 s25, $0x3;
	s30 =	sor.u32 $0x1C0A, s3;
	s0 =	rddreg [dreg:$0xa]  }
0x98: {  	[hbm:s0], [sflag:s30] =	dma.local [spmem:s31], $0x100  }
0x99: {  	p1 =	sne.s32 s1, $0x1;
	_ =	swait.ge [sflag:s4], $0x100  }
.Ltmp1:
0x9a: {  	[sflag:s4] =	ssyncset.done $0x0;
	(pc) =	sbr.rel @!p1 .LBB2_2-.Ltmp1, $4  }
0x9b: {  	s0 =	sshrl.u32 s5, $0x3;
	s3 =	rddreg [dreg:$0xb];
	[sflag:s4] =	ssyncadd.s32 $0xFFFFFF00  }
0x9c: {  	[hbm:s3], [sflag:s30] =	dma.local [spmem:s0], $0x80  }
0x9d: {  	s1 =	sadd.s32 $0xFFFFFFFF, s1;
	_ =	swait.ge [sflag:s4], $0x80  }
0x9e: {  	p0 =	por $0x1, $0x1;
	s3 =	rddreg [dreg:$0x5];
	[sflag:s4] =	ssyncset.done $0x0  }
.LBB2_3:
0x9f: {  	[sflag:s4] =	ssyncadd.s32 $0xFFFFFF80  }
0xa0: {  	[tilespmem:s9], [sflag:$0xA] =	stream.linear.gather [hbm4b:s3+s18], $0x1000, $0x38;
	[tilespmem:$0x6400] =	vst v63  }
0xa1: {  	_ =	swait.ge [sflag:s4], $0x1000  }
0xa2: {  	[sflag:s4] =	ssyncset.done $0x0  }
0xa3: {  	s26 =	simm.s32 $0x5000;
	s3 =	rddreg [dreg:$0x6];
	[sflag:s4] =	ssyncadd.s32 $0xFFFFF000  }
0xa4: {  	[tilespmem:s26], [sflag:$0xA] =	stream.linear.gather [hbm4b:s3+s18], $0x800, $0x38;
	[tilespmem:$0x6400] =	vst v63  }
0xa5: {  	_ =	swait.ge [sflag:s4], $0x800  }
0xa6: {  	[sflag:s4] =	ssyncset.done $0x0  }
0xa7: {  	s3 =	rddreg [dreg:$0x7];
	[sflag:s4] =	ssyncadd.s32 $0xFFFFF800  }
0xa8: {  	[tilespmem:s17], [sflag:$0xA] =	stream.linear.gather [hbm4b:s3+s18], $0x800, $0x38;
	[tilespmem:$0x6400] =	vst v63  }
0xa9: {  	_ =	swait.ge [sflag:s4], $0x800  }
0xaa: {  	[sflag:s4] =	ssyncset.done $0x0  }
0xab: {  	[sflag:s4] =	ssyncadd.s32 $0xFFFFF800  }
0xac: {  	[spmem:s25] =	stream.linear.scatter [tilespmem:s9], [sflag:$0xA], $0x800, $0x38;
	[tilespmem:$0x6400] =	vst v63  }
0xad: {  	_ =	swait.ge [sflag:s4], $0x800  }
0xae: {  	[sflag:s4] =	ssyncset.done $0x0  }
0xaf: {  	[sflag:s4] =	ssyncadd.s32 $0xFFFFF800  }
0xb0: {  	[spmem:s5] =	stream.linear.scatter [tilespmem:s26], [sflag:$0xA], $0x400, $0x38;
	[tilespmem:$0x6400] =	vst v63  }
0xb1: {  	_ =	swait.ge [sflag:s4], $0x400  }
0xb2: {  	[sflag:s4] =	ssyncset.done $0x0  }
0xb3: {  	[sflag:s4] =	ssyncadd.s32 $0xFFFFFC00  }
0xb4: {  	[bflag:$0x0] =	sbarrier.arrive $0xFFFF  }
0xb5: {  	s26 =	rddreg [dreg:$0x8]  }
0xb6: {  	[tilespmem:s18], [sflag:$0xA] =	stream.linear.gather [hbm4b:s26+s18], $0x400, $0x38;
	[tilespmem:$0x6400] =	vst v63  }
0xb7: {  	_ =	swait.ge [sflag:s4], $0x400  }
0xb8: {  	[sflag:s4] =	ssyncset.done $0x0  }
0xb9: {  	s26 =	rddreg [dreg:$0x9];
	[sflag:s4] =	ssyncadd.s32 $0xFFFFFC00  }
0xba: {  	[tilespmem:s24], [sflag:$0xA] =	stream.linear.gather [hbm4b:s26+s18], $0x400, $0x38;
	[tilespmem:$0x6400] =	vst v63  }
0xbb: {  	_ =	swait.ge [sflag:s4], $0x400  }
0xbc: {  	[sflag:s4] =	ssyncset.done $0x0  }
0xbd: {  	[sflag:s4] =	ssyncadd.s32 $0xFFFFFC00  }
0xbe: {  	[tilespmem:s9], [sflag:$0x1] =	stream.indirect.gather [hbm4b:s7+s8], $0x20, s18, s8, $0xb8;
	[tilespmem:$0x6400] =	vst v63  }
0xbf: {  	_ = 	snop  }
0xc0: {  	[tilespmem:s13], [sflag:$0x2] =	stream.indirect.gather [hbm4b:s7+s8], $0x20, s8, s8, $0xb8;
	[tilespmem:$0x6400] =	vst v63  }
0xc1: {  	s3 =	rddreg [dreg:$0xc]  }
0xc2: {  	[tilespmem:s11], [sflag:$0x3] =	stream.indirect.gather [hbm4b:s7+s8], $0x20, s3, s8, $0xb8;
	[tilespmem:$0x6400] =	vst v63  }
0xc3: {  	s26 =	smov.u32 s25;
	s25 =	smov.u32 s5;
	s5 =	rddreg [dreg:$0xd]  }
0xc4: {  	[tilespmem:s10], [sflag:$0x4] =	stream.indirect.gather [hbm4b:s7+s8], $0x20, s5, s8, $0xb8;
	[tilespmem:$0x6400] =	vst v63  }
0xc5: {  	_ =	swait.ge [sflag:s20], $0x1000  }
0xc6: {  	[sflag:s20] =	ssyncset.done $0x0  }
0xc7: {  	[sflag:s20] =	ssyncadd.s32 $0xFFFFF000  }
0xc8: {  	[spmem:s2] =	stream.indirect.scatter.add.f32 [tilespmem:s9], [sflag:$0x5], $0x20, s24, s8, $0xb8;
	[tilespmem:$0x6400] =	vst v63  }
0xc9: {  	_ = 	snop  }
0xca: {  	[spmem:s6] =	stream.indirect.scatter.add.f32 [tilespmem:s17], [sflag:$0x9], $0x10, s24, s8, $0xb8;
	[tilespmem:$0x6400] =	vst v63  }
0xcb: {  	_ =	swait.ge [sflag:s12], $0x1000  }
0xcc: {  	[sflag:s12] =	ssyncset.done $0x0  }
0xcd: {  	s3 =	rddreg [dreg:$0xe];
	[sflag:s12] =	ssyncadd.s32 $0xFFFFF000  }
0xce: {  	[tilespmem:s9], [sflag:$0x1] =	stream.indirect.gather [hbm4b:s7+s8], $0x20, s3, s8, $0xb8;
	[tilespmem:$0x6400] =	vst v63  }
0xcf: {  	_ =	swait.ge [sflag:s21], $0x1000  }
0xd0: {  	[sflag:s21] =	ssyncset.done $0x0  }
0xd1: {  	[sflag:s21] =	ssyncadd.s32 $0xFFFFF000  }
0xd2: {  	[spmem:s2] =	stream.indirect.scatter.add.f32 [tilespmem:s13], [sflag:$0x6], $0x20, s29, s8, $0xb8;
	[tilespmem:$0x6400] =	vst v63  }
0xd3: {  	_ = 	snop  }
0xd4: {  	[spmem:s6] =	stream.indirect.scatter.add.f32 [tilespmem:s17], [sflag:$0x9], $0x10, s29, s8, $0xb8;
	[tilespmem:$0x6400] =	vst v63  }
0xd5: {  	_ =	swait.ge [sflag:s15], $0x1000  }
0xd6: {  	[sflag:s15] =	ssyncset.done $0x0  }
0xd7: {  	s3 =	rddreg [dreg:$0xf];
	[sflag:s15] =	ssyncadd.s32 $0xFFFFF000  }
0xd8: {  	[tilespmem:s13], [sflag:$0x2] =	stream.indirect.gather [hbm4b:s7+s8], $0x20, s3, s8, $0xb8;
	[tilespmem:$0x6400] =	vst v63  }
0xd9: {  	_ =	swait.ge [sflag:s22], $0x1000  }
0xda: {  	[sflag:s22] =	ssyncset.done $0x0  }
0xdb: {  	[sflag:s22] =	ssyncadd.s32 $0xFFFFF000  }
0xdc: {  	[spmem:s2] =	stream.indirect.scatter.add.f32 [tilespmem:s11], [sflag:$0x7], $0x20, s28, s8, $0xb8;
	[tilespmem:$0x6400] =	vst v63  }
0xdd: {  	_ = 	snop  }
0xde: {  	[spmem:s6] =	stream.indirect.scatter.add.f32 [tilespmem:s17], [sflag:$0x9], $0x10, s28, s8, $0xb8;
	[tilespmem:$0x6400] =	vst v63  }
0xdf: {  	_ =	swait.ge [sflag:s16], $0x1000  }
0xe0: {  	[sflag:s16] =	ssyncset.done $0x0  }
0xe1: {  	s3 =	rddreg [dreg:$0x10];
	[sflag:s16] =	ssyncadd.s32 $0xFFFFF000  }
0xe2: {  	[tilespmem:s11], [sflag:$0x3] =	stream.indirect.gather [hbm4b:s7+s8], $0x20, s3, s8, $0xb8;
	[tilespmem:$0x6400] =	vst v63  }
0xe3: {  	_ =	swait.ge [sflag:s23], $0x1000  }
0xe4: {  	s5 =	smov.u32 s25;
	[sflag:s23] =	ssyncset.done $0x0  }
0xe5: {  	s25 =	smov.u32 s26;
	s26 =	simm.s32 $0x580;
	[sflag:s23] =	ssyncadd.s32 $0xFFFFF000  }
0xe6: {  	[spmem:s2] =	stream.indirect.scatter.add.f32 [tilespmem:s10], [sflag:$0x8], $0x20, s26, s8, $0xb8;
	[tilespmem:$0x6400] =	vst v63  }
0xe7: {  	_ = 	snop  }
0xe8: {  	[spmem:s6] =	stream.indirect.scatter.add.f32 [tilespmem:s17], [sflag:$0x9], $0x10, s26, s8, $0xb8;
	[tilespmem:$0x6400] =	vst v63  }
0xe9: {  	_ =	swait.ge [sflag:s19], $0x1000  }
0xea: {  	[sflag:s19] =	ssyncset.done $0x0  }
0xeb: {  	s3 =	rddreg [dreg:$0x11];
	[sflag:s19] =	ssyncadd.s32 $0xFFFFF000  }
0xec: {  	[tilespmem:s10], [sflag:$0x4] =	stream.indirect.gather [hbm4b:s7+s8], $0x20, s3, s8, $0xb8;
	[tilespmem:$0x6400] =	vst v63  }
0xed: {  	_ =	swait.ge [sflag:s20], $0x1000  }
0xee: {  	[sflag:s20] =	ssyncset.done $0x0  }
0xef: {  	s3 =	rddreg [dreg:$0x12];
	[sflag:s20] =	ssyncadd.s32 $0xFFFFF000  }
0xf0: {  	[spmem:s2] =	stream.indirect.scatter.add.f32 [tilespmem:s9], [sflag:$0x5], $0x20, s3, s8, $0xb8;
	[tilespmem:$0x6400] =	vst v63  }
0xf1: {  	_ =	swait.ge [sflag:s21], $0x1000  }
0xf2: {  	[sflag:s21] =	ssyncset.done $0x0  }
0xf3: {  	s3 =	rddreg [dreg:$0x13];
	[sflag:s21] =	ssyncadd.s32 $0xFFFFF000  }
0xf4: {  	[spmem:s2] =	stream.indirect.scatter.add.f32 [tilespmem:s13], [sflag:$0x6], $0x20, s3, s8, $0xb8;
	[tilespmem:$0x6400] =	vst v63  }
0xf5: {  	_ =	swait.ge [sflag:s22], $0x1000  }
0xf6: {  	[sflag:s22] =	ssyncset.done $0x0  }
0xf7: {  	s3 =	rddreg [dreg:$0x14];
	[sflag:s22] =	ssyncadd.s32 $0xFFFFF000  }
0xf8: {  	[spmem:s2] =	stream.indirect.scatter.add.f32 [tilespmem:s11], [sflag:$0x7], $0x20, s3, s8, $0xb8;
	[tilespmem:$0x6400] =	vst v63  }
0xf9: {  	_ =	swait.ge [sflag:s23], $0x1000  }
0xfa: {  	[sflag:s23] =	ssyncset.done $0x0  }
0xfb: {  	s3 =	rddreg [dreg:$0x15];
	[sflag:s23] =	ssyncadd.s32 $0xFFFFF000  }
0xfc: {  	[spmem:s2] =	stream.indirect.scatter.add.f32 [tilespmem:s10], [sflag:$0x8], $0x20, s3, s8, $0xb8;
	[tilespmem:$0x6400] =	vst v63  }
0xfd: {  	_ =	swait.ge [sflag:s12], $0x1000  }
0xfe: {  	[sflag:s12] =	ssyncset.done $0x0  }
0xff: {  	[sflag:s12] =	ssyncadd.s32 $0xFFFFF000  }
0x100: {  	_ =	swait.ge [sflag:s15], $0x1000  }
0x101: {  	[sflag:s15] =	ssyncset.done $0x0  }
0x102: {  	[sflag:s15] =	ssyncadd.s32 $0xFFFFF000  }
0x103: {  	_ =	swait.ge [sflag:s16], $0x1000  }
0x104: {  	[sflag:s16] =	ssyncset.done $0x0  }
0x105: {  	[sflag:s16] =	ssyncadd.s32 $0xFFFFF000  }
0x106: {  	_ =	swait.ge [sflag:s19], $0x1000  }
0x107: {  	[sflag:s19] =	ssyncset.done $0x0  }
0x108: {  	[sflag:s19] =	ssyncadd.s32 $0xFFFFF000  }
0x109: {  	_ =	swait.ge [sflag:s14], $0x800  }
0x10a: {  	[sflag:s14] =	ssyncset.done $0x0  }
0x10b: {  	[sflag:s14] =	ssyncadd.s32 $0xFFFFF800  }
0x10c: {  	_ =	swait.ge [sflag:s14], $0x800  }
0x10d: {  	[sflag:s14] =	ssyncset.done $0x0  }
0x10e: {  	[sflag:s14] =	ssyncadd.s32 $0xFFFFF800  }
0x10f: {  	_ =	swait.ge [sflag:s14], $0x800  }
0x110: {  	[sflag:s14] =	ssyncset.done $0x0  }
0x111: {  	[sflag:s14] =	ssyncadd.s32 $0xFFFFF800  }
0x112: {  	_ =	swait.ge [sflag:s14], $0x800  }
0x113: {  	[sflag:s14] =	ssyncset.done $0x0  }
0x114: {  	[sflag:s14] =	ssyncadd.s32 $0xFFFFF800  }
0x115: {  	[bflag:$0x0] =	sbarrier.arrive $0xFFFF  }
0x116: {  	s3 =	rddreg [dreg:$0xa]  }
0x117: {  	[hbm:s3], [sflag:s30] =	dma.local [spmem:s31], $0x100  }
0x118: {  	p1 =	sne.s32 s1, $0x1;
	_ =	swait.ge [sflag:s4], $0x100  }
.Ltmp2:
0x119: {  	[sflag:s4] =	ssyncset.done $0x0;
	(pc) =	sbr.rel @p1 .LBB2_3-.Ltmp2, $4  }
0x11a: {  	s3 =	rddreg [dreg:$0xb];
	[sflag:s4] =	ssyncadd.s32 $0xFFFFFF00  }
0x11b: {  	[hbm:s3], [sflag:s30] =	dma.local [spmem:s0], $0x80  }
0x11c: {  	_ =	swait.ge [sflag:s4], $0x80  }
0x11d: {  	s1 =	sadd.s32 $0xFFFFFFFF, s1;
	s3 =	rddreg [dreg:$0x5];
	[sflag:s4] =	ssyncset.done $0x0  }
0x11e: {  	s30 =	rddreg [dreg:$0x4];
	s31 =	stileid.u32  }
.LBB2_5:
0x11f: {  	[sflag:s4] =	ssyncadd.s32 @p0 $0xFFFFFF80  }
0x120: {  	[tilespmem:s9], [sflag:$0xA] =	stream.linear.gather [hbm4b:s3+s18], $0x1000, $0x38;
	[tilespmem:$0x6400] =	vst v63  }
0x121: {  	_ =	swait.ge [sflag:s4], $0x1000  }
0x122: {  	[sflag:s4] =	ssyncset.done $0x0  }
0x123: {  	s1 =	simm.s32 $0x5000;
	s0 =	rddreg [dreg:$0x6];
	[sflag:s4] =	ssyncadd.s32 $0xFFFFF000  }
0x124: {  	[tilespmem:s1], [sflag:$0xA] =	stream.linear.gather [hbm4b:s0+s18], $0x800, $0x38;
	[tilespmem:$0x6400] =	vst v63  }
0x125: {  	_ =	swait.ge [sflag:s4], $0x800  }
0x126: {  	[sflag:s4] =	ssyncset.done $0x0  }
0x127: {  	s28 =	rddreg [dreg:$0x7];
	[sflag:s4] =	ssyncadd.s32 $0xFFFFF800  }
0x128: {  	[tilespmem:s17], [sflag:$0xA] =	stream.linear.gather [hbm4b:s28+s18], $0x800, $0x38;
	[tilespmem:$0x6400] =	vst v63  }
0x129: {  	_ =	swait.ge [sflag:s4], $0x800  }
0x12a: {  	[sflag:s4] =	ssyncset.done $0x0  }
0x12b: {  	[sflag:s4] =	ssyncadd.s32 $0xFFFFF800  }
0x12c: {  	[spmem:s25] =	stream.linear.scatter [tilespmem:s9], [sflag:$0xA], $0x800, $0x38;
	[tilespmem:$0x6400] =	vst v63  }
0x12d: {  	_ =	swait.ge [sflag:s4], $0x800  }
0x12e: {  	[sflag:s4] =	ssyncset.done $0x0  }
0x12f: {  	[sflag:s4] =	ssyncadd.s32 $0xFFFFF800  }
0x130: {  	[spmem:s5] =	stream.linear.scatter [tilespmem:s1], [sflag:$0xA], $0x400, $0x38;
	[tilespmem:$0x6400] =	vst v63  }
0x131: {  	_ =	swait.ge [sflag:s4], $0x400  }
0x132: {  	[sflag:s4] =	ssyncset.done $0x0  }
0x133: {  	[sflag:s4] =	ssyncadd.s32 $0xFFFFFC00  }
0x134: {  	[bflag:$0x0] =	sbarrier.arrive $0xFFFF  }
0x135: {  	s29 =	rddreg [dreg:$0x8]  }
0x136: {  	[tilespmem:s18], [sflag:$0xA] =	stream.linear.gather [hbm4b:s29+s18], $0x400, $0x38;
	[tilespmem:$0x6400] =	vst v63  }
0x137: {  	_ =	swait.ge [sflag:s4], $0x400  }
0x138: {  	[sflag:s4] =	ssyncset.done $0x0  }
0x139: {  	s1 =	rddreg [dreg:$0x9];
	[sflag:s4] =	ssyncadd.s32 $0xFFFFFC00  }
0x13a: {  	[tilespmem:s24], [sflag:$0xA] =	stream.linear.gather [hbm4b:s1+s18], $0x400, $0x38;
	[tilespmem:$0x6400] =	vst v63  }
0x13b: {  	_ =	swait.ge [sflag:s4], $0x400  }
0x13c: {  	[sflag:s4] =	ssyncset.done $0x0  }
0x13d: {  	[sflag:s4] =	ssyncadd.s32 $0xFFFFFC00  }
0x13e: {  	[tilespmem:s9], [sflag:$0x1] =	stream.indirect.gather [hbm4b:s7+s8], $0x20, s18, s8, $0xb8;
	[tilespmem:$0x6400] =	vst v63  }
0x13f: {  	_ = 	snop  }
0x140: {  	[tilespmem:s13], [sflag:$0x2] =	stream.indirect.gather [hbm4b:s7+s8], $0x20, s8, s8, $0xb8;
	[tilespmem:$0x6400] =	vst v63  }
0x141: {  	s3 =	rddreg [dreg:$0xc]  }
0x142: {  	[tilespmem:s11], [sflag:$0x3] =	stream.indirect.gather [hbm4b:s7+s8], $0x20, s3, s8, $0xb8;
	[tilespmem:$0x6400] =	vst v63  }
0x143: {  	s18 =	rddreg [dreg:$0xd]  }
0x144: {  	[tilespmem:s10], [sflag:$0x4] =	stream.indirect.gather [hbm4b:s7+s8], $0x20, s18, s8, $0xb8;
	[tilespmem:$0x6400] =	vst v63  }
0x145: {  	_ =	swait.ge [sflag:s20], $0x1000  }
0x146: {  	[sflag:s20] =	ssyncset.done $0x0  }
0x147: {  	[sflag:s20] =	ssyncadd.s32 $0xFFFFF000  }
0x148: {  	[spmem:s2] =	stream.indirect.scatter.add.f32 [tilespmem:s9], [sflag:$0x5], $0x20, s24, s8, $0xb8;
	[tilespmem:$0x6400] =	vst v63  }
0x149: {  	_ = 	snop  }
0x14a: {  	[spmem:s6] =	stream.indirect.scatter.add.f32 [tilespmem:s17], [sflag:$0x9], $0x10, s24, s8, $0xb8;
	[tilespmem:$0x6400] =	vst v63  }
0x14b: {  	_ =	swait.ge [sflag:s12], $0x1000  }
0x14c: {  	[sflag:s12] =	ssyncset.done $0x0  }
0x14d: {  	s24 =	rddreg [dreg:$0xe];
	[sflag:s12] =	ssyncadd.s32 $0xFFFFF000  }
0x14e: {  	[tilespmem:s9], [sflag:$0x1] =	stream.indirect.gather [hbm4b:s7+s8], $0x20, s24, s8, $0xb8;
	[tilespmem:$0x6400] =	vst v63  }
0x14f: {  	_ =	swait.ge [sflag:s21], $0x1000  }
0x150: {  	[sflag:s21] =	ssyncset.done $0x0  }
0x151: {  	s28 =	simm.s32 $0x480;
	[sflag:s21] =	ssyncadd.s32 $0xFFFFF000  }
0x152: {  	[spmem:s2] =	stream.indirect.scatter.add.f32 [tilespmem:s13], [sflag:$0x6], $0x20, s28, s8, $0xb8;
	[tilespmem:$0x6400] =	vst v63  }
0x153: {  	_ = 	snop  }
0x154: {  	[spmem:s6] =	stream.indirect.scatter.add.f32 [tilespmem:s17], [sflag:$0x9], $0x10, s28, s8, $0xb8;
	[tilespmem:$0x6400] =	vst v63  }
0x155: {  	_ =	swait.ge [sflag:s15], $0x1000  }
0x156: {  	[sflag:s15] =	ssyncset.done $0x0  }
0x157: {  	s29 =	rddreg [dreg:$0xf];
	[sflag:s15] =	ssyncadd.s32 $0xFFFFF000  }
0x158: {  	[tilespmem:s13], [sflag:$0x2] =	stream.indirect.gather [hbm4b:s7+s8], $0x20, s29, s8, $0xb8;
	[tilespmem:$0x6400] =	vst v63  }
0x159: {  	_ =	swait.ge [sflag:s22], $0x1000  }
0x15a: {  	[sflag:s22] =	ssyncset.done $0x0  }
0x15b: {  	s1 =	simm.s32 $0x500;
	[sflag:s22] =	ssyncadd.s32 $0xFFFFF000  }
0x15c: {  	[spmem:s2] =	stream.indirect.scatter.add.f32 [tilespmem:s11], [sflag:$0x7], $0x20, s1, s8, $0xb8;
	[tilespmem:$0x6400] =	vst v63  }
0x15d: {  	_ = 	snop  }
0x15e: {  	[spmem:s6] =	stream.indirect.scatter.add.f32 [tilespmem:s17], [sflag:$0x9], $0x10, s1, s8, $0xb8;
	[tilespmem:$0x6400] =	vst v63  }
0x15f: {  	_ =	swait.ge [sflag:s16], $0x1000  }
0x160: {  	[sflag:s16] =	ssyncset.done $0x0  }
0x161: {  	s3 =	rddreg [dreg:$0x10];
	[sflag:s16] =	ssyncadd.s32 $0xFFFFF000  }
0x162: {  	[tilespmem:s11], [sflag:$0x3] =	stream.indirect.gather [hbm4b:s7+s8], $0x20, s3, s8, $0xb8;
	[tilespmem:$0x6400] =	vst v63  }
0x163: {  	_ =	swait.ge [sflag:s23], $0x1000  }
0x164: {  	[sflag:s23] =	ssyncset.done $0x0  }
0x165: {  	[sflag:s23] =	ssyncadd.s32 $0xFFFFF000  }
0x166: {  	[spmem:s2] =	stream.indirect.scatter.add.f32 [tilespmem:s10], [sflag:$0x8], $0x20, s26, s8, $0xb8;
	[tilespmem:$0x6400] =	vst v63  }
0x167: {  	_ = 	snop  }
0x168: {  	[spmem:s6] =	stream.indirect.scatter.add.f32 [tilespmem:s17], [sflag:$0x9], $0x10, s26, s8, $0xb8;
	[tilespmem:$0x6400] =	vst v63  }
0x169: {  	_ =	swait.ge [sflag:s19], $0x1000  }
0x16a: {  	[sflag:s19] =	ssyncset.done $0x0  }
0x16b: {  	s17 =	rddreg [dreg:$0x11];
	[sflag:s19] =	ssyncadd.s32 $0xFFFFF000  }
0x16c: {  	[tilespmem:s10], [sflag:$0x4] =	stream.indirect.gather [hbm4b:s7+s8], $0x20, s17, s8, $0xb8;
	[tilespmem:$0x6400] =	vst v63  }
0x16d: {  	_ =	swait.ge [sflag:s20], $0x1000  }
0x16e: {  	[sflag:s20] =	ssyncset.done $0x0  }
0x16f: {  	s18 =	rddreg [dreg:$0x12];
	[sflag:s20] =	ssyncadd.s32 $0xFFFFF000  }
0x170: {  	[spmem:s2] =	stream.indirect.scatter.add.f32 [tilespmem:s9], [sflag:$0x5], $0x20, s18, s8, $0xb8;
	[tilespmem:$0x6400] =	vst v63  }
0x171: {  	_ =	swait.ge [sflag:s21], $0x1000  }
0x172: {  	[sflag:s21] =	ssyncset.done $0x0  }
0x173: {  	s20 =	rddreg [dreg:$0x13];
	[sflag:s21] =	ssyncadd.s32 $0xFFFFF000  }
0x174: {  	[spmem:s2] =	stream.indirect.scatter.add.f32 [tilespmem:s13], [sflag:$0x6], $0x20, s20, s8, $0xb8;
	[tilespmem:$0x6400] =	vst v63  }
0x175: {  	_ =	swait.ge [sflag:s22], $0x1000  }
0x176: {  	[sflag:s22] =	ssyncset.done $0x0  }
0x177: {  	s21 =	rddreg [dreg:$0x14];
	[sflag:s22] =	ssyncadd.s32 $0xFFFFF000  }
0x178: {  	[spmem:s2] =	stream.indirect.scatter.add.f32 [tilespmem:s11], [sflag:$0x7], $0x20, s21, s8, $0xb8;
	[tilespmem:$0x6400] =	vst v63  }
0x179: {  	_ =	swait.ge [sflag:s23], $0x1000  }
0x17a: {  	[sflag:s23] =	ssyncset.done $0x0  }
0x17b: {  	s22 =	rddreg [dreg:$0x15];
	[sflag:s23] =	ssyncadd.s32 $0xFFFFF000  }
0x17c: {  	[spmem:s2] =	stream.indirect.scatter.add.f32 [tilespmem:s10], [sflag:$0x8], $0x20, s22, s8, $0xb8;
	[tilespmem:$0x6400] =	vst v63  }
0x17d: {  	_ =	swait.ge [sflag:s12], $0x1000  }
0x17e: {  	[sflag:s12] =	ssyncset.done $0x0  }
0x17f: {  	[sflag:s12] =	ssyncadd.s32 $0xFFFFF000  }
0x180: {  	_ =	swait.ge [sflag:s15], $0x1000  }
0x181: {  	[sflag:s15] =	ssyncset.done $0x0  }
0x182: {  	[sflag:s15] =	ssyncadd.s32 $0xFFFFF000  }
0x183: {  	_ =	swait.ge [sflag:s16], $0x1000  }
0x184: {  	[sflag:s16] =	ssyncset.done $0x0  }
0x185: {  	[sflag:s16] =	ssyncadd.s32 $0xFFFFF000  }
0x186: {  	_ =	swait.ge [sflag:s19], $0x1000  }
0x187: {  	[sflag:s19] =	ssyncset.done $0x0  }
0x188: {  	[sflag:s19] =	ssyncadd.s32 $0xFFFFF000  }
0x189: {  	_ =	swait.ge [sflag:s14], $0x800  }
0x18a: {  	[sflag:s14] =	ssyncset.done $0x0  }
0x18b: {  	[sflag:s14] =	ssyncadd.s32 $0xFFFFF800  }
0x18c: {  	_ =	swait.ge [sflag:s14], $0x800  }
0x18d: {  	[sflag:s14] =	ssyncset.done $0x0  }
0x18e: {  	[sflag:s14] =	ssyncadd.s32 $0xFFFFF800  }
0x18f: {  	_ =	swait.ge [sflag:s14], $0x800  }
0x190: {  	[sflag:s14] =	ssyncset.done $0x0  }
0x191: {  	[sflag:s14] =	ssyncadd.s32 $0xFFFFF800  }
0x192: {  	_ =	swait.ge [sflag:s14], $0x800  }
0x193: {  	[sflag:s14] =	ssyncset.done $0x0  }
0x194: {  	[sflag:s14] =	ssyncadd.s32 $0xFFFFF800  }
0x195: {  	s24 =	sshll.u32 s31, $0x6;
	[bflag:$0x0] =	sbarrier.arrive $0xFFFF  }
0x196: {  	s1 =	sor.u32 $0x1C0A, s24;
	s26 =	sshrl.u32 s25, $0x3;
	s23 =	rddreg [dreg:$0xa]  }
0x197: {  	[hbm:s23], [sflag:s1] =	dma.local [spmem:s26], $0x100  }
0x198: {  	_ =	swait.ge [sflag:s4], $0x100  }
0x199: {  	[sflag:s4] =	ssyncset.done $0x0  }
0x19a: {  	s29 =	sshrl.u32 s5, $0x3;
	s28 =	rddreg [dreg:$0xb];
	[sflag:s4] =	ssyncadd.s32 $0xFFFFFF00  }
0x19b: {  	[hbm:s28], [sflag:s1] =	dma.local [spmem:s29], $0x80  }
0x19c: {  	_ =	swait.ge [sflag:s4], $0x80  }
0x19d: {  	[sflag:s4] =	ssyncset.done $0x0  }
0x19e: {  	[sflag:s4] =	ssyncadd.s32 $0xFFFFFF80  }
0x19f: {  	_ =	sfence.sel $0x180000  }
0x1a0: {  	[bflag:$0x0] =	sbarrier.arrive $0xFFFF  }
0x1a1: {  	p0 =	sne.s32 s31, $0x0;
	_ =	strace $0x9000004A  }
0x1a2: {  	s0 =	sadd.s32 @!p0 $0x100000, s30;
	[bflag:$0x2] =	sbarrier.arrive $0xFFFF  }
0x1a3: {  	[sflag:s0] =	ssyncadd.tile.s32 @!p0 $0x1;
	_ =	shalt  }
.LBB2_2:
.Ltmp3:
0x1a4: {  	(pc) =	sbr.rel .LBB2_5-.Ltmp3, $2  }
0x1a5: {  	_ =	sdelay $0x2  }
0x1a6: {  	s30 =	rddreg [dreg:$0x4];
	s31 =	stileid.u32  }
.Lfunc_end2:
_tile_overlayer_lowered:
.L_overlay_start_2:
0x1a7: {  	(tag) =	ssettag $0x2  }
0x1a8: {  	s0 =	rddreg [dreg:$0x0];
	s2 =	stileid.u32  }
0x1a9: {  	s1 =	rddreg [dreg:$0x1];
	p0 =	sne.s32 s2, $0x0  }
0x1aa: {  	s3 =	rddreg [dreg:$0x2];
	[bflag:$0x3] =	sbarrier.arrive $0xFFFF;
	s2 =	simm.s32 @!p0 $0x1C0A  }
0x1ab: {  	[timem:s3], [sflag:s2] =	dma.local @!p0 [hbm:s0], s1  }
0x1ac: {  	s0 =	simm.s32 @!p0 $0xA  }
0x1ad: {  	_ =	swait.ge @!p0 [sflag:s0], s1  }
0x1ae: {  	s1 =	ssub.s32 @!p0 $0x0, s1;
	[sflag:s0] =	ssyncset.done @!p0 $0x0  }
0x1af: {  	[sflag:s0] =	ssyncadd.s32 @!p0 s1  }
0x1b0: {  	[bflag:$0x3] =	sbarrier.arrive $0xFFFF  }
0x1b1: {  	_ =	shalt  }

// kernel: kernel.7.cloned.1.call-start
scs
__scs_entry_jumppad:
0x0: {  	(pc) =	sbr.rel $0x88, $3  }
0x1: {  	(tag) =	ssettag $0x0;
	lr =	simm.s32 $0x1  }
0x2: {  	[smem:$0x3F98] =	sst lr;
	_ =	strace $0xD0000000  }
0x3: {  	_ = 	snop  }
0x4: {  	_ = 	snop  }
0x5: {  	_ = 	snop  }
0x6: {  	_ = 	snop  }
0x7: {  	_ = 	snop  }
__scs_overlays_trampoline_lowered:
0x8: {  	[smem:$0x3FA7] =	sst s0  }
0x9: {  	[smem:$0x3FA8] =	sst s1  }
0xa: {  	[smem:$0x3FA9] =	sst s2  }
0xb: {  	[smem:$0x3FAA] =	sst s3  }
0xc: {  	[smem:$0x3FAB] =	sst s4  }
0xd: {  	[smem:$0x3FAC] =	sst s5  }
0xe: {  	[smem:$0x3FAD] =	sst s6  }
0xf: {  	[smem:$0x3FAE] =	sst s7  }
0x10: {  	[smem:$0x3FAF] =	sst s8  }
0x11: {  	[smem:$0x3FB0] =	sst s9;
	s0 =	simm.s32 @!p0 $0x0  }
0x12: {  	s1 =	sld [smem:$0x3F96];
	s0 =	simm.s32 @p0 $0x1  }
0x13: {  	[smem:$0x3FB1] =	sst s0;
	s0 =	simm.s32 @!p1 $0x0  }
0x14: {  	s2 =	sld [smem:$0x3F95];
	s0 =	simm.s32 @p1 $0x1  }
0x15: {  	[smem:$0x3FB2] =	sst s0;
	s0 =	simm.s32 @!p2 $0x0  }
0x16: {  	s3 =	sld [smem:$0x3FDB];
	s0 =	simm.s32 @p2 $0x1  }
0x17: {  	s4 =	simm.s32 $0x1BF5;
	[smem:$0x3FB4] =	sst s0  }
0x18: {  	s0 =	sld [smem:$0x3F97];
	_ =	swait.ge [sflag:s4], $0x0  }
0x19: {  	s7 =	sld [smem:$0x3F98]  }
0x1a: {  	s8 =	sadd.s32 $0xFFFFE003, lr  }
0x1b: {  	s9 =	sadd.s32 $0xFFFFFEF7, lr;
	s5 =	simm.s32 $0xFFFFFFFF;
	p2 =	slt.u32 s8, $0xFFFFF086  }
0x1c: {  	p1 =	slt.u32 s9, $0xF7A;
	s5 =	simm.s32 @!p2 $0x0  }
0x1d: {  	s5 =	simm.s32 @p1 $0x1;
	p0 =	seq.s32 s7, s2  }
0x1e: {  	s7 =	smul.u32 @!p0 $0xF7A, s2;
	p2 =	seq.s32 @!p0 s5, $0x0  }
0x1f: {  	s9 =	smul.u32 $0xF7A, s1;
	s8 =	simm.s32 @!p0 $0x1BF5;
	p2 =	por !p2, p0  }
0x20: {  	[sflag:s8] =	ssyncset.s32 @!p0 $0xFFFFF086;
	s6 =	sadd.s32 @!p0 s3, s7;
	s7 =	simm.s32 @!p0 $0x108  }
0x21: {  	s3 =	sadd.s32 s3, s9;
	s6 =	sadd.s32 @!p0 $0x88, s6;
	s7 =	simm.s32 @p2 $0x1082  }
0x22: {  	[simem:s7], [sflag:s8] =	dma.local @!p0 [hbm:s6], $0xF7A  }
0x23: {  	s9 =	sor.u32 $0xD0000000, s2;
	s6 =	simm.s32 $0x108;
	_ =	swait.ge @!p0 [sflag:s8], $0x0  }
0x24: {  	s3 =	sadd.s32 $0x88, s3;
	s6 =	simm.s32 @!p1 $0x1082;
	[sflag:s4] =	ssyncset.s32 $0xFFFFF086  }
0x25: {  	[simem:s6], [sflag:s4] =	dma.local [hbm:s3], $0xF7A  }
0x26: {  	[smem:$0x3F98] =	sst s1;
	(tag) =	ssettag s2;
	_ =	strace s9  }
0x27: {  	s1 =	sld [smem:$0x3FA8]  }
0x28: {  	s2 =	sld [smem:$0x3FA9]  }
0x29: {  	s4 =	sld [smem:$0x3FAB]  }
0x2a: {  	p0 =	seq.s32 s5, $0x0;
	s5 =	sld [smem:$0x3FAC]  }
0x2b: {  	s6 =	sld [smem:$0x3FAD]  }
0x2c: {  	s7 =	sld [smem:$0x3FAE]  }
0x2d: {  	s3 =	simm.s32 $0x108;
	s8 =	sld [smem:$0x3FAF]  }
0x2e: {  	s3 =	simm.s32 @!p0 $0x1082;
	s9 =	sld [smem:$0x3FB0]  }
0x2f: {  	lr =	sadd.s32 s0, s3;
	s0 =	sld [smem:$0x3FA7]  }
0x30: {  	s3 =	sld [smem:$0x3FAA]  }
0x31: {  	[smem:$0x3FB3] =	sst s10  }
0x32: {  	s10 =	sld [smem:$0x3FB1];
	_ =	sdelay $0x3  }
0x33: {  	p0 =	seq.s32 s10, $0x1;
	s10 =	sld [smem:$0x3FB3];
	_ =	sdelay $0x3  }
0x34: {  	[smem:$0x3FB3] =	sst s10  }
0x35: {  	s10 =	sld [smem:$0x3FB2];
	_ =	sdelay $0x3  }
0x36: {  	p1 =	seq.s32 s10, $0x1;
	s10 =	sld [smem:$0x3FB3];
	_ =	sdelay $0x3  }
0x37: {  	[smem:$0x3FB3] =	sst s10  }
0x38: {  	s10 =	sld [smem:$0x3FB4]  }
0x39: {  	_ = 	snop;
	(pc) =	sbr.ind lr, $3  }
0x3a: {  	_ = 	snop  }
0x3b: {  	_ = 	snop  }
0x3c: {  	p2 =	seq.s32 s10, $0x1;
	s10 =	sld [smem:$0x3FB3]  }
0x3d: {  	_ =	shalt  }
0x3e: {  	_ =	shalt  }
0x3f: {  	_ =	shalt  }
0x40: {  	_ =	shalt  }
0x41: {  	_ =	shalt  }
0x42: {  	_ =	shalt  }
0x43: {  	_ =	shalt  }
0x44: {  	_ =	shalt  }
0x45: {  	_ =	shalt  }
0x46: {  	_ =	shalt  }
0x47: {  	_ =	shalt  }
0x48: {  	_ =	shalt  }
0x49: {  	_ =	shalt  }
0x4a: {  	_ =	shalt  }
0x4b: {  	_ =	shalt  }
0x4c: {  	_ =	shalt  }
0x4d: {  	_ =	shalt  }
0x4e: {  	_ =	shalt  }
0x4f: {  	_ =	shalt  }
0x50: {  	_ =	shalt  }
0x51: {  	_ =	shalt  }
0x52: {  	_ =	shalt  }
0x53: {  	_ =	shalt  }
0x54: {  	_ =	shalt  }
0x55: {  	_ =	shalt  }
0x56: {  	_ =	shalt  }
0x57: {  	_ =	shalt  }
0x58: {  	_ =	shalt  }
0x59: {  	_ =	shalt  }
0x5a: {  	_ =	shalt  }
0x5b: {  	_ =	shalt  }
0x5c: {  	_ =	shalt  }
0x5d: {  	_ =	shalt  }
0x5e: {  	_ =	shalt  }
0x5f: {  	_ =	shalt  }
0x60: {  	_ =	shalt  }
0x61: {  	_ =	shalt  }
0x62: {  	_ =	shalt  }
0x63: {  	_ =	shalt  }
0x64: {  	_ =	shalt  }
0x65: {  	_ =	shalt  }
0x66: {  	_ =	shalt  }
0x67: {  	_ =	shalt  }
0x68: {  	_ =	shalt  }
0x69: {  	_ =	shalt  }
0x6a: {  	_ =	shalt  }
0x6b: {  	_ =	shalt  }
0x6c: {  	_ =	shalt  }
0x6d: {  	_ =	shalt  }
0x6e: {  	_ =	shalt  }
0x6f: {  	_ =	shalt  }
0x70: {  	_ =	shalt  }
0x71: {  	_ =	shalt  }
0x72: {  	_ =	shalt  }
0x73: {  	_ =	shalt  }
0x74: {  	_ =	shalt  }
0x75: {  	_ =	shalt  }
0x76: {  	_ =	shalt  }
0x77: {  	_ =	shalt  }
0x78: {  	_ =	shalt  }
0x79: {  	_ =	shalt  }
0x7a: {  	_ =	shalt  }
0x7b: {  	_ =	shalt  }
0x7c: {  	_ =	shalt  }
0x7d: {  	_ =	shalt  }
0x7e: {  	_ =	shalt  }
0x7f: {  	_ =	shalt  }
0x80: {  	_ =	shalt  }
0x81: {  	_ =	shalt  }
0x82: {  	_ =	shalt  }
0x83: {  	_ =	shalt  }
0x84: {  	_ =	shalt  }
0x85: {  	_ =	shalt  }
0x86: {  	_ =	shalt  }
0x87: {  	_ =	shalt  }
.Lfunc_end0:
.L_simem_size_0:
called_computation_lowered:
.L_overlay_start_0:
0x88: {  	s2 =	sld [smem:$0x3FD9]  }
0x89: {  	s3 =	sld [smem:$0x3FFE];
	_ =	sdelay $0x1  }
0x8a: {  	s1 =	srdreg.scid  }
0x8b: {  	s0 =	sand.u32 $0x1, s1  }
0x8c: {  	s17 =	sshll.u32 s0, $0xA;
	s2 =	sadd.s32 s3, s2  }
0x8d: {  	s2 =	sadd.s32 s2, s17  }
0x8e: {  	[smem:$0x3FBF] =	sst s2  }
0x8f: {  	_ = 	snop  }
0x90: {  	s2 =	sld [smem:$0x3FD0];
	(tm) =	ssettm $0x1  }
0x91: {  	s18 =	sld [smem:$0x3FFB];
	_ =	sdelay $0x3  }
0x92: {  	_ =	strace s18  }
0x93: {  	s3 =	sld [smem:$0x3FFC];
	_ =	sdelay $0x3  }
0x94: {  	_ =	strace s3  }
0x95: {  	s3 =	sld [smem:$0x3FFD];
	_ =	sdelay $0x3  }
0x96: {  	_ =	strace s3  }
0x97: {  	_ =	strace $0x8FFFFFFF  }
0x98: {  	s19 =	sld [smem:$0x3FDB];
	_ =	sdelay $0x1  }
0x99: {  	s4 =	simm.s32 $_scs_section_size  }
0x9a: {  	s5 =	simm.s32 $_size__tile_overlayer_lowered;
	s6 =	simm.s32 $_tile_overlayer_lowered  }
0x9b: {  	s22 =	simm.s32 $0x1BFF;
	s21 =	sshll.u32 s6, $0x1;
	s3 =	sadd.s32 s4, s19  }
0x9c: {  	s7 =	simm.s32 $0x0;
	s20 =	sshll.u32 s5, $0x1;
	s5 =	sadd.s32 s21, s3  }
0x9d: {  	[timem:s7], [sflag:s22] =	dma.local [hbm:s5], s20  }
0x9e: {  	_ =	swait.ge [sflag:s22], s20  }
0x9f: {  	s4 =	ssub.s32 $0x0, s20;
	[sflag:s22] =	ssyncset.done $0x0  }
0xa0: {  	[sflag:s22] =	ssyncadd.s32 s4;
	_ =	sdelay $0x1  }
0xa1: {  	s23 =	simm.s32 $0x1B8B  }
0xa2: {  	_ =	swait.ge [sflag:s23], $0x1  }
0xa3: {  	[sflag:s23] =	ssyncset.done $0x0  }
0xa4: {  	s25 =	simm.s32 $0x1B8E;
	s24 =	sld [smem:$0x3FFE];
	[sflag:s23] =	ssyncadd.s32 $0xFFFFFFFF  }
0xa5: {  	s26 =	simm.s32 $execute0_lowered;
	[smem:$0x3FD2] =	sst s25  }
0xa6: {  	s5 =	sshll.u32 s26, $0x1;
	_ =	strace $0x80000046;
	[dreg:$0x1] =	wrdreg $0xFFFFFFFF  }
0xa7: {  	s28 =	simm.s32 $_size_execute0_lowered;
	s3 =	sadd.s32 s3, s5;
	[dreg:$0x0] =	wrdreg $0x0  }
0xa8: {  	s5 =	sshll.u32 s28, $0x1;
	[dreg:$0x2] =	wrdreg s3  }
0xa9: {  	[dreg:$0x3] =	wrdreg s5  }
0xaa: {  	[dreg:$0x4] =	wrdreg $0xC0  }
0xab: {  	_ =	task [dreg:s7], $0x5FFFF  }
0xac: {  	[dreg:$0x1] =	wrdreg $0xFFFFFFFF  }
0xad: {  	[dreg:$0x0] =	wrdreg $0x60  }
0xae: {  	[dreg:$0x2] =	wrdreg s24  }
0xaf: {  	[dreg:$0x3] =	wrdreg s2  }
0xb0: {  	[dreg:$0x4] =	wrdreg $0xE0000  }
0xb1: {  	[dreg:$0x5] =	wrdreg $0x180000  }
0xb2: {  	[dreg:$0x6] =	wrdreg $0x9  }
0xb3: {  	_ =	task.clear_ibuf [dreg:s7], $0x7FFFF;
	_ =	strace $0x90000046  }
0xb4: {  	s29 =	simm.s32 $0x9;
	_ =	strace $0x80000048  }
0xb5: {  	_ =	swait.ge [sflag:s29], $0x1  }
0xb6: {  	[sflag:s29] =	ssyncadd.s32 $0xFFFFFFFF  }
0xb7: {  	_ =	strace $0x90000048  }
0xb8: {  	_ =	sfence  }
0xb9: {  	s30 =	sld [smem:$0x0];
	_ =	sdelay $0x2  }
0xba: {  	s31 =	sshll.u32 s1, $0xD;
	s1 =	sshrl.u32 s1, $0x2  }
0xbb: {  	s3 =	sand.u32 $0x4000, s31;
	s1 =	sadd.s32 s1, s30  }
0xbc: {  	s0 =	sor.u32 s3, s0;
	s1 =	sshll.u32 s1, $0x11  }
0xbd: {  	s0 =	sor.u32 s1, s0  }
0xbe: {  	s0 =	sadd.s32 $0x8F2B, s0  }
0xbf: {  	[sflag:s0] =	ssyncadd.remote.s32 $0x1  }
0xc0: {  	_ =	sfence.sel $0xFFFF  }
0xc1: {  	[dreg:$0x0] =	wrdreg $0xFFFFFFFF;
	(pc) =	sbr.abs _section_cstart, $3  }
0xc2: {  	[dreg:$0x1] =	wrdreg $0xFFFFFFFF  }
0xc3: {  	_ =	task.clear_ibuf [dreg:s7], $0x2FFFF;
	_ =	strace $0x9FFFFFFF  }
0xc4: {  	(tm) =	ssettm $0x7FFFFFFF  }
0xc5: {  	_ =	shalt  }
tec
execute0_lowered:
.L_overlay_start_1:
0x0: {  	(tag) =	ssettag $0x1  }
0x1: {  	s0 =	rddreg [dreg:$0x0]  }
0x2: {  	s3 =	rddreg [dreg:$0x2];
	s1 =	srdreg.scid  }
0x3: {  	s10 =	stileid.u32;
	s4 =	rddreg [dreg:$0x3];
	s5 =	simm.s32 $0x0  }
0x4: {  	s28 =	simm.s32 $0xD000;
	s29 =	simm.s32 $0x2800;
	s30 =	simm.s32 $0x80  }
0x5: {  	s31 =	simm.s32 $0x7000;
	s1 =	sand.u32 $0x1, s1;
	s2 =	smul.u32 $0xA000, s10  }
0x6: {  	[smem:$0x7FF] =	sst s5;
	s8 =	smul.u32 $0x2800, s10;
	s6 =	sadd.s32 $0x17400, s0  }
0x7: {  	s11 =	sadd.s32 $0xDAC00, s0;
	s25 =	sadd.s32 $0xDAA00, s0;
	s26 =	smul.u32 $0x280, s10  }
0x8: {  	s7 =	smul.u32 $0xA0000, s1;
	_ =	strace $0x80000047;
	[dreg:$0x5] =	wrdreg s11  }
0x9: {  	s9 =	smul.u32 $0x28000, s1;
	[dreg:$0x6] =	wrdreg s25;
	s1 =	ssub.s32 $0x2, s1  }
0xa: {  	s11 =	simm.s32 $0x6;
	s13 =	sshrl.u32 s1, $0x1;
	s14 =	sadd.s32 $0x80, s26  }
0xb: {  	s10 =	sadd.s32 s8, s4;
	s16 =	sadd.s32 $0x100, s26;
	s12 =	sadd.s32 $0x180, s26  }
0xc: {  	s20 =	sadd.s32 $0x200, s26;
	s7 =	sadd.s32 s2, s7;
	s9 =	sadd.s32 s8, s9  }
0xd: {  	s1 =	ssub.s32 s1, s13;
	s15 =	sshll.u32 s14, $0x6;
	s17 =	sshll.u32 s16, $0x6  }
0xe: {  	s18 =	sshll.u32 s12, $0x6;
	s19 =	sshll.u32 s12, $0x4;
	s21 =	sshll.u32 s20, $0x6  }
0xf: {  	s12 =	simm.s32 $0x3;
	s7 =	sshrl.u32 s7, $0x3;
	s9 =	sshrl.u32 s9, $0x3  }
0x10: {  	s8 =	sadd.s32 s15, s3;
	s26 =	smax.u32 s1, $0x1;
	s1 =	simm.s32 $0x9000  }
0x11: {  	s15 =	simm.s32 $0x4;
	s7 =	sadd.s32 s7, s0;
	s0 =	sadd.s32 s9, s0  }
0x12: {  	s9 =	sadd.s32 s2, s3;
	s2 =	sshll.u32 s14, $0x4;
	[dreg:$0x7] =	wrdreg s8  }
0x13: {  	s8 =	sadd.s32 s17, s3;
	[dreg:$0x13] =	wrdreg s26;
	s26 =	simm.s32 $0xD800  }
0x14: {  	s14 =	simm.s32 $0x7;
	s2 =	sadd.s32 s2, s4;
	[dreg:$0x9] =	wrdreg s8  }
0x15: {  	s17 =	simm.s32 $0x8;
	s23 =	sadd.s32 $0x3400, s0;
	[dreg:$0x8] =	wrdreg s2  }
0x16: {  	s8 =	sshll.u32 s20, $0x4;
	s24 =	sadd.s32 $0xD400, s0;
	[dreg:$0xf] =	wrdreg s23  }
0x17: {  	s25 =	sadd.s32 $0xE4E00, s7;
	s0 =	sadd.s32 $0xDAE00, s0;
	[dreg:$0x10] =	wrdreg s24  }
0x18: {  	s7 =	simm.s32 $0x2;
	s20 =	simm.s32 $0x0;
	[dreg:$0x11] =	wrdreg s25  }
0x19: {  	s2 =	sshll.u32 s16, $0x4;
	s22 =	sadd.s32 s8, s4;
	[dreg:$0x12] =	wrdreg s0  }
0x1a: {  	s24 =	simm.s32 $0x5000;
	s2 =	sadd.s32 s2, s4;
	[dreg:$0xe] =	wrdreg s22  }
0x1b: {  	s25 =	simm.s32 $0xA;
	[dreg:$0xa] =	wrdreg s2;
	s2 =	sadd.s32 s18, s3  }
0x1c: {  	s0 =	simm.s32 $0x5;
	[dreg:$0xb] =	wrdreg s2;
	s2 =	sadd.s32 s19, s4  }
0x1d: {  	s18 =	simm.s32 $0x1;
	[dreg:$0xc] =	wrdreg s2;
	s2 =	sadd.s32 s21, s3  }
0x1e: {  	s19 =	simm.s32 $0x9;
	[dreg:$0xd] =	wrdreg s2;
	s2 =	simm.s32 $0xB000  }
.LBB2_1:
0x1f: {  	s8 =	rddreg [dreg:$0x1]  }
0x20: {  	[tilespmem:s24], [sflag:$0xA] =	stream.linear.gather [hbm4b:s8+s5], $0x2000, $0x38;
	[tilespmem:$0x1A800] =	vst v63  }
0x21: {  	_ =	swait.ge [sflag:s25], $0x2000  }
0x22: {  	[sflag:s25] =	ssyncset.done $0x0  }
0x23: {  	s23 =	rddreg [dreg:$0x5];
	[sflag:s25] =	ssyncadd.s32 $0xFFFFE000  }
0x24: {  	[tilespmem:s26], [sflag:$0xA] =	stream.linear.gather [hbm4b:s23+s5], $0x800, $0x38;
	[tilespmem:$0x1A800] =	vst v63  }
0x25: {  	_ =	swait.ge [sflag:s25], $0x800  }
0x26: {  	[sflag:s25] =	ssyncset.done $0x0  }
0x27: {  	s13 =	rddreg [dreg:$0x6];
	[sflag:s25] =	ssyncadd.s32 $0xFFFFF800  }
0x28: {  	[tilespmem:s28], [sflag:$0xA] =	stream.linear.gather [hbm4b:s13+s5], $0x800, $0x38;
	[tilespmem:$0x1A800] =	vst v63  }
0x29: {  	_ =	swait.ge [sflag:s25], $0x800  }
0x2a: {  	[sflag:s25] =	ssyncset.done $0x0  }
0x2b: {  	[sflag:s25] =	ssyncadd.s32 $0xFFFFF800  }
0x2c: {  	[spmem:s9] =	stream.linear.scatter [tilespmem:s24], [sflag:$0xA], $0x2000, $0x38;
	[tilespmem:$0x1A800] =	vst v63  }
0x2d: {  	_ =	swait.ge [sflag:s25], $0x2000  }
0x2e: {  	[sflag:s25] =	ssyncset.done $0x0  }
0x2f: {  	[sflag:s25] =	ssyncadd.s32 $0xFFFFE000  }
0x30: {  	[spmem:s10] =	stream.linear.scatter [tilespmem:s26], [sflag:$0xA], $0x800, $0x38;
	[tilespmem:$0x1A800] =	vst v63  }
0x31: {  	_ =	swait.ge [sflag:s25], $0x800  }
0x32: {  	[sflag:s25] =	ssyncset.done $0x0  }
0x33: {  	s16 =	rddreg [dreg:$0x7];
	[sflag:s25] =	ssyncadd.s32 $0xFFFFF800  }
0x34: {  	[spmem:s16] =	stream.linear.scatter [tilespmem:s24], [sflag:$0xA], $0x2000, $0x38;
	[tilespmem:$0x1A800] =	vst v63  }
0x35: {  	_ =	swait.ge [sflag:s25], $0x2000  }
0x36: {  	[sflag:s25] =	ssyncset.done $0x0  }
0x37: {  	s21 =	rddreg [dreg:$0x8];
	[sflag:s25] =	ssyncadd.s32 $0xFFFFE000  }
0x38: {  	[spmem:s21] =	stream.linear.scatter [tilespmem:s26], [sflag:$0xA], $0x800, $0x38;
	[tilespmem:$0x1A800] =	vst v63  }
0x39: {  	_ =	swait.ge [sflag:s25], $0x800  }
0x3a: {  	[sflag:s25] =	ssyncset.done $0x0  }
0x3b: {  	s22 =	rddreg [dreg:$0x9];
	[sflag:s25] =	ssyncadd.s32 $0xFFFFF800  }
0x3c: {  	[spmem:s22] =	stream.linear.scatter [tilespmem:s24], [sflag:$0xA], $0x2000, $0x38;
	[tilespmem:$0x1A800] =	vst v63  }
0x3d: {  	_ =	swait.ge [sflag:s25], $0x2000  }
0x3e: {  	[sflag:s25] =	ssyncset.done $0x0  }
0x3f: {  	s23 =	rddreg [dreg:$0xa];
	[sflag:s25] =	ssyncadd.s32 $0xFFFFE000  }
0x40: {  	[spmem:s23] =	stream.linear.scatter [tilespmem:s26], [sflag:$0xA], $0x800, $0x38;
	[tilespmem:$0x1A800] =	vst v63  }
0x41: {  	_ =	swait.ge [sflag:s25], $0x800  }
0x42: {  	[sflag:s25] =	ssyncset.done $0x0  }
0x43: {  	s13 =	rddreg [dreg:$0xb];
	[sflag:s25] =	ssyncadd.s32 $0xFFFFF800  }
0x44: {  	[spmem:s13] =	stream.linear.scatter [tilespmem:s24], [sflag:$0xA], $0x2000, $0x38;
	[tilespmem:$0x1A800] =	vst v63  }
0x45: {  	_ =	swait.ge [sflag:s25], $0x2000  }
0x46: {  	[sflag:s25] =	ssyncset.done $0x0  }
0x47: {  	s16 =	rddreg [dreg:$0xc];
	[sflag:s25] =	ssyncadd.s32 $0xFFFFE000  }
0x48: {  	[spmem:s16] =	stream.linear.scatter [tilespmem:s26], [sflag:$0xA], $0x800, $0x38;
	[tilespmem:$0x1A800] =	vst v63  }
0x49: {  	_ =	swait.ge [sflag:s25], $0x800  }
0x4a: {  	[sflag:s25] =	ssyncset.done $0x0  }
0x4b: {  	s21 =	rddreg [dreg:$0xd];
	[sflag:s25] =	ssyncadd.s32 $0xFFFFF800  }
0x4c: {  	[spmem:s21] =	stream.linear.scatter [tilespmem:s24], [sflag:$0xA], $0x2000, $0x38;
	[tilespmem:$0x1A800] =	vst v63  }
0x4d: {  	_ =	swait.ge [sflag:s25], $0x2000  }
0x4e: {  	[sflag:s25] =	ssyncset.done $0x0  }
0x4f: {  	s22 =	rddreg [dreg:$0xe];
	[sflag:s25] =	ssyncadd.s32 $0xFFFFE000  }
0x50: {  	[spmem:s22] =	stream.linear.scatter [tilespmem:s26], [sflag:$0xA], $0x800, $0x38;
	[tilespmem:$0x1A800] =	vst v63  }
0x51: {  	_ =	swait.ge [sflag:s25], $0x800  }
0x52: {  	[sflag:s25] =	ssyncset.done $0x0  }
0x53: {  	[sflag:s25] =	ssyncadd.s32 $0xFFFFF800  }
0x54: {  	[bflag:$0x0] =	sbarrier.arrive $0xFFFF  }
0x55: {  	s23 =	rddreg [dreg:$0xf]  }
0x56: {  	[tilespmem:s5], [sflag:$0xA] =	stream.linear.gather [hbm4b:s23+s5], $0x2800, $0x38;
	[tilespmem:$0x1A800] =	vst v63  }
0x57: {  	_ =	swait.ge [sflag:s25], $0x2800  }
0x58: {  	[sflag:s25] =	ssyncset.done $0x0  }
0x59: {  	s13 =	rddreg [dreg:$0x10];
	[sflag:s25] =	ssyncadd.s32 $0xFFFFD800  }
0x5a: {  	[tilespmem:s29], [sflag:$0xA] =	stream.linear.gather [hbm4b:s13+s5], $0x2800, $0x38;
	[tilespmem:$0x1A800] =	vst v63  }
0x5b: {  	_ =	swait.ge [sflag:s25], $0x2800  }
0x5c: {  	[sflag:s25] =	ssyncset.done $0x0  }
0x5d: {  	[sflag:s25] =	ssyncadd.s32 $0xFFFFD800  }
0x5e: {  	[tilespmem:s24], [sflag:$0x1] =	stream.indirect.gather [hbm4b:s6+s30], $0x40, s5, s30, $0xb8;
	[tilespmem:$0x1A800] =	vst v63  }
0x5f: {  	_ = 	snop  }
0x60: {  	[tilespmem:s31], [sflag:$0x2] =	stream.indirect.gather [hbm4b:s6+s30], $0x40, s30, s30, $0xb8;
	[tilespmem:$0x1A800] =	vst v63  }
0x61: {  	s16 =	simm.s32 $0x100  }
0x62: {  	[tilespmem:s1], [sflag:$0x3] =	stream.indirect.gather [hbm4b:s6+s30], $0x40, s16, s30, $0xb8;
	[tilespmem:$0x1A800] =	vst v63  }
0x63: {  	s21 =	simm.s32 $0x180  }
0x64: {  	[tilespmem:s2], [sflag:$0x4] =	stream.indirect.gather [hbm4b:s6+s30], $0x40, s21, s30, $0xb8;
	[tilespmem:$0x1A800] =	vst v63  }
0x65: {  	_ =	swait.ge [sflag:s18], $0x2000  }
0x66: {  	[sflag:s18] =	ssyncset.done $0x0  }
0x67: {  	[sflag:s18] =	ssyncadd.s32 $0xFFFFE000  }
0x68: {  	[spmem:s3] =	stream.indirect.scatter.add.f32 [tilespmem:s24], [sflag:$0x5], $0x40, s29, s30, $0xb8;
	[tilespmem:$0x1A800] =	vst v63  }
0x69: {  	_ = 	snop  }
0x6a: {  	[spmem:s4] =	stream.indirect.scatter.add.f32 [tilespmem:s28], [sflag:$0x9], $0x10, s29, s30, $0xb8;
	[tilespmem:$0x1A800] =	vst v63  }
0x6b: {  	_ =	swait.ge [sflag:s0], $0x2000  }
0x6c: {  	[sflag:s0] =	ssyncset.done $0x0  }
0x6d: {  	s22 =	simm.s32 $0x200;
	[sflag:s0] =	ssyncadd.s32 $0xFFFFE000  }
0x6e: {  	[tilespmem:s24], [sflag:$0x1] =	stream.indirect.gather [hbm4b:s6+s30], $0x40, s22, s30, $0xb8;
	[tilespmem:$0x1A800] =	vst v63  }
0x6f: {  	_ =	swait.ge [sflag:s7], $0x2000  }
0x70: {  	[sflag:s7] =	ssyncset.done $0x0  }
0x71: {  	s23 =	simm.s32 $0x2880;
	[sflag:s7] =	ssyncadd.s32 $0xFFFFE000  }
0x72: {  	[spmem:s3] =	stream.indirect.scatter.add.f32 [tilespmem:s31], [sflag:$0x6], $0x40, s23, s30, $0xb8;
	[tilespmem:$0x1A800] =	vst v63  }
0x73: {  	_ = 	snop  }
0x74: {  	[spmem:s4] =	stream.indirect.scatter.add.f32 [tilespmem:s28], [sflag:$0x9], $0x10, s23, s30, $0xb8;
	[tilespmem:$0x1A800] =	vst v63  }
0x75: {  	_ =	swait.ge [sflag:s11], $0x2000  }
0x76: {  	[sflag:s11] =	ssyncset.done $0x0  }
0x77: {  	s13 =	simm.s32 $0x280;
	[sflag:s11] =	ssyncadd.s32 $0xFFFFE000  }
0x78: {  	[tilespmem:s31], [sflag:$0x2] =	stream.indirect.gather [hbm4b:s6+s30], $0x40, s13, s30, $0xb8;
	[tilespmem:$0x1A800] =	vst v63  }
0x79: {  	_ =	swait.ge [sflag:s12], $0x2000  }
0x7a: {  	[sflag:s12] =	ssyncset.done $0x0  }
0x7b: {  	s16 =	simm.s32 $0x2900;
	[sflag:s12] =	ssyncadd.s32 $0xFFFFE000  }
0x7c: {  	[spmem:s3] =	stream.indirect.scatter.add.f32 [tilespmem:s1], [sflag:$0x7], $0x40, s16, s30, $0xb8;
	[tilespmem:$0x1A800] =	vst v63  }
0x7d: {  	_ = 	snop  }
0x7e: {  	[spmem:s4] =	stream.indirect.scatter.add.f32 [tilespmem:s28], [sflag:$0x9], $0x10, s16, s30, $0xb8;
	[tilespmem:$0x1A800] =	vst v63  }
0x7f: {  	_ =	swait.ge [sflag:s14], $0x2000  }
0x80: {  	[sflag:s14] =	ssyncset.done $0x0  }
0x81: {  	s21 =	simm.s32 $0x300;
	[sflag:s14] =	ssyncadd.s32 $0xFFFFE000  }
0x82: {  	[tilespmem:s1], [sflag:$0x3] =	stream.indirect.gather [hbm4b:s6+s30], $0x40, s21, s30, $0xb8;
	[tilespmem:$0x1A800] =	vst v63  }
0x83: {  	_ =	swait.ge [sflag:s15], $0x2000  }
0x84: {  	[sflag:s15] =	ssyncset.done $0x0  }
0x85: {  	s22 =	simm.s32 $0x2980;
	[sflag:s15] =	ssyncadd.s32 $0xFFFFE000  }
0x86: {  	[spmem:s3] =	stream.indirect.scatter.add.f32 [tilespmem:s2], [sflag:$0x8], $0x40, s22, s30, $0xb8;
	[tilespmem:$0x1A800] =	vst v63  }
0x87: {  	_ = 	snop  }
0x88: {  	[spmem:s4] =	stream.indirect.scatter.add.f32 [tilespmem:s28], [sflag:$0x9], $0x10, s22, s30, $0xb8;
	[tilespmem:$0x1A800] =	vst v63  }
0x89: {  	_ =	swait.ge [sflag:s17], $0x2000  }
0x8a: {  	[sflag:s17] =	ssyncset.done $0x0  }
0x8b: {  	s23 =	simm.s32 $0x380;
	[sflag:s17] =	ssyncadd.s32 $0xFFFFE000  }
0x8c: {  	[tilespmem:s2], [sflag:$0x4] =	stream.indirect.gather [hbm4b:s6+s30], $0x40, s23, s30, $0xb8;
	[tilespmem:$0x1A800] =	vst v63  }
0x8d: {  	_ =	swait.ge [sflag:s18], $0x2000  }
0x8e: {  	[sflag:s18] =	ssyncset.done $0x0  }
0x8f: {  	p0 =	por $0x0, $0x0;
	s8 =	simm.s32 $0x2A00;
	[sflag:s18] =	ssyncadd.s32 $0xFFFFE000  }
0x90: {  	[spmem:s3] =	stream.indirect.scatter.add.f32 [tilespmem:s24], [sflag:$0x5], $0x40, s8, s30, $0xb8;
	[tilespmem:$0x1A800] =	vst v63  }
0x91: {  	s21 =	simm.s32 @!p0 $0x80;
	s22 =	simm.s32 @!p0 $0xD000  }
0x92: {  	[spmem:s4] =	stream.indirect.scatter.add.f32 @!p0 [tilespmem:s22], [sflag:$0x9], $0x10, s8, s21, $0xb8;
	[tilespmem:$0x1A800] =	vst v63  }
0x93: {  	_ =	swait.ge [sflag:s0], $0x2000  }
0x94: {  	[sflag:s0] =	ssyncset.done $0x0  }
0x95: {  	s13 =	simm.s32 $0x400;
	[sflag:s0] =	ssyncadd.s32 $0xFFFFE000  }
0x96: {  	[tilespmem:s24], [sflag:$0x1] =	stream.indirect.gather [hbm4b:s6+s30], $0x40, s13, s30, $0xb8;
	[tilespmem:$0x1A800] =	vst v63  }
0x97: {  	_ =	swait.ge [sflag:s7], $0x2000  }
0x98: {  	[sflag:s7] =	ssyncset.done $0x0  }
0x99: {  	s8 =	simm.s32 $0x2A80;
	[sflag:s7] =	ssyncadd.s32 $0xFFFFE000  }
0x9a: {  	[spmem:s3] =	stream.indirect.scatter.add.f32 [tilespmem:s31], [sflag:$0x6], $0x40, s8, s30, $0xb8;
	[tilespmem:$0x1A800] =	vst v63  }
0x9b: {  	_ = 	snop  }
0x9c: {  	[spmem:s4] =	stream.indirect.scatter.add.f32 @!p0 [tilespmem:s22], [sflag:$0x9], $0x10, s8, s21, $0xb8;
	[tilespmem:$0x1A800] =	vst v63  }
0x9d: {  	_ =	swait.ge [sflag:s11], $0x2000  }
0x9e: {  	[sflag:s11] =	ssyncset.done $0x0  }
0x9f: {  	s16 =	simm.s32 $0x480;
	[sflag:s11] =	ssyncadd.s32 $0xFFFFE000  }
0xa0: {  	[tilespmem:s31], [sflag:$0x2] =	stream.indirect.gather [hbm4b:s6+s30], $0x40, s16, s30, $0xb8;
	[tilespmem:$0x1A800] =	vst v63  }
0xa1: {  	_ =	swait.ge [sflag:s12], $0x2000  }
0xa2: {  	[sflag:s12] =	ssyncset.done $0x0  }
0xa3: {  	s8 =	simm.s32 $0x2B00;
	[sflag:s12] =	ssyncadd.s32 $0xFFFFE000  }
0xa4: {  	[spmem:s3] =	stream.indirect.scatter.add.f32 [tilespmem:s1], [sflag:$0x7], $0x40, s8, s30, $0xb8;
	[tilespmem:$0x1A800] =	vst v63  }
0xa5: {  	_ = 	snop  }
0xa6: {  	[spmem:s4] =	stream.indirect.scatter.add.f32 @!p0 [tilespmem:s22], [sflag:$0x9], $0x10, s8, s21, $0xb8;
	[tilespmem:$0x1A800] =	vst v63  }
0xa7: {  	_ =	swait.ge [sflag:s14], $0x2000  }
0xa8: {  	[sflag:s14] =	ssyncset.done $0x0  }
0xa9: {  	s23 =	simm.s32 $0x500;
	[sflag:s14] =	ssyncadd.s32 $0xFFFFE000  }
0xaa: {  	[tilespmem:s1], [sflag:$0x3] =	stream.indirect.gather [hbm4b:s6+s30], $0x40, s23, s30, $0xb8;
	[tilespmem:$0x1A800] =	vst v63  }
0xab: {  	_ =	swait.ge [sflag:s15], $0x2000  }
0xac: {  	s13 =	simm.s32 $0x2B80;
	[sflag:s15] =	ssyncset.done $0x0  }
0xad: {  	s8 =	simm.s32 $0x2;
	s23 =	simm.s32 $0x800;
	[sflag:s15] =	ssyncadd.s32 $0xFFFFE000  }
0xae: {  	[spmem:s3] =	stream.indirect.scatter.add.f32 [tilespmem:s2], [sflag:$0x8], $0x40, s13, s30, $0xb8;
	[tilespmem:$0x1A800] =	vst v63  }
.LBB2_2:
0xaf: {  	[spmem:s4] =	stream.indirect.scatter.add.f32 @!p0 [tilespmem:s22], [sflag:$0x9], $0x10, s13, s21, $0xb8;
	[tilespmem:$0x1A800] =	vst v63  }
0xb0: {  	s13 =	smov.u32 s23;
	s23 =	sadd.s32 $0x800, s23;
	_ =	swait.ge [sflag:s17], $0x2000  }
0xb1: {  	s13 =	sshra.s32 s13, $0x2;
	p1 =	sne.s32 s23, $0x9000;
	[sflag:s17] =	ssyncset.done $0x0  }
0xb2: {  	s21 =	sadd.s32 $0x380, s13;
	[sflag:s17] =	ssyncadd.s32 $0xFFFFE000  }
0xb3: {  	[tilespmem:s2], [sflag:$0x4] =	stream.indirect.gather [hbm4b:s6+s30], $0x40, s21, s30, $0xb8;
	[tilespmem:$0x1A800] =	vst v63  }
0xb4: {  	_ =	swait.ge [sflag:s18], $0x2000  }
0xb5: {  	[sflag:s18] =	ssyncset.done $0x0  }
0xb6: {  	p0 =	sgt.u32 s8, $0x9;
	s16 =	sadd.s32 $0x2A00, s13;
	[sflag:s18] =	ssyncadd.s32 $0xFFFFE000  }
0xb7: {  	[spmem:s3] =	stream.indirect.scatter.add.f32 [tilespmem:s24], [sflag:$0x5], $0x40, s16, s30, $0xb8;
	[tilespmem:$0x1A800] =	vst v63  }
0xb8: {  	s22 =	simm.s32 @!p0 $0xD000;
	s21 =	simm.s32 @!p0 $0x80  }
0xb9: {  	[spmem:s4] =	stream.indirect.scatter.add.f32 @!p0 [tilespmem:s22], [sflag:$0x9], $0x10, s16, s21, $0xb8;
	[tilespmem:$0x1A800] =	vst v63  }
0xba: {  	_ =	swait.ge [sflag:s0], $0x2000  }
0xbb: {  	[sflag:s0] =	ssyncset.done $0x0  }
0xbc: {  	s16 =	sadd.s32 $0x400, s13;
	[sflag:s0] =	ssyncadd.s32 $0xFFFFE000  }
0xbd: {  	[tilespmem:s24], [sflag:$0x1] =	stream.indirect.gather [hbm4b:s6+s30], $0x40, s16, s30, $0xb8;
	[tilespmem:$0x1A800] =	vst v63  }
0xbe: {  	_ =	swait.ge [sflag:s7], $0x2000  }
0xbf: {  	[sflag:s7] =	ssyncset.done $0x0  }
0xc0: {  	s16 =	sadd.s32 $0x2A80, s13;
	[sflag:s7] =	ssyncadd.s32 $0xFFFFE000  }
0xc1: {  	[spmem:s3] =	stream.indirect.scatter.add.f32 [tilespmem:s31], [sflag:$0x6], $0x40, s16, s30, $0xb8;
	[tilespmem:$0x1A800] =	vst v63  }
0xc2: {  	_ = 	snop  }
0xc3: {  	[spmem:s4] =	stream.indirect.scatter.add.f32 @!p0 [tilespmem:s22], [sflag:$0x9], $0x10, s16, s21, $0xb8;
	[tilespmem:$0x1A800] =	vst v63  }
0xc4: {  	_ =	swait.ge [sflag:s11], $0x2000  }
0xc5: {  	[sflag:s11] =	ssyncset.done $0x0  }
0xc6: {  	s16 =	sadd.s32 $0x480, s13;
	[sflag:s11] =	ssyncadd.s32 $0xFFFFE000  }
0xc7: {  	[tilespmem:s31], [sflag:$0x2] =	stream.indirect.gather [hbm4b:s6+s30], $0x40, s16, s30, $0xb8;
	[tilespmem:$0x1A800] =	vst v63  }
0xc8: {  	_ =	swait.ge [sflag:s12], $0x2000  }
0xc9: {  	[sflag:s12] =	ssyncset.done $0x0  }
0xca: {  	s16 =	sadd.s32 $0x2B00, s13;
	[sflag:s12] =	ssyncadd.s32 $0xFFFFE000  }
0xcb: {  	[spmem:s3] =	stream.indirect.scatter.add.f32 [tilespmem:s1], [sflag:$0x7], $0x40, s16, s30, $0xb8;
	[tilespmem:$0x1A800] =	vst v63  }
0xcc: {  	_ = 	snop  }
0xcd: {  	[spmem:s4] =	stream.indirect.scatter.add.f32 @!p0 [tilespmem:s22], [sflag:$0x9], $0x10, s16, s21, $0xb8;
	[tilespmem:$0x1A800] =	vst v63  }
0xce: {  	_ =	swait.ge [sflag:s14], $0x2000  }
0xcf: {  	[sflag:s14] =	ssyncset.done $0x0  }
0xd0: {  	s16 =	sadd.s32 $0x500, s13;
	[sflag:s14] =	ssyncadd.s32 $0xFFFFE000  }
0xd1: {  	[tilespmem:s1], [sflag:$0x3] =	stream.indirect.gather [hbm4b:s6+s30], $0x40, s16, s30, $0xb8;
	[tilespmem:$0x1A800] =	vst v63  }
.Ltmp0:
0xd2: {  	_ =	swait.ge [sflag:s15], $0x2000;
	(pc) =	sbr.rel @p1 .LBB2_2-.Ltmp0, $4  }
0xd3: {  	[sflag:s15] =	ssyncset.done $0x0  }
0xd4: {  	s13 =	sadd.s32 $0x2B80, s13;
	[sflag:s15] =	ssyncadd.s32 $0xFFFFE000  }
0xd5: {  	[spmem:s3] =	stream.indirect.scatter.add.f32 [tilespmem:s2], [sflag:$0x8], $0x40, s13, s30, $0xb8;
	[tilespmem:$0x1A800] =	vst v63  }
0xd6: {  	s8 =	sadd.s32 $0x1, s8  }
0xd7: {  	[spmem:s4] =	stream.indirect.scatter.add.f32 @!p0 [tilespmem:s22], [sflag:$0x9], $0x10, s13, s21, $0xb8;
	[tilespmem:$0x1A800] =	vst v63  }
0xd8: {  	_ =	swait.ge [sflag:s17], $0x2000  }
0xd9: {  	[sflag:s17] =	ssyncset.done $0x0  }
0xda: {  	s8 =	simm.s32 $0x2780;
	[sflag:s17] =	ssyncadd.s32 $0xFFFFE000  }
0xdb: {  	[tilespmem:s2], [sflag:$0x4] =	stream.indirect.gather [hbm4b:s6+s30], $0x40, s8, s30, $0xb8;
	[tilespmem:$0x1A800] =	vst v63  }
0xdc: {  	_ =	swait.ge [sflag:s18], $0x2000  }
0xdd: {  	[sflag:s18] =	ssyncset.done $0x0  }
0xde: {  	s23 =	simm.s32 $0x4E00;
	[sflag:s18] =	ssyncadd.s32 $0xFFFFE000  }
0xdf: {  	[spmem:s3] =	stream.indirect.scatter.add.f32 [tilespmem:s24], [sflag:$0x5], $0x40, s23, s30, $0xb8;
	[tilespmem:$0x1A800] =	vst v63  }
0xe0: {  	_ =	swait.ge [sflag:s7], $0x2000  }
0xe1: {  	[sflag:s7] =	ssyncset.done $0x0  }
0xe2: {  	s13 =	simm.s32 $0x4E80;
	[sflag:s7] =	ssyncadd.s32 $0xFFFFE000  }
0xe3: {  	[spmem:s3] =	stream.indirect.scatter.add.f32 [tilespmem:s31], [sflag:$0x6], $0x40, s13, s30, $0xb8;
	[tilespmem:$0x1A800] =	vst v63  }
0xe4: {  	_ =	swait.ge [sflag:s12], $0x2000  }
0xe5: {  	[sflag:s12] =	ssyncset.done $0x0  }
0xe6: {  	s16 =	simm.s32 $0x4F00;
	[sflag:s12] =	ssyncadd.s32 $0xFFFFE000  }
0xe7: {  	[spmem:s3] =	stream.indirect.scatter.add.f32 [tilespmem:s1], [sflag:$0x7], $0x40, s16, s30, $0xb8;
	[tilespmem:$0x1A800] =	vst v63  }
0xe8: {  	_ =	swait.ge [sflag:s15], $0x2000  }
0xe9: {  	[sflag:s15] =	ssyncset.done $0x0  }
0xea: {  	s21 =	simm.s32 $0x4F80;
	[sflag:s15] =	ssyncadd.s32 $0xFFFFE000  }
0xeb: {  	[spmem:s3] =	stream.indirect.scatter.add.f32 [tilespmem:s2], [sflag:$0x8], $0x40, s21, s30, $0xb8;
	[tilespmem:$0x1A800] =	vst v63  }
0xec: {  	_ =	swait.ge [sflag:s0], $0x2000  }
0xed: {  	[sflag:s0] =	ssyncset.done $0x0  }
0xee: {  	[sflag:s0] =	ssyncadd.s32 $0xFFFFE000  }
0xef: {  	_ =	swait.ge [sflag:s11], $0x2000  }
0xf0: {  	[sflag:s11] =	ssyncset.done $0x0  }
0xf1: {  	[sflag:s11] =	ssyncadd.s32 $0xFFFFE000  }
0xf2: {  	_ =	swait.ge [sflag:s14], $0x2000  }
0xf3: {  	[sflag:s14] =	ssyncset.done $0x0  }
0xf4: {  	[sflag:s14] =	ssyncadd.s32 $0xFFFFE000  }
0xf5: {  	_ =	swait.ge [sflag:s17], $0x2000  }
0xf6: {  	[sflag:s17] =	ssyncset.done $0x0  }
0xf7: {  	[sflag:s17] =	ssyncadd.s32 $0xFFFFE000  }
0xf8: {  	_ =	swait.ge [sflag:s19], $0x800  }
0xf9: {  	[sflag:s19] =	ssyncset.done $0x0  }
0xfa: {  	[sflag:s19] =	ssyncadd.s32 $0xFFFFF800  }
0xfb: {  	_ =	swait.ge [sflag:s19], $0x800  }
0xfc: {  	[sflag:s19] =	ssyncset.done $0x0  }
0xfd: {  	[sflag:s19] =	ssyncadd.s32 $0xFFFFF800  }
0xfe: {  	_ =	swait.ge [sflag:s19], $0x800  }
0xff: {  	[sflag:s19] =	ssyncset.done $0x0  }
0x100: {  	[sflag:s19] =	ssyncadd.s32 $0xFFFFF800  }
0x101: {  	_ =	swait.ge [sflag:s19], $0x800  }
0x102: {  	[sflag:s19] =	ssyncset.done $0x0  }
0x103: {  	[sflag:s19] =	ssyncadd.s32 $0xFFFFF800  }
0x104: {  	_ =	swait.ge [sflag:s19], $0x800  }
0x105: {  	[sflag:s19] =	ssyncset.done $0x0  }
0x106: {  	[sflag:s19] =	ssyncadd.s32 $0xFFFFF800  }
0x107: {  	_ =	swait.ge [sflag:s19], $0x800  }
0x108: {  	[sflag:s19] =	ssyncset.done $0x0  }
0x109: {  	[sflag:s19] =	ssyncadd.s32 $0xFFFFF800  }
0x10a: {  	_ =	swait.ge [sflag:s19], $0x800  }
0x10b: {  	[sflag:s19] =	ssyncset.done $0x0  }
0x10c: {  	[sflag:s19] =	ssyncadd.s32 $0xFFFFF800  }
0x10d: {  	_ =	swait.ge [sflag:s19], $0x800  }
0x10e: {  	[sflag:s19] =	ssyncset.done $0x0  }
0x10f: {  	[sflag:s19] =	ssyncadd.s32 $0xFFFFF800  }
0x110: {  	_ =	swait.ge [sflag:s19], $0x800  }
0x111: {  	[sflag:s19] =	ssyncset.done $0x0  }
0x112: {  	[sflag:s19] =	ssyncadd.s32 $0xFFFFF800  }
0x113: {  	_ =	swait.ge [sflag:s19], $0x800  }
0x114: {  	[sflag:s19] =	ssyncset.done $0x0  }
0x115: {  	[sflag:s19] =	ssyncadd.s32 $0xFFFFF800  }
0x116: {  	_ =	swait.ge [sflag:s19], $0x800  }
0x117: {  	[sflag:s19] =	ssyncset.done $0x0  }
0x118: {  	[sflag:s19] =	ssyncadd.s32 $0xFFFFF800  }
0x119: {  	_ =	swait.ge [sflag:s19], $0x800  }
0x11a: {  	[sflag:s19] =	ssyncset.done $0x0  }
0x11b: {  	[sflag:s19] =	ssyncadd.s32 $0xFFFFF800  }
0x11c: {  	_ =	swait.ge [sflag:s19], $0x800  }
0x11d: {  	[sflag:s19] =	ssyncset.done $0x0  }
0x11e: {  	[sflag:s19] =	ssyncadd.s32 $0xFFFFF800  }
0x11f: {  	_ =	swait.ge [sflag:s19], $0x800  }
0x120: {  	[sflag:s19] =	ssyncset.done $0x0  }
0x121: {  	[sflag:s19] =	ssyncadd.s32 $0xFFFFF800  }
0x122: {  	_ =	swait.ge [sflag:s19], $0x800  }
0x123: {  	[sflag:s19] =	ssyncset.done $0x0  }
0x124: {  	[sflag:s19] =	ssyncadd.s32 $0xFFFFF800  }
0x125: {  	_ =	swait.ge [sflag:s19], $0x800  }
0x126: {  	[sflag:s19] =	ssyncset.done $0x0  }
0x127: {  	[sflag:s19] =	ssyncadd.s32 $0xFFFFF800  }
0x128: {  	_ =	swait.ge [sflag:s19], $0x800  }
0x129: {  	[sflag:s19] =	ssyncset.done $0x0  }
0x12a: {  	[sflag:s19] =	ssyncadd.s32 $0xFFFFF800  }
0x12b: {  	_ =	swait.ge [sflag:s19], $0x800  }
0x12c: {  	[sflag:s19] =	ssyncset.done $0x0  }
0x12d: {  	[sflag:s19] =	ssyncadd.s32 $0xFFFFF800  }
0x12e: {  	_ =	swait.ge [sflag:s19], $0x800  }
0x12f: {  	[sflag:s19] =	ssyncset.done $0x0  }
0x130: {  	[sflag:s19] =	ssyncadd.s32 $0xFFFFF800  }
0x131: {  	_ =	swait.ge [sflag:s19], $0x800  }
0x132: {  	[sflag:s19] =	ssyncset.done $0x0  }
0x133: {  	[sflag:s19] =	ssyncadd.s32 $0xFFFFF800  }
0x134: {  	_ =	swait.ge [sflag:s19], $0x800  }
0x135: {  	[sflag:s19] =	ssyncset.done $0x0  }
0x136: {  	[sflag:s19] =	ssyncadd.s32 $0xFFFFF800  }
0x137: {  	_ =	swait.ge [sflag:s19], $0x800  }
0x138: {  	[sflag:s19] =	ssyncset.done $0x0  }
0x139: {  	[sflag:s19] =	ssyncadd.s32 $0xFFFFF800  }
0x13a: {  	_ =	swait.ge [sflag:s19], $0x800  }
0x13b: {  	[sflag:s19] =	ssyncset.done $0x0  }
0x13c: {  	[sflag:s19] =	ssyncadd.s32 $0xFFFFF800  }
0x13d: {  	_ =	swait.ge [sflag:s19], $0x800  }
0x13e: {  	[sflag:s19] =	ssyncset.done $0x0  }
0x13f: {  	[sflag:s19] =	ssyncadd.s32 $0xFFFFF800  }
0x140: {  	_ =	swait.ge [sflag:s19], $0x800  }
0x141: {  	[sflag:s19] =	ssyncset.done $0x0  }
0x142: {  	[sflag:s19] =	ssyncadd.s32 $0xFFFFF800  }
0x143: {  	_ =	swait.ge [sflag:s19], $0x800  }
0x144: {  	[sflag:s19] =	ssyncset.done $0x0  }
0x145: {  	[sflag:s19] =	ssyncadd.s32 $0xFFFFF800  }
0x146: {  	_ =	swait.ge [sflag:s19], $0x800  }
0x147: {  	[sflag:s19] =	ssyncset.done $0x0  }
0x148: {  	[sflag:s19] =	ssyncadd.s32 $0xFFFFF800  }
0x149: {  	_ =	swait.ge [sflag:s19], $0x800  }
0x14a: {  	[sflag:s19] =	ssyncset.done $0x0  }
0x14b: {  	[sflag:s19] =	ssyncadd.s32 $0xFFFFF800  }
0x14c: {  	_ =	swait.ge [sflag:s19], $0x800  }
0x14d: {  	[sflag:s19] =	ssyncset.done $0x0  }
0x14e: {  	[sflag:s19] =	ssyncadd.s32 $0xFFFFF800  }
0x14f: {  	_ =	swait.ge [sflag:s19], $0x800  }
0x150: {  	[sflag:s19] =	ssyncset.done $0x0  }
0x151: {  	[sflag:s19] =	ssyncadd.s32 $0xFFFFF800  }
0x152: {  	_ =	swait.ge [sflag:s19], $0x800  }
0x153: {  	[sflag:s19] =	ssyncset.done $0x0  }
0x154: {  	[sflag:s19] =	ssyncadd.s32 $0xFFFFF800  }
0x155: {  	_ =	swait.ge [sflag:s19], $0x800  }
0x156: {  	[sflag:s19] =	ssyncset.done $0x0  }
0x157: {  	[sflag:s19] =	ssyncadd.s32 $0xFFFFF800  }
0x158: {  	_ =	swait.ge [sflag:s19], $0x800  }
0x159: {  	[sflag:s19] =	ssyncset.done $0x0  }
0x15a: {  	[sflag:s19] =	ssyncadd.s32 $0xFFFFF800  }
0x15b: {  	_ =	swait.ge [sflag:s19], $0x800  }
0x15c: {  	[sflag:s19] =	ssyncset.done $0x0  }
0x15d: {  	[sflag:s19] =	ssyncadd.s32 $0xFFFFF800  }
0x15e: {  	_ =	swait.ge [sflag:s19], $0x800  }
0x15f: {  	[sflag:s19] =	ssyncset.done $0x0  }
0x160: {  	[sflag:s19] =	ssyncadd.s32 $0xFFFFF800  }
0x161: {  	_ =	swait.ge [sflag:s19], $0x800  }
0x162: {  	[sflag:s19] =	ssyncset.done $0x0  }
0x163: {  	[sflag:s19] =	ssyncadd.s32 $0xFFFFF800  }
0x164: {  	_ =	swait.ge [sflag:s19], $0x800  }
0x165: {  	[sflag:s19] =	ssyncset.done $0x0  }
0x166: {  	[sflag:s19] =	ssyncadd.s32 $0xFFFFF800  }
0x167: {  	_ =	swait.ge [sflag:s19], $0x800  }
0x168: {  	[sflag:s19] =	ssyncset.done $0x0  }
0x169: {  	[sflag:s19] =	ssyncadd.s32 $0xFFFFF800  }
0x16a: {  	_ =	swait.ge [sflag:s19], $0x800  }
0x16b: {  	[sflag:s19] =	ssyncset.done $0x0  }
0x16c: {  	[sflag:s19] =	ssyncadd.s32 $0xFFFFF800  }
0x16d: {  	_ =	swait.ge [sflag:s19], $0x800  }
0x16e: {  	[sflag:s19] =	ssyncset.done $0x0  }
0x16f: {  	s22 =	stileid.u32;
	[sflag:s19] =	ssyncadd.s32 $0xFFFFF800  }
0x170: {  	s8 =	sshll.u32 s22, $0x6;
	[bflag:$0x0] =	sbarrier.arrive $0xFFFF  }
0x171: {  	s8 =	sor.u32 $0x1C0A, s8;
	s23 =	sshrl.u32 s9, $0x3;
	s16 =	rddreg [dreg:$0x11]  }
0x172: {  	[hbm:s16], [sflag:s8] =	dma.local [spmem:s23], $0x1400  }
0x173: {  	_ =	swait.ge [sflag:s25], $0x1400  }
0x174: {  	[sflag:s25] =	ssyncset.done $0x0  }
0x175: {  	s21 =	sshrl.u32 s10, $0x3;
	s22 =	rddreg [dreg:$0x12];
	[sflag:s25] =	ssyncadd.s32 $0xFFFFEC00  }
0x176: {  	[hbm:s22], [sflag:s8] =	dma.local [spmem:s21], $0x500  }
0x177: {  	_ =	swait.ge [sflag:s25], $0x500  }
0x178: {  	s20 =	sadd.s32 $0x1, s20;
	s23 =	rddreg [dreg:$0x13]  }
0x179: {  	p0 =	sne.s32 s20, s23  }
.Ltmp1:
0x17a: {  	_ = 	snop;
	(pc) =	sbr.rel @p0 .LBB2_1-.Ltmp1, $3  }
0x17b: {  	_ =	sdelay $0x1  }
0x17c: {  	[sflag:s25] =	ssyncset.done $0x0  }
0x17d: {  	[sflag:s25] =	ssyncadd.s32 $0xFFFFFB00  }
0x17e: {  	_ =	sfence.sel $0x180000  }
0x17f: {  	[bflag:$0x0] =	sbarrier.arrive $0xFFFF  }
0x180: {  	_ =	strace $0x90000047  }
0x181: {  	s0 =	stileid.u32;
	[bflag:$0x2] =	sbarrier.arrive $0xFFFF  }
0x182: {  	p0 =	sne.s32 s0, $0x0;
	s0 =	rddreg [dreg:$0x4]  }
0x183: {  	s0 =	sadd.s32 @!p0 $0x100000, s0  }
0x184: {  	[sflag:s0] =	ssyncadd.tile.s32 @!p0 $0x1;
	_ =	shalt  }
.Lfunc_end2:
_tile_overlayer_lowered:
.L_overlay_start_2:
0x185: {  	(tag) =	ssettag $0x2  }
0x186: {  	s0 =	rddreg [dreg:$0x0];
	s2 =	stileid.u32  }
0x187: {  	s1 =	rddreg [dreg:$0x1];
	p0 =	sne.s32 s2, $0x0  }
0x188: {  	s3 =	rddreg [dreg:$0x2];
	[bflag:$0x3] =	sbarrier.arrive $0xFFFF;
	s2 =	simm.s32 @!p0 $0x1C0A  }
0x189: {  	[timem:s3], [sflag:s2] =	dma.local @!p0 [hbm:s0], s1  }
0x18a: {  	s0 =	simm.s32 @!p0 $0xA  }
0x18b: {  	_ =	swait.ge @!p0 [sflag:s0], s1  }
0x18c: {  	s1 =	ssub.s32 @!p0 $0x0, s1;
	[sflag:s0] =	ssyncset.done @!p0 $0x0  }
0x18d: {  	[sflag:s0] =	ssyncadd.s32 @!p0 s1  }
0x18e: {  	[bflag:$0x3] =	sbarrier.arrive $0xFFFF  }
0x18f: {  	_ =	shalt  }

</sc_bundles>
